<compile_context>
chip_gen: v7x
topology: tpu7x:2x2x1
jax: 0.10.2.dev20260603
libtpu: 0.0.44.dev20260713+nightly
codegen_flags: <defaults>
</compile_context>

<pallas_src>
import functools

import jax
import jax.numpy as jnp
from jax import lax
from jax.experimental import pallas as pl
from jax.experimental.pallas import tpu as pltpu
from jax.experimental.pallas import tpu_sc as plsc

B, N, E, D, H = 2, 10000, 320000, 128, 128
BN_EPS = 1e-3
INV_S = 1.0 / (1.0 + BN_EPS) ** 0.5

NC, NS = 2, 16
K = 128
NCH = 160
EPT = K * NCH
G = 8
NG = NCH // G
ZROWS = N // 5
NPAD = N + 16
APAD = N + 8


def _prep_body(x_ref, w_ref, b_ref, o_ref):
    acc = jnp.dot(x_ref[...], w_ref[...], preferred_element_type=jnp.float32,
                  precision=jax.lax.Precision.HIGHEST)
    o_ref[...] = jnp.maximum(acc * INV_S + b_ref[...], 0.0)


def _prep(x2d, w, b2d):
    R = 2000
    return pl.pallas_call(
        _prep_body,
        grid=(B * N // R,),
        in_specs=[
            pl.BlockSpec((R, D), lambda i: (i, 0)),
            pl.BlockSpec((D, H), lambda i: (0, 0)),
            pl.BlockSpec((1, H), lambda i: (0, 0)),
        ],
        out_specs=pl.BlockSpec((R, H), lambda i: (i, 0)),
        out_shape=jax.ShapeDtypeStruct((B * N, H), jnp.float32),
    )(x2d, w, b2d)


def _upd_body(x_ref, a_ref, c_ref, w1_ref, w2_ref, b_ref, o_ref):
    cnt = jnp.sum(c_ref[...][0], axis=1)[:, None]
    agg = a_ref[...] / jnp.maximum(cnt, 1.0)
    acc = jnp.dot(x_ref[...], w1_ref[...], preferred_element_type=jnp.float32,
                  precision=jax.lax.Precision.HIGHEST)
    acc += jnp.dot(agg, w2_ref[...], preferred_element_type=jnp.float32,
                   precision=jax.lax.Precision.HIGHEST)
    o_ref[...] = jnp.maximum(acc * INV_S + b_ref[...], 0.0)


def _update(x2d, acc2d, cnt3d, w1, w2, b2d):
    R = 2000
    nb = N // R
    return pl.pallas_call(
        _upd_body,
        grid=(B * N // R,),
        in_specs=[
            pl.BlockSpec((R, D), lambda i: (i, 0)),
            pl.BlockSpec((R, H), lambda i: (i, 0)),
            pl.BlockSpec((1, R, NS), lambda i: (i // nb, i % nb, 0)),
            pl.BlockSpec((D, H), lambda i: (0, 0)),
            pl.BlockSpec((H, H), lambda i: (0, 0)),
            pl.BlockSpec((1, H), lambda i: (0, 0)),
        ],
        out_specs=pl.BlockSpec((R, H), lambda i: (i, 0)),
        out_shape=jax.ShapeDtypeStruct((B * N, H), jnp.float32),
    )(x2d, acc2d, cnt3d, w1, w2, b2d)


def _sc_body(m_hbm, nbr_hbm, dst_hbm, za_hbm, zc_hbm,
             acc_out, cnt_out,
             nbr_v, dst_v, rows_v, cnt_v, acc_sh, sem0, sem1, semi):
    c = lax.axis_index("c")
    s = lax.axis_index("s")
    w = c * NS + s
    sems = (sem0, sem1)
    ones16 = jnp.full((16,), 1.0, jnp.float32)

    pltpu.sync_copy(nbr_hbm.at[w, pl.ds(0, G)], nbr_v.at[0])
    pltpu.sync_copy(dst_hbm.at[w, pl.ds(0, G)], dst_v.at[0])
    pltpu.sync_copy(zc_hbm, cnt_v)

    @pl.when(s < 5)
    def _zero():
        pltpu.sync_copy(za_hbm, acc_sh.at[pl.ds(s * ZROWS, ZROWS)])

    @pl.when(s == 5)
    def _zero_pad():
        pltpu.sync_copy(za_hbm.at[pl.ds(0, APAD - N)],
                        acc_sh.at[pl.ds(N, APAD - N)])

    plsc.subcore_barrier()

    pltpu.async_copy(m_hbm.at[nbr_v.at[0, 0]], rows_v.at[0], sem0)

    def _group(g, rg):
        nxt = 1 - rg

        @pl.when(g + 1 < NG)
        def _pref_idx():
            pltpu.async_copy(nbr_hbm.at[w, pl.ds((g + 1) * G, G)],
                             nbr_v.at[nxt], semi)
            pltpu.async_copy(dst_hbm.at[w, pl.ds((g + 1) * G, G)],
                             dst_v.at[nxt], semi)

        for r in range(G):
            buf = r & 1
            nbuf = 1 - buf
            if r < G - 1:
                pltpu.async_copy(m_hbm.at[nbr_v.at[rg, r + 1]],
                                 rows_v.at[nbuf], sems[nbuf])
            else:
                @pl.when(g + 1 < NG)
                def _pref_rows():
                    pltpu.make_async_copy(nbr_hbm.at[w, pl.ds((g + 1) * G, G)],
                                          nbr_v.at[nxt], semi).wait()
                    pltpu.make_async_copy(dst_hbm.at[w, pl.ds((g + 1) * G, G)],
                                          dst_v.at[nxt], semi).wait()
                    pltpu.async_copy(m_hbm.at[nbr_v.at[nxt, 0]],
                                     rows_v.at[nbuf], sems[nbuf])
            for o in range(K // 16):
                idx16 = dst_v[rg, r, pl.ds(o * 16, 16)]
                plsc.addupdate_scatter(cnt_v, [idx16], ones16)
            pltpu.make_async_copy(m_hbm.at[nbr_v.at[rg, r]],
                                  rows_v.at[buf], sems[buf]).wait()
            pltpu.sync_copy(rows_v.at[buf], acc_sh.at[dst_v.at[rg, r]],
                            add=True)

    def step(i, carry):
        _group(2 * i, 0)
        _group(2 * i + 1, 1)
        return carry

    lax.fori_loop(0, NG // 2, step, 0)

    plsc.subcore_barrier()

    @pl.when(s < 5)
    def _export():
        pltpu.sync_copy(acc_sh.at[pl.ds(s * ZROWS, ZROWS)],
                        acc_out.at[pl.ds(c * N + s * ZROWS, ZROWS)])

    pltpu.sync_copy(cnt_v, cnt_out.at[w])


@functools.partial(
    pl.kernel,
    mesh=plsc.VectorSubcoreMesh(core_axis_name="c", subcore_axis_name="s"),
    compiler_params=pltpu.CompilerParams(needs_layout_passes=False),
    out_type=[
        jax.ShapeDtypeStruct((B * N, H), jnp.float32),
        jax.ShapeDtypeStruct((B * NS, NPAD), jnp.float32),
    ],
    scratch_types=[
        pltpu.VMEM((2, G, K), jnp.int32),
        pltpu.VMEM((2, G, K), jnp.int32),
        pltpu.VMEM((2, K, H), jnp.float32),
        pltpu.VMEM((NPAD,), jnp.float32),
        pltpu.VMEM_SHARED((APAD, H), jnp.float32),
        pltpu.SemaphoreType.DMA,
        pltpu.SemaphoreType.DMA,
        pltpu.SemaphoreType.DMA,
    ],
)
def _sc_edges(m_hbm, nbr_hbm, dst_hbm, za_hbm, zc_hbm,
              acc_out, cnt_out, *scratch):
    _sc_body(m_hbm, nbr_hbm, dst_hbm, za_hbm, zc_hbm,
             acc_out, cnt_out, *scratch)


def kernel(node_repesentations, node_indices, neighbour_indices,
           W_prep, b_prep, W_upd, b_upd):
    x2d = node_repesentations.reshape(B * N, D)

    pad = EPT - E // NS
    boff = (jnp.arange(B, dtype=jnp.int32) * N)[:, None]
    nbr = jnp.pad((neighbour_indices + boff).reshape(B * NS, E // NS),
                  ((0, 0), (0, pad)), constant_values=0)
    dst = jnp.pad(node_indices.reshape(B * NS, E // NS),
                  ((0, 0), (0, pad)), constant_values=N)
    nbr = nbr.reshape(B * NS, NCH, K)
    dst = dst.reshape(B * NS, NCH, K)

    za = jnp.zeros((ZROWS, H), jnp.float32)
    zc = jnp.zeros((NPAD,), jnp.float32)

    msgs = _prep(x2d, W_prep, b_prep.reshape(1, H))
    acc2d, cnt = _sc_edges(msgs, nbr, dst, za, zc)

    cnt_t = cnt.reshape(B, NS, NPAD).transpose(0, 2, 1)
    out2d = _update(x2d, acc2d, cnt_t,
                    W_upd[:D], W_upd[D:], b_upd.reshape(1, H))
    return out2d.reshape(B, N, H)

# --- scband reference (transcript-rebuilt; emitter-appended) ---
"""Pipeline reference for scband-graph-conv-layer-71047349010846 (READ-ONLY COPY).

The authoritative reference and input builder live on the scoring server;
editing this copy changes nothing except your own understanding.
"""

import jax, jax.numpy as jnp
import numpy as np

B, N, E, D, H = 2, 10000, 320000, 128, 128
BN_EPS = 1e-3  # keras BatchNormalization default epsilon, inference mode: x / sqrt(1 + eps)


def setup_inputs(seed: int = 0) -> dict:
    key = jax.random.key(seed)
    k1, k2, k3, k4, k5 = jax.random.split(key, 5)
    node_repesentations = jax.random.normal(k1, (B, N, D), dtype=jnp.float32)
    node_indices = jax.random.randint(k2, (B, E), 0, N, dtype=jnp.int32)
    neighbour_indices = jax.random.randint(k3, (B, E), 0, N, dtype=jnp.int32)
    # learned params: ffn_prepare = [BN, Dropout, Dense(128, relu)]; update_fn = [BN, Dropout, Dense(128, relu)] on concat (D+H)
    W_prep = jax.random.normal(k4, (D, H), dtype=jnp.float32) * 0.05
    b_prep = jnp.zeros((H,), dtype=jnp.float32)
    W_upd = jax.random.normal(k5, (D + H, H), dtype=jnp.float32) * 0.05
    b_upd = jnp.zeros((H,), dtype=jnp.float32)
    return {
        "node_repesentations": node_repesentations,
        "node_indices": node_indices,
        "neighbour_indices": neighbour_indices,
        "W_prep": W_prep,
        "b_prep": b_prep,
        "W_upd": W_upd,
        "b_upd": b_upd,
    }


def _bn(x):
    # inference BatchNorm with default moving stats (mean=0, var=1), gamma=1, beta=0
    return x / jnp.sqrt(1.0 + BN_EPS)


def reference(node_repesentations, node_indices, neighbour_indices, W_prep, b_prep, W_upd, b_upd):
    b, n, d = node_repesentations.shape
    e = node_indices.shape[1]
    h = W_prep.shape[1]
    # tf.gather(node_repesentations, neighbour_indices, axis=1, batch_dims=1)
    neighbour_repesentations = jnp.take_along_axis(
        node_repesentations, neighbour_indices[..., None], axis=1
    )  # [B, E, D]
    # prepare: ffn_prepare (BN -> Dropout(off) -> Dense relu)
    messages = jax.nn.relu(_bn(neighbour_repesentations) @ W_prep + b_prep)  # [B, E, H]
    # aggregate: per-row segment mean
    num_segments = n
    rows_idx = jnp.arange(b, dtype=node_indices.dtype)
    segment_ids = (node_indices + num_segments * rows_idx[:, None]).reshape(-1)  # [B*E]
    data = messages.reshape(b * e, h)
    sums = jax.ops.segment_sum(data, segment_ids, num_segments=num_segments * b)
    counts = jax.ops.segment_sum(jnp.ones((b * e,), dtype=jnp.float32), segment_ids, num_segments=num_segments * b)
    aggregated = sums / jnp.maximum(counts, 1.0)[:, None]  # unsorted_segment_mean (0 for empty segments)
    aggregated = aggregated.reshape(b, num_segments, h)
    # update: combination_type == 'concat'
    hcat = jnp.concatenate([node_repesentations, aggregated], axis=-1)  # [B, N, D+H]
    node_embeddings = jax.nn.relu(_bn(hcat) @ W_upd + b_upd)  # [B, N, H]
    return node_embeddings

if __name__ == "__main__":
    import jax
    _d = setup_inputs()
    print(jax.jit(kernel)(*tuple(_d.values())))

</pallas_src>

<mosaic_0001>
#map = affine_map<(d0, d1) -> (0, 0)>
#map1 = affine_map<(d0, d1) -> (0, 0, 0)>
#map2 = affine_map<(d0, d1) -> (0)>
module attributes {stable_mosaic.version = 14 : i64} {
  func.func @_sc_edges(%arg0: i32, %arg1: i32, %arg2: memref<20000x128xf32, #tpu.memory_space<hbm>>, %arg3: memref<32x160x128xi32, #tpu.memory_space<hbm>>, %arg4: memref<32x160x128xi32, #tpu.memory_space<hbm>>, %arg5: memref<2000x128xf32, #tpu.memory_space<hbm>>, %arg6: memref<10016xf32, #tpu.memory_space<hbm>>, %arg7: memref<20000x128xf32, #tpu.memory_space<hbm>>, %arg8: memref<32x10016xf32, #tpu.memory_space<hbm>>, %arg9: memref<2x8x128xi32, #tpu.memory_space<vmem>>, %arg10: memref<2x8x128xi32, #tpu.memory_space<vmem>>, %arg11: memref<2x128x128xf32, #tpu.memory_space<vmem>>, %arg12: memref<10016xf32, #tpu.memory_space<vmem>>, %arg13: memref<10008x128xf32, #tpu.memory_space<vmem_shared>>, %arg14: memref<!tpu.dma_semaphore, #tpu.memory_space<semaphore_mem>>, %arg15: memref<!tpu.dma_semaphore, #tpu.memory_space<semaphore_mem>>, %arg16: memref<!tpu.dma_semaphore, #tpu.memory_space<semaphore_mem>>) attributes {dimension_semantics = [#tpu.dimension_semantics<core_parallel>, #tpu.dimension_semantics<subcore_parallel>], iteration_bounds = array<i64: 2, 16>, scalar_prefetch = 0 : i64, scratch_operands = 8 : i64, tpu.core_type = #tpu.core_type<sc_vector_subcore>, window_params = [{transform_indices = #map}, {transform_indices = #map1}, {transform_indices = #map1}, {transform_indices = #map}, {transform_indices = #map2}, {transform_indices = #map}, {transform_indices = #map}]} {
    %mul3A = arith.constant 16 : i32
    %mul3A_0 = arith.muli %arg0, %mul3A : i32
    %add3A = arith.addi %mul3A_0, %arg1 : i32
    %broadcast_in_dim3A = arith.constant 1.000000e+00 : f32
    %broadcast_in_dim3A_1 = vector.broadcast %broadcast_in_dim3A : f32 to vector<16xf32>
    %run_scoped3A = arith.constant 0 : i32
    "tpu.region"() ({
      %run_scoped3A_32 = tpu.sem_alloc : memref<!tpu.dma_semaphore, #tpu.memory_space<semaphore_mem>>
      %dma_start3A_33 = arith.constant 0 : i32
      %dma_start3A_34 = arith.constant 0 : i32
      %dma_start3A_35 = tpu.memref_slice %arg9[%run_scoped3A, %dma_start3A_33, %dma_start3A_34] : memref<2x8x128xi32, #tpu.memory_space<vmem>> -> memref<1x8x128xi32, #tpu.memory_space<vmem>>
      %dma_start3A_36 = tpu.memref_squeeze %dma_start3A_35 : memref<1x8x128xi32, #tpu.memory_space<vmem>> -> memref<8x128xi32, #tpu.memory_space<vmem>>
      %dma_start3A_37 = arith.constant 0 : i32
      %dma_start3A_38 = arith.constant 0 : i32
      %dma_start3A_39 = tpu.memref_slice %arg3[%add3A, %dma_start3A_37, %dma_start3A_38] : memref<32x160x128xi32, #tpu.memory_space<hbm>> -> memref<1x8x128xi32, #tpu.memory_space<hbm>>
      %dma_start3A_40 = tpu.memref_squeeze %dma_start3A_39 : memref<1x8x128xi32, #tpu.memory_space<hbm>> -> memref<8x128xi32, #tpu.memory_space<hbm>>
      %dma_start3A_41 = arith.constant 0 : i32
      %dma_start3A_42 = arith.constant 0 : i32
      %dma_start3A_43 = tpu.memref_slice %arg9[%run_scoped3A, %dma_start3A_41, %dma_start3A_42] : memref<2x8x128xi32, #tpu.memory_space<vmem>> -> memref<1x8x128xi32, #tpu.memory_space<vmem>>
      %dma_start3A_44 = tpu.memref_squeeze %dma_start3A_43 : memref<1x8x128xi32, #tpu.memory_space<vmem>> -> memref<8x128xi32, #tpu.memory_space<vmem>>
      %dma_start3A_45 = arith.constant 0 : i32
      %dma_start3A_46 = arith.constant 0 : i32
      %dma_start3A_47 = tpu.memref_slice %arg3[%add3A, %dma_start3A_45, %dma_start3A_46] : memref<32x160x128xi32, #tpu.memory_space<hbm>> -> memref<1x8x128xi32, #tpu.memory_space<hbm>>
      %dma_start3A_48 = tpu.memref_squeeze %dma_start3A_47 : memref<1x8x128xi32, #tpu.memory_space<hbm>> -> memref<8x128xi32, #tpu.memory_space<hbm>>
      tpu.enqueue_dma source(%dma_start3A_48 : memref<8x128xi32, #tpu.memory_space<hbm>>) target(%dma_start3A_44 : memref<8x128xi32, #tpu.memory_space<vmem>>) target_semaphore(%run_scoped3A_32 : memref<!tpu.dma_semaphore, #tpu.memory_space<semaphore_mem>>)
      %dma_wait3A = arith.constant 0 : i32
      %dma_wait3A_49 = arith.constant 0 : i32
      %dma_wait3A_50 = tpu.memref_slice %arg9[%run_scoped3A, %dma_wait3A, %dma_wait3A_49] : memref<2x8x128xi32, #tpu.memory_space<vmem>> -> memref<1x8x128xi32, #tpu.memory_space<vmem>>
      %dma_wait3A_51 = tpu.memref_squeeze %dma_wait3A_50 : memref<1x8x128xi32, #tpu.memory_space<vmem>> -> memref<8x128xi32, #tpu.memory_space<vmem>>
      %dma_wait3A_52 = arith.constant 0 : i32
      %dma_wait3A_53 = arith.constant 0 : i32
      %dma_wait3A_54 = tpu.memref_slice %arg3[%add3A, %dma_wait3A_52, %dma_wait3A_53] : memref<32x160x128xi32, #tpu.memory_space<hbm>> -> memref<1x8x128xi32, #tpu.memory_space<hbm>>
      %dma_wait3A_55 = tpu.memref_squeeze %dma_wait3A_54 : memref<1x8x128xi32, #tpu.memory_space<hbm>> -> memref<8x128xi32, #tpu.memory_space<hbm>>
      %dma_wait3A_56 = arith.constant 0 : i32
      %dma_wait3A_57 = arith.constant 0 : i32
      %dma_wait3A_58 = tpu.memref_slice %arg9[%run_scoped3A, %dma_wait3A_56, %dma_wait3A_57] : memref<2x8x128xi32, #tpu.memory_space<vmem>> -> memref<1x8x128xi32, #tpu.memory_space<vmem>>
      %dma_wait3A_59 = tpu.memref_squeeze %dma_wait3A_58 : memref<1x8x128xi32, #tpu.memory_space<vmem>> -> memref<8x128xi32, #tpu.memory_space<vmem>>
      %dma_wait3A_60 = arith.constant 0 : i32
      %dma_wait3A_61 = arith.constant 0 : i32
      %dma_wait3A_62 = tpu.memref_slice %arg3[%add3A, %dma_wait3A_60, %dma_wait3A_61] : memref<32x160x128xi32, #tpu.memory_space<hbm>> -> memref<1x8x128xi32, #tpu.memory_space<hbm>>
      %dma_wait3A_63 = tpu.memref_squeeze %dma_wait3A_62 : memref<1x8x128xi32, #tpu.memory_space<hbm>> -> memref<8x128xi32, #tpu.memory_space<hbm>>
      tpu.wait_dma2 semaphore(%run_scoped3A_32 : memref<!tpu.dma_semaphore, #tpu.memory_space<semaphore_mem>>) src(%dma_wait3A_63 : memref<8x128xi32, #tpu.memory_space<hbm>>) dst(%dma_wait3A_59 : memref<8x128xi32, #tpu.memory_space<vmem>>)
      tpu.yield
    }) : () -> ()
    %run_scoped3A_2 = arith.constant 0 : i32
    "tpu.region"() ({
      %run_scoped3A_32 = tpu.sem_alloc : memref<!tpu.dma_semaphore, #tpu.memory_space<semaphore_mem>>
      %dma_start3A_33 = arith.constant 0 : i32
      %dma_start3A_34 = arith.constant 0 : i32
      %dma_start3A_35 = tpu.memref_slice %arg10[%run_scoped3A_2, %dma_start3A_33, %dma_start3A_34] : memref<2x8x128xi32, #tpu.memory_space<vmem>> -> memref<1x8x128xi32, #tpu.memory_space<vmem>>
      %dma_start3A_36 = tpu.memref_squeeze %dma_start3A_35 : memref<1x8x128xi32, #tpu.memory_space<vmem>> -> memref<8x128xi32, #tpu.memory_space<vmem>>
      %dma_start3A_37 = arith.constant 0 : i32
      %dma_start3A_38 = arith.constant 0 : i32
      %dma_start3A_39 = tpu.memref_slice %arg4[%add3A, %dma_start3A_37, %dma_start3A_38] : memref<32x160x128xi32, #tpu.memory_space<hbm>> -> memref<1x8x128xi32, #tpu.memory_space<hbm>>
      %dma_start3A_40 = tpu.memref_squeeze %dma_start3A_39 : memref<1x8x128xi32, #tpu.memory_space<hbm>> -> memref<8x128xi32, #tpu.memory_space<hbm>>
      %dma_start3A_41 = arith.constant 0 : i32
      %dma_start3A_42 = arith.constant 0 : i32
      %dma_start3A_43 = tpu.memref_slice %arg10[%run_scoped3A_2, %dma_start3A_41, %dma_start3A_42] : memref<2x8x128xi32, #tpu.memory_space<vmem>> -> memref<1x8x128xi32, #tpu.memory_space<vmem>>
      %dma_start3A_44 = tpu.memref_squeeze %dma_start3A_43 : memref<1x8x128xi32, #tpu.memory_space<vmem>> -> memref<8x128xi32, #tpu.memory_space<vmem>>
      %dma_start3A_45 = arith.constant 0 : i32
      %dma_start3A_46 = arith.constant 0 : i32
      %dma_start3A_47 = tpu.memref_slice %arg4[%add3A, %dma_start3A_45, %dma_start3A_46] : memref<32x160x128xi32, #tpu.memory_space<hbm>> -> memref<1x8x128xi32, #tpu.memory_space<hbm>>
      %dma_start3A_48 = tpu.memref_squeeze %dma_start3A_47 : memref<1x8x128xi32, #tpu.memory_space<hbm>> -> memref<8x128xi32, #tpu.memory_space<hbm>>
      tpu.enqueue_dma source(%dma_start3A_48 : memref<8x128xi32, #tpu.memory_space<hbm>>) target(%dma_start3A_44 : memref<8x128xi32, #tpu.memory_space<vmem>>) target_semaphore(%run_scoped3A_32 : memref<!tpu.dma_semaphore, #tpu.memory_space<semaphore_mem>>)
      %dma_wait3A = arith.constant 0 : i32
      %dma_wait3A_49 = arith.constant 0 : i32
      %dma_wait3A_50 = tpu.memref_slice %arg10[%run_scoped3A_2, %dma_wait3A, %dma_wait3A_49] : memref<2x8x128xi32, #tpu.memory_space<vmem>> -> memref<1x8x128xi32, #tpu.memory_space<vmem>>
      %dma_wait3A_51 = tpu.memref_squeeze %dma_wait3A_50 : memref<1x8x128xi32, #tpu.memory_space<vmem>> -> memref<8x128xi32, #tpu.memory_space<vmem>>
      %dma_wait3A_52 = arith.constant 0 : i32
      %dma_wait3A_53 = arith.constant 0 : i32
      %dma_wait3A_54 = tpu.memref_slice %arg4[%add3A, %dma_wait3A_52, %dma_wait3A_53] : memref<32x160x128xi32, #tpu.memory_space<hbm>> -> memref<1x8x128xi32, #tpu.memory_space<hbm>>
      %dma_wait3A_55 = tpu.memref_squeeze %dma_wait3A_54 : memref<1x8x128xi32, #tpu.memory_space<hbm>> -> memref<8x128xi32, #tpu.memory_space<hbm>>
      %dma_wait3A_56 = arith.constant 0 : i32
      %dma_wait3A_57 = arith.constant 0 : i32
      %dma_wait3A_58 = tpu.memref_slice %arg10[%run_scoped3A_2, %dma_wait3A_56, %dma_wait3A_57] : memref<2x8x128xi32, #tpu.memory_space<vmem>> -> memref<1x8x128xi32, #tpu.memory_space<vmem>>
      %dma_wait3A_59 = tpu.memref_squeeze %dma_wait3A_58 : memref<1x8x128xi32, #tpu.memory_space<vmem>> -> memref<8x128xi32, #tpu.memory_space<vmem>>
      %dma_wait3A_60 = arith.constant 0 : i32
      %dma_wait3A_61 = arith.constant 0 : i32
      %dma_wait3A_62 = tpu.memref_slice %arg4[%add3A, %dma_wait3A_60, %dma_wait3A_61] : memref<32x160x128xi32, #tpu.memory_space<hbm>> -> memref<1x8x128xi32, #tpu.memory_space<hbm>>
      %dma_wait3A_63 = tpu.memref_squeeze %dma_wait3A_62 : memref<1x8x128xi32, #tpu.memory_space<hbm>> -> memref<8x128xi32, #tpu.memory_space<hbm>>
      tpu.wait_dma2 semaphore(%run_scoped3A_32 : memref<!tpu.dma_semaphore, #tpu.memory_space<semaphore_mem>>) src(%dma_wait3A_63 : memref<8x128xi32, #tpu.memory_space<hbm>>) dst(%dma_wait3A_59 : memref<8x128xi32, #tpu.memory_space<vmem>>)
      tpu.yield
    }) : () -> ()
    "tpu.region"() ({
      %run_scoped3A_32 = tpu.sem_alloc : memref<!tpu.dma_semaphore, #tpu.memory_space<semaphore_mem>>
      tpu.enqueue_dma source(%arg6 : memref<10016xf32, #tpu.memory_space<hbm>>) target(%arg12 : memref<10016xf32, #tpu.memory_space<vmem>>) target_semaphore(%run_scoped3A_32 : memref<!tpu.dma_semaphore, #tpu.memory_space<semaphore_mem>>)
      tpu.wait_dma2 semaphore(%run_scoped3A_32 : memref<!tpu.dma_semaphore, #tpu.memory_space<semaphore_mem>>) src(%arg6 : memref<10016xf32, #tpu.memory_space<hbm>>) dst(%arg12 : memref<10016xf32, #tpu.memory_space<vmem>>)
      tpu.yield
    }) : () -> ()
    %lt3A = arith.constant 5 : i32
    %lt3A_3 = arith.cmpi slt, %arg1, %lt3A : i32
    %convert_element_type3A = arith.extui %lt3A_3 : i1 to i32
    %cond3A = arith.constant 0 : i32
    %cond3A_4 = arith.cmpi ne, %convert_element_type3A, %cond3A : i32
    scf.if %cond3A_4 {
      %mul3A_32 = arith.constant 2000 : i32
      %mul3A_33 = arith.muli %arg1, %mul3A_32 : i32
      "tpu.region"() ({
        %run_scoped3A_34 = tpu.sem_alloc : memref<!tpu.dma_semaphore, #tpu.memory_space<semaphore_mem>>
        %dma_start3A_35 = arith.constant 0 : i32
        %dma_start3A_36 = tpu.memref_slice %arg13[%mul3A_33, %dma_start3A_35] : memref<10008x128xf32, #tpu.memory_space<vmem_shared>> -> memref<2000x128xf32, #tpu.memory_space<vmem_shared>>
        tpu.enqueue_dma source(%arg5 : memref<2000x128xf32, #tpu.memory_space<hbm>>) target(%dma_start3A_36 : memref<2000x128xf32, #tpu.memory_space<vmem_shared>>) target_semaphore(%run_scoped3A_34 : memref<!tpu.dma_semaphore, #tpu.memory_space<semaphore_mem>>)
        %dma_wait3A = arith.constant 0 : i32
        %dma_wait3A_37 = tpu.memref_slice %arg13[%mul3A_33, %dma_wait3A] : memref<10008x128xf32, #tpu.memory_space<vmem_shared>> -> memref<2000x128xf32, #tpu.memory_space<vmem_shared>>
        tpu.wait_dma2 semaphore(%run_scoped3A_34 : memref<!tpu.dma_semaphore, #tpu.memory_space<semaphore_mem>>) src(%arg5 : memref<2000x128xf32, #tpu.memory_space<hbm>>) dst(%dma_wait3A_37 : memref<2000x128xf32, #tpu.memory_space<vmem_shared>>)
        tpu.yield
      }) : () -> ()
    } else {
    }
    %eq3A = arith.constant 5 : i32
    %eq3A_5 = arith.cmpi eq, %arg1, %eq3A : i32
    %convert_element_type3A_6 = arith.extui %eq3A_5 : i1 to i32
    %cond3A_7 = arith.constant 0 : i32
    %cond3A_8 = arith.cmpi ne, %convert_element_type3A_6, %cond3A_7 : i32
    scf.if %cond3A_8 {
      "tpu.region"() ({
        %run_scoped3A_32 = tpu.sem_alloc : memref<!tpu.dma_semaphore, #tpu.memory_space<semaphore_mem>>
        %dma_start3A_33 = arith.constant 10000 : i32
        %dma_start3A_34 = arith.constant 0 : i32
        %dma_start3A_35 = tpu.memref_slice %arg13[%dma_start3A_33, %dma_start3A_34] : memref<10008x128xf32, #tpu.memory_space<vmem_shared>> -> memref<8x128xf32, #tpu.memory_space<vmem_shared>>
        %dma_start3A_36 = arith.constant 0 : i32
        %dma_start3A_37 = arith.constant 0 : i32
        %dma_start3A_38 = tpu.memref_slice %arg5[%dma_start3A_36, %dma_start3A_37] : memref<2000x128xf32, #tpu.memory_space<hbm>> -> memref<8x128xf32, #tpu.memory_space<hbm>>
        tpu.enqueue_dma source(%dma_start3A_38 : memref<8x128xf32, #tpu.memory_space<hbm>>) target(%dma_start3A_35 : memref<8x128xf32, #tpu.memory_space<vmem_shared>>) target_semaphore(%run_scoped3A_32 : memref<!tpu.dma_semaphore, #tpu.memory_space<semaphore_mem>>)
        %dma_wait3A = arith.constant 10000 : i32
        %dma_wait3A_39 = arith.constant 0 : i32
        %dma_wait3A_40 = tpu.memref_slice %arg13[%dma_wait3A, %dma_wait3A_39] : memref<10008x128xf32, #tpu.memory_space<vmem_shared>> -> memref<8x128xf32, #tpu.memory_space<vmem_shared>>
        %dma_wait3A_41 = arith.constant 0 : i32
        %dma_wait3A_42 = arith.constant 0 : i32
        %dma_wait3A_43 = tpu.memref_slice %arg5[%dma_wait3A_41, %dma_wait3A_42] : memref<2000x128xf32, #tpu.memory_space<hbm>> -> memref<8x128xf32, #tpu.memory_space<hbm>>
        tpu.wait_dma2 semaphore(%run_scoped3A_32 : memref<!tpu.dma_semaphore, #tpu.memory_space<semaphore_mem>>) src(%dma_wait3A_43 : memref<8x128xf32, #tpu.memory_space<hbm>>) dst(%dma_wait3A_40 : memref<8x128xf32, #tpu.memory_space<vmem_shared>>)
        tpu.yield
      }) : () -> ()
    } else {
    }
    %barrier3A = arith.constant 0 : index
    tpu.barrier barrier_id(%barrier3A)
    %dma_start3A = arith.constant 0 : i32
    %dma_start3A_9 = arith.constant 0 : i32
    %dma_start3A_10 = arith.constant 0 : i32
    %dma_start3A_11 = arith.constant 0 : i32
    %dma_start3A_12 = arith.constant 0 : i32
    %dma_start3A_13 = tpu.memref_slice %arg11[%dma_start3A_10, %dma_start3A_11, %dma_start3A_12] : memref<2x128x128xf32, #tpu.memory_space<vmem>> -> memref<1x128x128xf32, #tpu.memory_space<vmem>>
    %dma_start3A_14 = tpu.memref_squeeze %dma_start3A_13 : memref<1x128x128xf32, #tpu.memory_space<vmem>> -> memref<128x128xf32, #tpu.memory_space<vmem>>
    %dma_start3A_15 = arith.constant 0 : i32
    %dma_start3A_16 = tpu.memref_slice %arg9[%dma_start3A, %dma_start3A_9, %dma_start3A_15] : memref<2x8x128xi32, #tpu.memory_space<vmem>> -> memref<1x1x128xi32, #tpu.memory_space<vmem>>
    %dma_start3A_17 = tpu.memref_squeeze %dma_start3A_16 : memref<1x1x128xi32, #tpu.memory_space<vmem>> -> memref<128xi32, #tpu.memory_space<vmem>>
    %dma_start3A_18 = arith.constant 0 : i32
    %dma_start3A_19 = arith.constant 0 : i32
    %dma_start3A_20 = tpu.memref_slice %arg2[%dma_start3A_18, %dma_start3A_19] : memref<20000x128xf32, #tpu.memory_space<hbm>> -> memref<20000x128xf32, #tpu.memory_space<hbm>>
    tpu.enqueue_indirect_dma source(%dma_start3A_20 : memref<20000x128xf32, #tpu.memory_space<hbm>>) target(%dma_start3A_14 : memref<128x128xf32, #tpu.memory_space<vmem>>) offsets(%dma_start3A_17 : memref<128xi32, #tpu.memory_space<vmem>>) semaphore(%arg14 : memref<!tpu.dma_semaphore, #tpu.memory_space<semaphore_mem>>)
    %scan3A = arith.constant 0 : i32
    %scan3A_21 = arith.constant 0 : i32
    %scan3A_22 = arith.constant 10 : i32
    %scan3A_23 = arith.addi %scan3A_21, %scan3A_22 : i32
    %scan3A_24 = arith.constant 1 : i32
    scf.for %scan3A_32 = %scan3A_21 to %scan3A_23 step %scan3A_24  : i32 {
      %mul3A_33 = arith.constant 2 : i32
      %mul3A_34 = arith.muli %mul3A_33, %scan3A_32 : i32
      %add3A_35 = arith.constant 1 : i32
      %add3A_36 = arith.addi %mul3A_34, %add3A_35 : i32
      %lt3A_37 = arith.constant 20 : i32
      %lt3A_38 = arith.cmpi slt, %add3A_36, %lt3A_37 : i32
      %convert_element_type3A_39 = arith.extui %lt3A_38 : i1 to i32
      %cond3A_40 = arith.constant 0 : i32
      %cond3A_41 = arith.cmpi ne, %convert_element_type3A_39, %cond3A_40 : i32
      scf.if %cond3A_41 {
        %add3A_1271 = arith.constant 1 : i32
        %add3A_1272 = arith.addi %mul3A_34, %add3A_1271 : i32
        %mul3A_1273 = arith.constant 8 : i32
        %mul3A_1274 = arith.muli %add3A_1272, %mul3A_1273 : i32
        %dma_start3A_1275 = arith.constant 1 : i32
        %dma_start3A_1276 = arith.constant 0 : i32
        %dma_start3A_1277 = arith.constant 0 : i32
        %dma_start3A_1278 = tpu.memref_slice %arg9[%dma_start3A_1275, %dma_start3A_1276, %dma_start3A_1277] : memref<2x8x128xi32, #tpu.memory_space<vmem>> -> memref<1x8x128xi32, #tpu.memory_space<vmem>>
        %dma_start3A_1279 = tpu.memref_squeeze %dma_start3A_1278 : memref<1x8x128xi32, #tpu.memory_space<vmem>> -> memref<8x128xi32, #tpu.memory_space<vmem>>
        %dma_start3A_1280 = arith.constant 0 : i32
        %dma_start3A_1281 = tpu.memref_slice %arg3[%add3A, %mul3A_1274, %dma_start3A_1280] : memref<32x160x128xi32, #tpu.memory_space<hbm>> -> memref<1x8x128xi32, #tpu.memory_space<hbm>>
        %dma_start3A_1282 = tpu.memref_squeeze %dma_start3A_1281 : memref<1x8x128xi32, #tpu.memory_space<hbm>> -> memref<8x128xi32, #tpu.memory_space<hbm>>
        %dma_start3A_1283 = arith.constant 0 : i32
        %dma_start3A_1284 = arith.constant 0 : i32
        %dma_start3A_1285 = tpu.memref_slice %arg9[%dma_start3A_1275, %dma_start3A_1283, %dma_start3A_1284] : memref<2x8x128xi32, #tpu.memory_space<vmem>> -> memref<1x8x128xi32, #tpu.memory_space<vmem>>
        %dma_start3A_1286 = tpu.memref_squeeze %dma_start3A_1285 : memref<1x8x128xi32, #tpu.memory_space<vmem>> -> memref<8x128xi32, #tpu.memory_space<vmem>>
        %dma_start3A_1287 = arith.constant 0 : i32
        %dma_start3A_1288 = tpu.memref_slice %arg3[%add3A, %mul3A_1274, %dma_start3A_1287] : memref<32x160x128xi32, #tpu.memory_space<hbm>> -> memref<1x8x128xi32, #tpu.memory_space<hbm>>
        %dma_start3A_1289 = tpu.memref_squeeze %dma_start3A_1288 : memref<1x8x128xi32, #tpu.memory_space<hbm>> -> memref<8x128xi32, #tpu.memory_space<hbm>>
        tpu.enqueue_dma source(%dma_start3A_1289 : memref<8x128xi32, #tpu.memory_space<hbm>>) target(%dma_start3A_1286 : memref<8x128xi32, #tpu.memory_space<vmem>>) target_semaphore(%arg16 : memref<!tpu.dma_semaphore, #tpu.memory_space<semaphore_mem>>)
        %add3A_1290 = arith.constant 1 : i32
        %add3A_1291 = arith.addi %mul3A_34, %add3A_1290 : i32
        %mul3A_1292 = arith.constant 8 : i32
        %mul3A_1293 = arith.muli %add3A_1291, %mul3A_1292 : i32
        %dma_start3A_1294 = arith.constant 1 : i32
        %dma_start3A_1295 = arith.constant 0 : i32
        %dma_start3A_1296 = arith.constant 0 : i32
        %dma_start3A_1297 = tpu.memref_slice %arg10[%dma_start3A_1294, %dma_start3A_1295, %dma_start3A_1296] : memref<2x8x128xi32, #tpu.memory_space<vmem>> -> memref<1x8x128xi32, #tpu.memory_space<vmem>>
        %dma_start3A_1298 = tpu.memref_squeeze %dma_start3A_1297 : memref<1x8x128xi32, #tpu.memory_space<vmem>> -> memref<8x128xi32, #tpu.memory_space<vmem>>
        %dma_start3A_1299 = arith.constant 0 : i32
        %dma_start3A_1300 = tpu.memref_slice %arg4[%add3A, %mul3A_1293, %dma_start3A_1299] : memref<32x160x128xi32, #tpu.memory_space<hbm>> -> memref<1x8x128xi32, #tpu.memory_space<hbm>>
        %dma_start3A_1301 = tpu.memref_squeeze %dma_start3A_1300 : memref<1x8x128xi32, #tpu.memory_space<hbm>> -> memref<8x128xi32, #tpu.memory_space<hbm>>
        %dma_start3A_1302 = arith.constant 0 : i32
        %dma_start3A_1303 = arith.constant 0 : i32
        %dma_start3A_1304 = tpu.memref_slice %arg10[%dma_start3A_1294, %dma_start3A_1302, %dma_start3A_1303] : memref<2x8x128xi32, #tpu.memory_space<vmem>> -> memref<1x8x128xi32, #tpu.memory_space<vmem>>
        %dma_start3A_1305 = tpu.memref_squeeze %dma_start3A_1304 : memref<1x8x128xi32, #tpu.memory_space<vmem>> -> memref<8x128xi32, #tpu.memory_space<vmem>>
        %dma_start3A_1306 = arith.constant 0 : i32
        %dma_start3A_1307 = tpu.memref_slice %arg4[%add3A, %mul3A_1293, %dma_start3A_1306] : memref<32x160x128xi32, #tpu.memory_space<hbm>> -> memref<1x8x128xi32, #tpu.memory_space<hbm>>
        %dma_start3A_1308 = tpu.memref_squeeze %dma_start3A_1307 : memref<1x8x128xi32, #tpu.memory_space<hbm>> -> memref<8x128xi32, #tpu.memory_space<hbm>>
        tpu.enqueue_dma source(%dma_start3A_1308 : memref<8x128xi32, #tpu.memory_space<hbm>>) target(%dma_start3A_1305 : memref<8x128xi32, #tpu.memory_space<vmem>>) target_semaphore(%arg16 : memref<!tpu.dma_semaphore, #tpu.memory_space<semaphore_mem>>)
      } else {
      }
      %dma_start3A_42 = arith.constant 0 : i32
      %dma_start3A_43 = arith.constant 1 : i32
      %dma_start3A_44 = arith.constant 1 : i32
      %dma_start3A_45 = arith.constant 0 : i32
      %dma_start3A_46 = arith.constant 0 : i32
      %dma_start3A_47 = tpu.memref_slice %arg11[%dma_start3A_44, %dma_start3A_45, %dma_start3A_46] : memref<2x128x128xf32, #tpu.memory_space<vmem>> -> memref<1x128x128xf32, #tpu.memory_space<vmem>>
      %dma_start3A_48 = tpu.memref_squeeze %dma_start3A_47 : memref<1x128x128xf32, #tpu.memory_space<vmem>> -> memref<128x128xf32, #tpu.memory_space<vmem>>
      %dma_start3A_49 = arith.constant 0 : i32
      %dma_start3A_50 = tpu.memref_slice %arg9[%dma_start3A_42, %dma_start3A_43, %dma_start3A_49] : memref<2x8x128xi32, #tpu.memory_space<vmem>> -> memref<1x1x128xi32, #tpu.memory_space<vmem>>
      %dma_start3A_51 = tpu.memref_squeeze %dma_start3A_50 : memref<1x1x128xi32, #tpu.memory_space<vmem>> -> memref<128xi32, #tpu.memory_space<vmem>>
      %dma_start3A_52 = arith.constant 0 : i32
      %dma_start3A_53 = arith.constant 0 : i32
      %dma_start3A_54 = tpu.memref_slice %arg2[%dma_start3A_52, %dma_start3A_53] : memref<20000x128xf32, #tpu.memory_space<hbm>> -> memref<20000x128xf32, #tpu.memory_space<hbm>>
      tpu.enqueue_indirect_dma source(%dma_start3A_54 : memref<20000x128xf32, #tpu.memory_space<hbm>>) target(%dma_start3A_48 : memref<128x128xf32, #tpu.memory_space<vmem>>) offsets(%dma_start3A_51 : memref<128xi32, #tpu.memory_space<vmem>>) semaphore(%arg15 : memref<!tpu.dma_semaphore, #tpu.memory_space<semaphore_mem>>)
      %get3A = arith.constant 0 : i32
      %get3A_55 = arith.constant 0 : i32
      %get3A_56 = arith.index_cast %get3A : i32 to index
      %get3A_57 = arith.index_cast %get3A_55 : i32 to index
      %get3A_58 = arith.constant 0 : index
      %get3A_59 = tpu.vector_load %arg10[%get3A_56, %get3A_57, %get3A_58] {strides = array<i32>} : memref<2x8x128xi32, #tpu.memory_space<vmem>>, vector<16xi32>,
      tpu.vector_store_idx %arg12[%get3A_59], %broadcast_in_dim3A_1 {add = true} : memref<10016xf32, #tpu.memory_space<vmem>>[vector<16xi32>], vector<16xf32>,
      %get3A_60 = arith.constant 0 : i32
      %get3A_61 = arith.constant 0 : i32
      %get3A_62 = arith.index_cast %get3A_60 : i32 to index
      %get3A_63 = arith.index_cast %get3A_61 : i32 to index
      %get3A_64 = arith.constant 16 : index
      %get3A_65 = tpu.vector_load %arg10[%get3A_62, %get3A_63, %get3A_64] {strides = array<i32>} : memref<2x8x128xi32, #tpu.memory_space<vmem>>, vector<16xi32>,
      tpu.vector_store_idx %arg12[%get3A_65], %broadcast_in_dim3A_1 {add = true} : memref<10016xf32, #tpu.memory_space<vmem>>[vector<16xi32>], vector<16xf32>,
      %get3A_66 = arith.constant 0 : i32
      %get3A_67 = arith.constant 0 : i32
      %get3A_68 = arith.index_cast %get3A_66 : i32 to index
      %get3A_69 = arith.index_cast %get3A_67 : i32 to index
      %get3A_70 = arith.constant 32 : index
      %get3A_71 = tpu.vector_load %arg10[%get3A_68, %get3A_69, %get3A_70] {strides = array<i32>} : memref<2x8x128xi32, #tpu.memory_space<vmem>>, vector<16xi32>,
      tpu.vector_store_idx %arg12[%get3A_71], %broadcast_in_dim3A_1 {add = true} : memref<10016xf32, #tpu.memory_space<vmem>>[vector<16xi32>], vector<16xf32>,
      %get3A_72 = arith.constant 0 : i32
      %get3A_73 = arith.constant 0 : i32
      %get3A_74 = arith.index_cast %get3A_72 : i32 to index
      %get3A_75 = arith.index_cast %get3A_73 : i32 to index
      %get3A_76 = arith.constant 48 : index
      %get3A_77 = tpu.vector_load %arg10[%get3A_74, %get3A_75, %get3A_76] {strides = array<i32>} : memref<2x8x128xi32, #tpu.memory_space<vmem>>, vector<16xi32>,
      tpu.vector_store_idx %arg12[%get3A_77], %broadcast_in_dim3A_1 {add = true} : memref<10016xf32, #tpu.memory_space<vmem>>[vector<16xi32>], vector<16xf32>,
      %get3A_78 = arith.constant 0 : i32
      %get3A_79 = arith.constant 0 : i32
      %get3A_80 = arith.index_cast %get3A_78 : i32 to index
      %get3A_81 = arith.index_cast %get3A_79 : i32 to index
      %get3A_82 = arith.constant 64 : index
      %get3A_83 = tpu.vector_load %arg10[%get3A_80, %get3A_81, %get3A_82] {strides = array<i32>} : memref<2x8x128xi32, #tpu.memory_space<vmem>>, vector<16xi32>,
      tpu.vector_store_idx %arg12[%get3A_83], %broadcast_in_dim3A_1 {add = true} : memref<10016xf32, #tpu.memory_space<vmem>>[vector<16xi32>], vector<16xf32>,
      %get3A_84 = arith.constant 0 : i32
      %get3A_85 = arith.constant 0 : i32
      %get3A_86 = arith.index_cast %get3A_84 : i32 to index
      %get3A_87 = arith.index_cast %get3A_85 : i32 to index
      %get3A_88 = arith.constant 80 : index
      %get3A_89 = tpu.vector_load %arg10[%get3A_86, %get3A_87, %get3A_88] {strides = array<i32>} : memref<2x8x128xi32, #tpu.memory_space<vmem>>, vector<16xi32>,
      tpu.vector_store_idx %arg12[%get3A_89], %broadcast_in_dim3A_1 {add = true} : memref<10016xf32, #tpu.memory_space<vmem>>[vector<16xi32>], vector<16xf32>,
      %get3A_90 = arith.constant 0 : i32
      %get3A_91 = arith.constant 0 : i32
      %get3A_92 = arith.index_cast %get3A_90 : i32 to index
      %get3A_93 = arith.index_cast %get3A_91 : i32 to index
      %get3A_94 = arith.constant 96 : index
      %get3A_95 = tpu.vector_load %arg10[%get3A_92, %get3A_93, %get3A_94] {strides = array<i32>} : memref<2x8x128xi32, #tpu.memory_space<vmem>>, vector<16xi32>,
      tpu.vector_store_idx %arg12[%get3A_95], %broadcast_in_dim3A_1 {add = true} : memref<10016xf32, #tpu.memory_space<vmem>>[vector<16xi32>], vector<16xf32>,
      %get3A_96 = arith.constant 0 : i32
      %get3A_97 = arith.constant 0 : i32
      %get3A_98 = arith.index_cast %get3A_96 : i32 to index
      %get3A_99 = arith.index_cast %get3A_97 : i32 to index
      %get3A_100 = arith.constant 112 : index
      %get3A_101 = tpu.vector_load %arg10[%get3A_98, %get3A_99, %get3A_100] {strides = array<i32>} : memref<2x8x128xi32, #tpu.memory_space<vmem>>, vector<16xi32>,
      tpu.vector_store_idx %arg12[%get3A_101], %broadcast_in_dim3A_1 {add = true} : memref<10016xf32, #tpu.memory_space<vmem>>[vector<16xi32>], vector<16xf32>,
      %dma_wait3A = arith.constant 0 : i32
      %dma_wait3A_102 = arith.constant 0 : i32
      %dma_wait3A_103 = arith.constant 0 : i32
      %dma_wait3A_104 = arith.constant 0 : i32
      %dma_wait3A_105 = arith.constant 0 : i32
      %dma_wait3A_106 = tpu.memref_slice %arg11[%dma_wait3A_103, %dma_wait3A_104, %dma_wait3A_105] : memref<2x128x128xf32, #tpu.memory_space<vmem>> -> memref<1x128x128xf32, #tpu.memory_space<vmem>>
      %dma_wait3A_107 = tpu.memref_squeeze %dma_wait3A_106 : memref<1x128x128xf32, #tpu.memory_space<vmem>> -> memref<128x128xf32, #tpu.memory_space<vmem>>
      %dma_wait3A_108 = arith.constant 0 : i32
      %dma_wait3A_109 = tpu.memref_slice %arg9[%dma_wait3A, %dma_wait3A_102, %dma_wait3A_108] : memref<2x8x128xi32, #tpu.memory_space<vmem>> -> memref<1x1x128xi32, #tpu.memory_space<vmem>>
      %dma_wait3A_110 = tpu.memref_squeeze %dma_wait3A_109 : memref<1x1x128xi32, #tpu.memory_space<vmem>> -> memref<128xi32, #tpu.memory_space<vmem>>
      %dma_wait3A_111 = arith.constant 0 : i32
      %dma_wait3A_112 = arith.constant 0 : i32
      %dma_wait3A_113 = tpu.memref_slice %arg2[%dma_wait3A_111, %dma_wait3A_112] : memref<20000x128xf32, #tpu.memory_space<hbm>> -> memref<20000x128xf32, #tpu.memory_space<hbm>>
      tpu.wait_indirect_dma semaphore(%arg14 : memref<!tpu.dma_semaphore, #tpu.memory_space<semaphore_mem>>) src(%dma_wait3A_113 : memref<20000x128xf32, #tpu.memory_space<hbm>>) dst(%dma_wait3A_107 : memref<128x128xf32, #tpu.memory_space<vmem>>)
      %run_scoped3A_114 = arith.constant 0 : i32
      %run_scoped3A_115 = arith.constant 0 : i32
      %run_scoped3A_116 = arith.constant 0 : i32
      "tpu.region"() ({
        %run_scoped3A_1271 = tpu.sem_alloc : memref<!tpu.dma_semaphore, #tpu.memory_space<semaphore_mem>>
        %dma_start3A_1272 = arith.constant 0 : i32
        %dma_start3A_1273 = arith.constant 0 : i32
        %dma_start3A_1274 = tpu.memref_slice %arg11[%run_scoped3A_114, %dma_start3A_1272, %dma_start3A_1273] : memref<2x128x128xf32, #tpu.memory_space<vmem>> -> memref<1x128x128xf32, #tpu.memory_space<vmem>>
        %dma_start3A_1275 = tpu.memref_squeeze %dma_start3A_1274 : memref<1x128x128xf32, #tpu.memory_space<vmem>> -> memref<128x128xf32, #tpu.memory_space<vmem>>
        %dma_start3A_1276 = arith.constant 0 : i32
        %dma_start3A_1277 = tpu.memref_slice %arg10[%run_scoped3A_115, %run_scoped3A_116, %dma_start3A_1276] : memref<2x8x128xi32, #tpu.memory_space<vmem>> -> memref<1x1x128xi32, #tpu.memory_space<vmem>>
        %dma_start3A_1278 = tpu.memref_squeeze %dma_start3A_1277 : memref<1x1x128xi32, #tpu.memory_space<vmem>> -> memref<128xi32, #tpu.memory_space<vmem>>
        %dma_start3A_1279 = arith.constant 0 : i32
        %dma_start3A_1280 = arith.constant 0 : i32
        %dma_start3A_1281 = tpu.memref_slice %arg13[%dma_start3A_1279, %dma_start3A_1280] : memref<10008x128xf32, #tpu.memory_space<vmem_shared>> -> memref<10008x128xf32, #tpu.memory_space<vmem_shared>>
        tpu.enqueue_indirect_dma source(%dma_start3A_1275 : memref<128x128xf32, #tpu.memory_space<vmem>>) target(%dma_start3A_1281 : memref<10008x128xf32, #tpu.memory_space<vmem_shared>>) offsets(%dma_start3A_1278 : memref<128xi32, #tpu.memory_space<vmem>>) semaphore(%run_scoped3A_1271 : memref<!tpu.dma_semaphore, #tpu.memory_space<semaphore_mem>>) {add = true}
        %dma_wait3A_1282 = arith.constant 0 : i32
        %dma_wait3A_1283 = arith.constant 0 : i32
        %dma_wait3A_1284 = tpu.memref_slice %arg11[%run_scoped3A_114, %dma_wait3A_1282, %dma_wait3A_1283] : memref<2x128x128xf32, #tpu.memory_space<vmem>> -> memref<1x128x128xf32, #tpu.memory_space<vmem>>
        %dma_wait3A_1285 = tpu.memref_squeeze %dma_wait3A_1284 : memref<1x128x128xf32, #tpu.memory_space<vmem>> -> memref<128x128xf32, #tpu.memory_space<vmem>>
        %dma_wait3A_1286 = arith.constant 0 : i32
        %dma_wait3A_1287 = tpu.memref_slice %arg10[%run_scoped3A_115, %run_scoped3A_116, %dma_wait3A_1286] : memref<2x8x128xi32, #tpu.memory_space<vmem>> -> memref<1x1x128xi32, #tpu.memory_space<vmem>>
        %dma_wait3A_1288 = tpu.memref_squeeze %dma_wait3A_1287 : memref<1x1x128xi32, #tpu.memory_space<vmem>> -> memref<128xi32, #tpu.memory_space<vmem>>
        %dma_wait3A_1289 = arith.constant 0 : i32
        %dma_wait3A_1290 = arith.constant 0 : i32
        %dma_wait3A_1291 = tpu.memref_slice %arg13[%dma_wait3A_1289, %dma_wait3A_1290] : memref<10008x128xf32, #tpu.memory_space<vmem_shared>> -> memref<10008x128xf32, #tpu.memory_space<vmem_shared>>
        tpu.wait_indirect_dma semaphore(%run_scoped3A_1271 : memref<!tpu.dma_semaphore, #tpu.memory_space<semaphore_mem>>) src(%dma_wait3A_1285 : memref<128x128xf32, #tpu.memory_space<vmem>>) dst(%dma_wait3A_1291 : memref<10008x128xf32, #tpu.memory_space<vmem_shared>>)
        tpu.yield
      }) : () -> ()
      %dma_start3A_117 = arith.constant 0 : i32
      %dma_start3A_118 = arith.constant 2 : i32
      %dma_start3A_119 = arith.constant 0 : i32
      %dma_start3A_120 = arith.constant 0 : i32
      %dma_start3A_121 = arith.constant 0 : i32
      %dma_start3A_122 = tpu.memref_slice %arg11[%dma_start3A_119, %dma_start3A_120, %dma_start3A_121] : memref<2x128x128xf32, #tpu.memory_space<vmem>> -> memref<1x128x128xf32, #tpu.memory_space<vmem>>
      %dma_start3A_123 = tpu.memref_squeeze %dma_start3A_122 : memref<1x128x128xf32, #tpu.memory_space<vmem>> -> memref<128x128xf32, #tpu.memory_space<vmem>>
      %dma_start3A_124 = arith.constant 0 : i32
      %dma_start3A_125 = tpu.memref_slice %arg9[%dma_start3A_117, %dma_start3A_118, %dma_start3A_124] : memref<2x8x128xi32, #tpu.memory_space<vmem>> -> memref<1x1x128xi32, #tpu.memory_space<vmem>>
      %dma_start3A_126 = tpu.memref_squeeze %dma_start3A_125 : memref<1x1x128xi32, #tpu.memory_space<vmem>> -> memref<128xi32, #tpu.memory_space<vmem>>
      %dma_start3A_127 = arith.constant 0 : i32
      %dma_start3A_128 = arith.constant 0 : i32
      %dma_start3A_129 = tpu.memref_slice %arg2[%dma_start3A_127, %dma_start3A_128] : memref<20000x128xf32, #tpu.memory_space<hbm>> -> memref<20000x128xf32, #tpu.memory_space<hbm>>
      tpu.enqueue_indirect_dma source(%dma_start3A_129 : memref<20000x128xf32, #tpu.memory_space<hbm>>) target(%dma_start3A_123 : memref<128x128xf32, #tpu.memory_space<vmem>>) offsets(%dma_start3A_126 : memref<128xi32, #tpu.memory_space<vmem>>) semaphore(%arg14 : memref<!tpu.dma_semaphore, #tpu.memory_space<semaphore_mem>>)
      %get3A_130 = arith.constant 0 : i32
      %get3A_131 = arith.constant 1 : i32
      %get3A_132 = arith.index_cast %get3A_130 : i32 to index
      %get3A_133 = arith.index_cast %get3A_131 : i32 to index
      %get3A_134 = arith.constant 0 : index
      %get3A_135 = tpu.vector_load %arg10[%get3A_132, %get3A_133, %get3A_134] {strides = array<i32>} : memref<2x8x128xi32, #tpu.memory_space<vmem>>, vector<16xi32>,
      tpu.vector_store_idx %arg12[%get3A_135], %broadcast_in_dim3A_1 {add = true} : memref<10016xf32, #tpu.memory_space<vmem>>[vector<16xi32>], vector<16xf32>,
      %get3A_136 = arith.constant 0 : i32
      %get3A_137 = arith.constant 1 : i32
      %get3A_138 = arith.index_cast %get3A_136 : i32 to index
      %get3A_139 = arith.index_cast %get3A_137 : i32 to index
      %get3A_140 = arith.constant 16 : index
      %get3A_141 = tpu.vector_load %arg10[%get3A_138, %get3A_139, %get3A_140] {strides = array<i32>} : memref<2x8x128xi32, #tpu.memory_space<vmem>>, vector<16xi32>,
      tpu.vector_store_idx %arg12[%get3A_141], %broadcast_in_dim3A_1 {add = true} : memref<10016xf32, #tpu.memory_space<vmem>>[vector<16xi32>], vector<16xf32>,
      %get3A_142 = arith.constant 0 : i32
      %get3A_143 = arith.constant 1 : i32
      %get3A_144 = arith.index_cast %get3A_142 : i32 to index
      %get3A_145 = arith.index_cast %get3A_143 : i32 to index
      %get3A_146 = arith.constant 32 : index
      %get3A_147 = tpu.vector_load %arg10[%get3A_144, %get3A_145, %get3A_146] {strides = array<i32>} : memref<2x8x128xi32, #tpu.memory_space<vmem>>, vector<16xi32>,
      tpu.vector_store_idx %arg12[%get3A_147], %broadcast_in_dim3A_1 {add = true} : memref<10016xf32, #tpu.memory_space<vmem>>[vector<16xi32>], vector<16xf32>,
      %get3A_148 = arith.constant 0 : i32
      %get3A_149 = arith.constant 1 : i32
      %get3A_150 = arith.index_cast %get3A_148 : i32 to index
      %get3A_151 = arith.index_cast %get3A_149 : i32 to index
      %get3A_152 = arith.constant 48 : index
      %get3A_153 = tpu.vector_load %arg10[%get3A_150, %get3A_151, %get3A_152] {strides = array<i32>} : memref<2x8x128xi32, #tpu.memory_space<vmem>>, vector<16xi32>,
      tpu.vector_store_idx %arg12[%get3A_153], %broadcast_in_dim3A_1 {add = true} : memref<10016xf32, #tpu.memory_space<vmem>>[vector<16xi32>], vector<16xf32>,
      %get3A_154 = arith.constant 0 : i32
      %get3A_155 = arith.constant 1 : i32
      %get3A_156 = arith.index_cast %get3A_154 : i32 to index
      %get3A_157 = arith.index_cast %get3A_155 : i32 to index
      %get3A_158 = arith.constant 64 : index
      %get3A_159 = tpu.vector_load %arg10[%get3A_156, %get3A_157, %get3A_158] {strides = array<i32>} : memref<2x8x128xi32, #tpu.memory_space<vmem>>, vector<16xi32>,
      tpu.vector_store_idx %arg12[%get3A_159], %broadcast_in_dim3A_1 {add = true} : memref<10016xf32, #tpu.memory_space<vmem>>[vector<16xi32>], vector<16xf32>,
      %get3A_160 = arith.constant 0 : i32
      %get3A_161 = arith.constant 1 : i32
      %get3A_162 = arith.index_cast %get3A_160 : i32 to index
      %get3A_163 = arith.index_cast %get3A_161 : i32 to index
      %get3A_164 = arith.constant 80 : index
      %get3A_165 = tpu.vector_load %arg10[%get3A_162, %get3A_163, %get3A_164] {strides = array<i32>} : memref<2x8x128xi32, #tpu.memory_space<vmem>>, vector<16xi32>,
      tpu.vector_store_idx %arg12[%get3A_165], %broadcast_in_dim3A_1 {add = true} : memref<10016xf32, #tpu.memory_space<vmem>>[vector<16xi32>], vector<16xf32>,
      %get3A_166 = arith.constant 0 : i32
      %get3A_167 = arith.constant 1 : i32
      %get3A_168 = arith.index_cast %get3A_166 : i32 to index
      %get3A_169 = arith.index_cast %get3A_167 : i32 to index
      %get3A_170 = arith.constant 96 : index
      %get3A_171 = tpu.vector_load %arg10[%get3A_168, %get3A_169, %get3A_170] {strides = array<i32>} : memref<2x8x128xi32, #tpu.memory_space<vmem>>, vector<16xi32>,
      tpu.vector_store_idx %arg12[%get3A_171], %broadcast_in_dim3A_1 {add = true} : memref<10016xf32, #tpu.memory_space<vmem>>[vector<16xi32>], vector<16xf32>,
      %get3A_172 = arith.constant 0 : i32
      %get3A_173 = arith.constant 1 : i32
      %get3A_174 = arith.index_cast %get3A_172 : i32 to index
      %get3A_175 = arith.index_cast %get3A_173 : i32 to index
      %get3A_176 = arith.constant 112 : index
      %get3A_177 = tpu.vector_load %arg10[%get3A_174, %get3A_175, %get3A_176] {strides = array<i32>} : memref<2x8x128xi32, #tpu.memory_space<vmem>>, vector<16xi32>,
      tpu.vector_store_idx %arg12[%get3A_177], %broadcast_in_dim3A_1 {add = true} : memref<10016xf32, #tpu.memory_space<vmem>>[vector<16xi32>], vector<16xf32>,
      %dma_wait3A_178 = arith.constant 0 : i32
      %dma_wait3A_179 = arith.constant 1 : i32
      %dma_wait3A_180 = arith.constant 1 : i32
      %dma_wait3A_181 = arith.constant 0 : i32
      %dma_wait3A_182 = arith.constant 0 : i32
      %dma_wait3A_183 = tpu.memref_slice %arg11[%dma_wait3A_180, %dma_wait3A_181, %dma_wait3A_182] : memref<2x128x128xf32, #tpu.memory_space<vmem>> -> memref<1x128x128xf32, #tpu.memory_space<vmem>>
      %dma_wait3A_184 = tpu.memref_squeeze %dma_wait3A_183 : memref<1x128x128xf32, #tpu.memory_space<vmem>> -> memref<128x128xf32, #tpu.memory_space<vmem>>
      %dma_wait3A_185 = arith.constant 0 : i32
      %dma_wait3A_186 = tpu.memref_slice %arg9[%dma_wait3A_178, %dma_wait3A_179, %dma_wait3A_185] : memref<2x8x128xi32, #tpu.memory_space<vmem>> -> memref<1x1x128xi32, #tpu.memory_space<vmem>>
      %dma_wait3A_187 = tpu.memref_squeeze %dma_wait3A_186 : memref<1x1x128xi32, #tpu.memory_space<vmem>> -> memref<128xi32, #tpu.memory_space<vmem>>
      %dma_wait3A_188 = arith.constant 0 : i32
      %dma_wait3A_189 = arith.constant 0 : i32
      %dma_wait3A_190 = tpu.memref_slice %arg2[%dma_wait3A_188, %dma_wait3A_189] : memref<20000x128xf32, #tpu.memory_space<hbm>> -> memref<20000x128xf32, #tpu.memory_space<hbm>>
      tpu.wait_indirect_dma semaphore(%arg15 : memref<!tpu.dma_semaphore, #tpu.memory_space<semaphore_mem>>) src(%dma_wait3A_190 : memref<20000x128xf32, #tpu.memory_space<hbm>>) dst(%dma_wait3A_184 : memref<128x128xf32, #tpu.memory_space<vmem>>)
      %run_scoped3A_191 = arith.constant 1 : i32
      %run_scoped3A_192 = arith.constant 0 : i32
      %run_scoped3A_193 = arith.constant 1 : i32
      "tpu.region"() ({
        %run_scoped3A_1271 = tpu.sem_alloc : memref<!tpu.dma_semaphore, #tpu.memory_space<semaphore_mem>>
        %dma_start3A_1272 = arith.constant 0 : i32
        %dma_start3A_1273 = arith.constant 0 : i32
        %dma_start3A_1274 = tpu.memref_slice %arg11[%run_scoped3A_191, %dma_start3A_1272, %dma_start3A_1273] : memref<2x128x128xf32, #tpu.memory_space<vmem>> -> memref<1x128x128xf32, #tpu.memory_space<vmem>>
        %dma_start3A_1275 = tpu.memref_squeeze %dma_start3A_1274 : memref<1x128x128xf32, #tpu.memory_space<vmem>> -> memref<128x128xf32, #tpu.memory_space<vmem>>
        %dma_start3A_1276 = arith.constant 0 : i32
        %dma_start3A_1277 = tpu.memref_slice %arg10[%run_scoped3A_192, %run_scoped3A_193, %dma_start3A_1276] : memref<2x8x128xi32, #tpu.memory_space<vmem>> -> memref<1x1x128xi32, #tpu.memory_space<vmem>>
        %dma_start3A_1278 = tpu.memref_squeeze %dma_start3A_1277 : memref<1x1x128xi32, #tpu.memory_space<vmem>> -> memref<128xi32, #tpu.memory_space<vmem>>
        %dma_start3A_1279 = arith.constant 0 : i32
        %dma_start3A_1280 = arith.constant 0 : i32
        %dma_start3A_1281 = tpu.memref_slice %arg13[%dma_start3A_1279, %dma_start3A_1280] : memref<10008x128xf32, #tpu.memory_space<vmem_shared>> -> memref<10008x128xf32, #tpu.memory_space<vmem_shared>>
        tpu.enqueue_indirect_dma source(%dma_start3A_1275 : memref<128x128xf32, #tpu.memory_space<vmem>>) target(%dma_start3A_1281 : memref<10008x128xf32, #tpu.memory_space<vmem_shared>>) offsets(%dma_start3A_1278 : memref<128xi32, #tpu.memory_space<vmem>>) semaphore(%run_scoped3A_1271 : memref<!tpu.dma_semaphore, #tpu.memory_space<semaphore_mem>>) {add = true}
        %dma_wait3A_1282 = arith.constant 0 : i32
        %dma_wait3A_1283 = arith.constant 0 : i32
        %dma_wait3A_1284 = tpu.memref_slice %arg11[%run_scoped3A_191, %dma_wait3A_1282, %dma_wait3A_1283] : memref<2x128x128xf32, #tpu.memory_space<vmem>> -> memref<1x128x128xf32, #tpu.memory_space<vmem>>
        %dma_wait3A_1285 = tpu.memref_squeeze %dma_wait3A_1284 : memref<1x128x128xf32, #tpu.memory_space<vmem>> -> memref<128x128xf32, #tpu.memory_space<vmem>>
        %dma_wait3A_1286 = arith.constant 0 : i32
        %dma_wait3A_1287 = tpu.memref_slice %arg10[%run_scoped3A_192, %run_scoped3A_193, %dma_wait3A_1286] : memref<2x8x128xi32, #tpu.memory_space<vmem>> -> memref<1x1x128xi32, #tpu.memory_space<vmem>>
        %dma_wait3A_1288 = tpu.memref_squeeze %dma_wait3A_1287 : memref<1x1x128xi32, #tpu.memory_space<vmem>> -> memref<128xi32, #tpu.memory_space<vmem>>
        %dma_wait3A_1289 = arith.constant 0 : i32
        %dma_wait3A_1290 = arith.constant 0 : i32
        %dma_wait3A_1291 = tpu.memref_slice %arg13[%dma_wait3A_1289, %dma_wait3A_1290] : memref<10008x128xf32, #tpu.memory_space<vmem_shared>> -> memref<10008x128xf32, #tpu.memory_space<vmem_shared>>
        tpu.wait_indirect_dma semaphore(%run_scoped3A_1271 : memref<!tpu.dma_semaphore, #tpu.memory_space<semaphore_mem>>) src(%dma_wait3A_1285 : memref<128x128xf32, #tpu.memory_space<vmem>>) dst(%dma_wait3A_1291 : memref<10008x128xf32, #tpu.memory_space<vmem_shared>>)
        tpu.yield
      }) : () -> ()
      %dma_start3A_194 = arith.constant 0 : i32
      %dma_start3A_195 = arith.constant 3 : i32
      %dma_start3A_196 = arith.constant 1 : i32
      %dma_start3A_197 = arith.constant 0 : i32
      %dma_start3A_198 = arith.constant 0 : i32
      %dma_start3A_199 = tpu.memref_slice %arg11[%dma_start3A_196, %dma_start3A_197, %dma_start3A_198] : memref<2x128x128xf32, #tpu.memory_space<vmem>> -> memref<1x128x128xf32, #tpu.memory_space<vmem>>
      %dma_start3A_200 = tpu.memref_squeeze %dma_start3A_199 : memref<1x128x128xf32, #tpu.memory_space<vmem>> -> memref<128x128xf32, #tpu.memory_space<vmem>>
      %dma_start3A_201 = arith.constant 0 : i32
      %dma_start3A_202 = tpu.memref_slice %arg9[%dma_start3A_194, %dma_start3A_195, %dma_start3A_201] : memref<2x8x128xi32, #tpu.memory_space<vmem>> -> memref<1x1x128xi32, #tpu.memory_space<vmem>>
      %dma_start3A_203 = tpu.memref_squeeze %dma_start3A_202 : memref<1x1x128xi32, #tpu.memory_space<vmem>> -> memref<128xi32, #tpu.memory_space<vmem>>
      %dma_start3A_204 = arith.constant 0 : i32
      %dma_start3A_205 = arith.constant 0 : i32
      %dma_start3A_206 = tpu.memref_slice %arg2[%dma_start3A_204, %dma_start3A_205] : memref<20000x128xf32, #tpu.memory_space<hbm>> -> memref<20000x128xf32, #tpu.memory_space<hbm>>
      tpu.enqueue_indirect_dma source(%dma_start3A_206 : memref<20000x128xf32, #tpu.memory_space<hbm>>) target(%dma_start3A_200 : memref<128x128xf32, #tpu.memory_space<vmem>>) offsets(%dma_start3A_203 : memref<128xi32, #tpu.memory_space<vmem>>) semaphore(%arg15 : memref<!tpu.dma_semaphore, #tpu.memory_space<semaphore_mem>>)
      %get3A_207 = arith.constant 0 : i32
      %get3A_208 = arith.constant 2 : i32
      %get3A_209 = arith.index_cast %get3A_207 : i32 to index
      %get3A_210 = arith.index_cast %get3A_208 : i32 to index
      %get3A_211 = arith.constant 0 : index
      %get3A_212 = tpu.vector_load %arg10[%get3A_209, %get3A_210, %get3A_211] {strides = array<i32>} : memref<2x8x128xi32, #tpu.memory_space<vmem>>, vector<16xi32>,
      tpu.vector_store_idx %arg12[%get3A_212], %broadcast_in_dim3A_1 {add = true} : memref<10016xf32, #tpu.memory_space<vmem>>[vector<16xi32>], vector<16xf32>,
      %get3A_213 = arith.constant 0 : i32
      %get3A_214 = arith.constant 2 : i32
      %get3A_215 = arith.index_cast %get3A_213 : i32 to index
      %get3A_216 = arith.index_cast %get3A_214 : i32 to index
      %get3A_217 = arith.constant 16 : index
      %get3A_218 = tpu.vector_load %arg10[%get3A_215, %get3A_216, %get3A_217] {strides = array<i32>} : memref<2x8x128xi32, #tpu.memory_space<vmem>>, vector<16xi32>,
      tpu.vector_store_idx %arg12[%get3A_218], %broadcast_in_dim3A_1 {add = true} : memref<10016xf32, #tpu.memory_space<vmem>>[vector<16xi32>], vector<16xf32>,
      %get3A_219 = arith.constant 0 : i32
      %get3A_220 = arith.constant 2 : i32
      %get3A_221 = arith.index_cast %get3A_219 : i32 to index
      %get3A_222 = arith.index_cast %get3A_220 : i32 to index
      %get3A_223 = arith.constant 32 : index
      %get3A_224 = tpu.vector_load %arg10[%get3A_221, %get3A_222, %get3A_223] {strides = array<i32>} : memref<2x8x128xi32, #tpu.memory_space<vmem>>, vector<16xi32>,
      tpu.vector_store_idx %arg12[%get3A_224], %broadcast_in_dim3A_1 {add = true} : memref<10016xf32, #tpu.memory_space<vmem>>[vector<16xi32>], vector<16xf32>,
      %get3A_225 = arith.constant 0 : i32
      %get3A_226 = arith.constant 2 : i32
      %get3A_227 = arith.index_cast %get3A_225 : i32 to index
      %get3A_228 = arith.index_cast %get3A_226 : i32 to index
      %get3A_229 = arith.constant 48 : index
      %get3A_230 = tpu.vector_load %arg10[%get3A_227, %get3A_228, %get3A_229] {strides = array<i32>} : memref<2x8x128xi32, #tpu.memory_space<vmem>>, vector<16xi32>,
      tpu.vector_store_idx %arg12[%get3A_230], %broadcast_in_dim3A_1 {add = true} : memref<10016xf32, #tpu.memory_space<vmem>>[vector<16xi32>], vector<16xf32>,
      %get3A_231 = arith.constant 0 : i32
      %get3A_232 = arith.constant 2 : i32
      %get3A_233 = arith.index_cast %get3A_231 : i32 to index
      %get3A_234 = arith.index_cast %get3A_232 : i32 to index
      %get3A_235 = arith.constant 64 : index
      %get3A_236 = tpu.vector_load %arg10[%get3A_233, %get3A_234, %get3A_235] {strides = array<i32>} : memref<2x8x128xi32, #tpu.memory_space<vmem>>, vector<16xi32>,
      tpu.vector_store_idx %arg12[%get3A_236], %broadcast_in_dim3A_1 {add = true} : memref<10016xf32, #tpu.memory_space<vmem>>[vector<16xi32>], vector<16xf32>,
      %get3A_237 = arith.constant 0 : i32
      %get3A_238 = arith.constant 2 : i32
      %get3A_239 = arith.index_cast %get3A_237 : i32 to index
      %get3A_240 = arith.index_cast %get3A_238 : i32 to index
      %get3A_241 = arith.constant 80 : index
      %get3A_242 = tpu.vector_load %arg10[%get3A_239, %get3A_240, %get3A_241] {strides = array<i32>} : memref<2x8x128xi32, #tpu.memory_space<vmem>>, vector<16xi32>,
      tpu.vector_store_idx %arg12[%get3A_242], %broadcast_in_dim3A_1 {add = true} : memref<10016xf32, #tpu.memory_space<vmem>>[vector<16xi32>], vector<16xf32>,
      %get3A_243 = arith.constant 0 : i32
      %get3A_244 = arith.constant 2 : i32
      %get3A_245 = arith.index_cast %get3A_243 : i32 to index
      %get3A_246 = arith.index_cast %get3A_244 : i32 to index
      %get3A_247 = arith.constant 96 : index
      %get3A_248 = tpu.vector_load %arg10[%get3A_245, %get3A_246, %get3A_247] {strides = array<i32>} : memref<2x8x128xi32, #tpu.memory_space<vmem>>, vector<16xi32>,
      tpu.vector_store_idx %arg12[%get3A_248], %broadcast_in_dim3A_1 {add = true} : memref<10016xf32, #tpu.memory_space<vmem>>[vector<16xi32>], vector<16xf32>,
      %get3A_249 = arith.constant 0 : i32
      %get3A_250 = arith.constant 2 : i32
      %get3A_251 = arith.index_cast %get3A_249 : i32 to index
      %get3A_252 = arith.index_cast %get3A_250 : i32 to index
      %get3A_253 = arith.constant 112 : index
      %get3A_254 = tpu.vector_load %arg10[%get3A_251, %get3A_252, %get3A_253] {strides = array<i32>} : memref<2x8x128xi32, #tpu.memory_space<vmem>>, vector<16xi32>,
      tpu.vector_store_idx %arg12[%get3A_254], %broadcast_in_dim3A_1 {add = true} : memref<10016xf32, #tpu.memory_space<vmem>>[vector<16xi32>], vector<16xf32>,
      %dma_wait3A_255 = arith.constant 0 : i32
      %dma_wait3A_256 = arith.constant 2 : i32
      %dma_wait3A_257 = arith.constant 0 : i32
      %dma_wait3A_258 = arith.constant 0 : i32
      %dma_wait3A_259 = arith.constant 0 : i32
      %dma_wait3A_260 = tpu.memref_slice %arg11[%dma_wait3A_257, %dma_wait3A_258, %dma_wait3A_259] : memref<2x128x128xf32, #tpu.memory_space<vmem>> -> memref<1x128x128xf32, #tpu.memory_space<vmem>>
      %dma_wait3A_261 = tpu.memref_squeeze %dma_wait3A_260 : memref<1x128x128xf32, #tpu.memory_space<vmem>> -> memref<128x128xf32, #tpu.memory_space<vmem>>
      %dma_wait3A_262 = arith.constant 0 : i32
      %dma_wait3A_263 = tpu.memref_slice %arg9[%dma_wait3A_255, %dma_wait3A_256, %dma_wait3A_262] : memref<2x8x128xi32, #tpu.memory_space<vmem>> -> memref<1x1x128xi32, #tpu.memory_space<vmem>>
      %dma_wait3A_264 = tpu.memref_squeeze %dma_wait3A_263 : memref<1x1x128xi32, #tpu.memory_space<vmem>> -> memref<128xi32, #tpu.memory_space<vmem>>
      %dma_wait3A_265 = arith.constant 0 : i32
      %dma_wait3A_266 = arith.constant 0 : i32
      %dma_wait3A_267 = tpu.memref_slice %arg2[%dma_wait3A_265, %dma_wait3A_266] : memref<20000x128xf32, #tpu.memory_space<hbm>> -> memref<20000x128xf32, #tpu.memory_space<hbm>>
      tpu.wait_indirect_dma semaphore(%arg14 : memref<!tpu.dma_semaphore, #tpu.memory_space<semaphore_mem>>) src(%dma_wait3A_267 : memref<20000x128xf32, #tpu.memory_space<hbm>>) dst(%dma_wait3A_261 : memref<128x128xf32, #tpu.memory_space<vmem>>)
      %run_scoped3A_268 = arith.constant 0 : i32
      %run_scoped3A_269 = arith.constant 0 : i32
      %run_scoped3A_270 = arith.constant 2 : i32
      "tpu.region"() ({
        %run_scoped3A_1271 = tpu.sem_alloc : memref<!tpu.dma_semaphore, #tpu.memory_space<semaphore_mem>>
        %dma_start3A_1272 = arith.constant 0 : i32
        %dma_start3A_1273 = arith.constant 0 : i32
        %dma_start3A_1274 = tpu.memref_slice %arg11[%run_scoped3A_268, %dma_start3A_1272, %dma_start3A_1273] : memref<2x128x128xf32, #tpu.memory_space<vmem>> -> memref<1x128x128xf32, #tpu.memory_space<vmem>>
        %dma_start3A_1275 = tpu.memref_squeeze %dma_start3A_1274 : memref<1x128x128xf32, #tpu.memory_space<vmem>> -> memref<128x128xf32, #tpu.memory_space<vmem>>
        %dma_start3A_1276 = arith.constant 0 : i32
        %dma_start3A_1277 = tpu.memref_slice %arg10[%run_scoped3A_269, %run_scoped3A_270, %dma_start3A_1276] : memref<2x8x128xi32, #tpu.memory_space<vmem>> -> memref<1x1x128xi32, #tpu.memory_space<vmem>>
        %dma_start3A_1278 = tpu.memref_squeeze %dma_start3A_1277 : memref<1x1x128xi32, #tpu.memory_space<vmem>> -> memref<128xi32, #tpu.memory_space<vmem>>
        %dma_start3A_1279 = arith.constant 0 : i32
        %dma_start3A_1280 = arith.constant 0 : i32
        %dma_start3A_1281 = tpu.memref_slice %arg13[%dma_start3A_1279, %dma_start3A_1280] : memref<10008x128xf32, #tpu.memory_space<vmem_shared>> -> memref<10008x128xf32, #tpu.memory_space<vmem_shared>>
        tpu.enqueue_indirect_dma source(%dma_start3A_1275 : memref<128x128xf32, #tpu.memory_space<vmem>>) target(%dma_start3A_1281 : memref<10008x128xf32, #tpu.memory_space<vmem_shared>>) offsets(%dma_start3A_1278 : memref<128xi32, #tpu.memory_space<vmem>>) semaphore(%run_scoped3A_1271 : memref<!tpu.dma_semaphore, #tpu.memory_space<semaphore_mem>>) {add = true}
        %dma_wait3A_1282 = arith.constant 0 : i32
        %dma_wait3A_1283 = arith.constant 0 : i32
        %dma_wait3A_1284 = tpu.memref_slice %arg11[%run_scoped3A_268, %dma_wait3A_1282, %dma_wait3A_1283] : memref<2x128x128xf32, #tpu.memory_space<vmem>> -> memref<1x128x128xf32, #tpu.memory_space<vmem>>
        %dma_wait3A_1285 = tpu.memref_squeeze %dma_wait3A_1284 : memref<1x128x128xf32, #tpu.memory_space<vmem>> -> memref<128x128xf32, #tpu.memory_space<vmem>>
        %dma_wait3A_1286 = arith.constant 0 : i32
        %dma_wait3A_1287 = tpu.memref_slice %arg10[%run_scoped3A_269, %run_scoped3A_270, %dma_wait3A_1286] : memref<2x8x128xi32, #tpu.memory_space<vmem>> -> memref<1x1x128xi32, #tpu.memory_space<vmem>>
        %dma_wait3A_1288 = tpu.memref_squeeze %dma_wait3A_1287 : memref<1x1x128xi32, #tpu.memory_space<vmem>> -> memref<128xi32, #tpu.memory_space<vmem>>
        %dma_wait3A_1289 = arith.constant 0 : i32
        %dma_wait3A_1290 = arith.constant 0 : i32
        %dma_wait3A_1291 = tpu.memref_slice %arg13[%dma_wait3A_1289, %dma_wait3A_1290] : memref<10008x128xf32, #tpu.memory_space<vmem_shared>> -> memref<10008x128xf32, #tpu.memory_space<vmem_shared>>
        tpu.wait_indirect_dma semaphore(%run_scoped3A_1271 : memref<!tpu.dma_semaphore, #tpu.memory_space<semaphore_mem>>) src(%dma_wait3A_1285 : memref<128x128xf32, #tpu.memory_space<vmem>>) dst(%dma_wait3A_1291 : memref<10008x128xf32, #tpu.memory_space<vmem_shared>>)
        tpu.yield
      }) : () -> ()
      %dma_start3A_271 = arith.constant 0 : i32
      %dma_start3A_272 = arith.constant 4 : i32
      %dma_start3A_273 = arith.constant 0 : i32
      %dma_start3A_274 = arith.constant 0 : i32
      %dma_start3A_275 = arith.constant 0 : i32
      %dma_start3A_276 = tpu.memref_slice %arg11[%dma_start3A_273, %dma_start3A_274, %dma_start3A_275] : memref<2x128x128xf32, #tpu.memory_space<vmem>> -> memref<1x128x128xf32, #tpu.memory_space<vmem>>
      %dma_start3A_277 = tpu.memref_squeeze %dma_start3A_276 : memref<1x128x128xf32, #tpu.memory_space<vmem>> -> memref<128x128xf32, #tpu.memory_space<vmem>>
      %dma_start3A_278 = arith.constant 0 : i32
      %dma_start3A_279 = tpu.memref_slice %arg9[%dma_start3A_271, %dma_start3A_272, %dma_start3A_278] : memref<2x8x128xi32, #tpu.memory_space<vmem>> -> memref<1x1x128xi32, #tpu.memory_space<vmem>>
      %dma_start3A_280 = tpu.memref_squeeze %dma_start3A_279 : memref<1x1x128xi32, #tpu.memory_space<vmem>> -> memref<128xi32, #tpu.memory_space<vmem>>
      %dma_start3A_281 = arith.constant 0 : i32
      %dma_start3A_282 = arith.constant 0 : i32
      %dma_start3A_283 = tpu.memref_slice %arg2[%dma_start3A_281, %dma_start3A_282] : memref<20000x128xf32, #tpu.memory_space<hbm>> -> memref<20000x128xf32, #tpu.memory_space<hbm>>
      tpu.enqueue_indirect_dma source(%dma_start3A_283 : memref<20000x128xf32, #tpu.memory_space<hbm>>) target(%dma_start3A_277 : memref<128x128xf32, #tpu.memory_space<vmem>>) offsets(%dma_start3A_280 : memref<128xi32, #tpu.memory_space<vmem>>) semaphore(%arg14 : memref<!tpu.dma_semaphore, #tpu.memory_space<semaphore_mem>>)
      %get3A_284 = arith.constant 0 : i32
      %get3A_285 = arith.constant 3 : i32
      %get3A_286 = arith.index_cast %get3A_284 : i32 to index
      %get3A_287 = arith.index_cast %get3A_285 : i32 to index
      %get3A_288 = arith.constant 0 : index
      %get3A_289 = tpu.vector_load %arg10[%get3A_286, %get3A_287, %get3A_288] {strides = array<i32>} : memref<2x8x128xi32, #tpu.memory_space<vmem>>, vector<16xi32>,
      tpu.vector_store_idx %arg12[%get3A_289], %broadcast_in_dim3A_1 {add = true} : memref<10016xf32, #tpu.memory_space<vmem>>[vector<16xi32>], vector<16xf32>,
      %get3A_290 = arith.constant 0 : i32
      %get3A_291 = arith.constant 3 : i32
      %get3A_292 = arith.index_cast %get3A_290 : i32 to index
      %get3A_293 = arith.index_cast %get3A_291 : i32 to index
      %get3A_294 = arith.constant 16 : index
      %get3A_295 = tpu.vector_load %arg10[%get3A_292, %get3A_293, %get3A_294] {strides = array<i32>} : memref<2x8x128xi32, #tpu.memory_space<vmem>>, vector<16xi32>,
      tpu.vector_store_idx %arg12[%get3A_295], %broadcast_in_dim3A_1 {add = true} : memref<10016xf32, #tpu.memory_space<vmem>>[vector<16xi32>], vector<16xf32>,
      %get3A_296 = arith.constant 0 : i32
      %get3A_297 = arith.constant 3 : i32
      %get3A_298 = arith.index_cast %get3A_296 : i32 to index
      %get3A_299 = arith.index_cast %get3A_297 : i32 to index
      %get3A_300 = arith.constant 32 : index
      %get3A_301 = tpu.vector_load %arg10[%get3A_298, %get3A_299, %get3A_300] {strides = array<i32>} : memref<2x8x128xi32, #tpu.memory_space<vmem>>, vector<16xi32>,
      tpu.vector_store_idx %arg12[%get3A_301], %broadcast_in_dim3A_1 {add = true} : memref<10016xf32, #tpu.memory_space<vmem>>[vector<16xi32>], vector<16xf32>,
      %get3A_302 = arith.constant 0 : i32
      %get3A_303 = arith.constant 3 : i32
      %get3A_304 = arith.index_cast %get3A_302 : i32 to index
      %get3A_305 = arith.index_cast %get3A_303 : i32 to index
      %get3A_306 = arith.constant 48 : index
      %get3A_307 = tpu.vector_load %arg10[%get3A_304, %get3A_305, %get3A_306] {strides = array<i32>} : memref<2x8x128xi32, #tpu.memory_space<vmem>>, vector<16xi32>,
      tpu.vector_store_idx %arg12[%get3A_307], %broadcast_in_dim3A_1 {add = true} : memref<10016xf32, #tpu.memory_space<vmem>>[vector<16xi32>], vector<16xf32>,
      %get3A_308 = arith.constant 0 : i32
      %get3A_309 = arith.constant 3 : i32
      %get3A_310 = arith.index_cast %get3A_308 : i32 to index
      %get3A_311 = arith.index_cast %get3A_309 : i32 to index
      %get3A_312 = arith.constant 64 : index
      %get3A_313 = tpu.vector_load %arg10[%get3A_310, %get3A_311, %get3A_312] {strides = array<i32>} : memref<2x8x128xi32, #tpu.memory_space<vmem>>, vector<16xi32>,
      tpu.vector_store_idx %arg12[%get3A_313], %broadcast_in_dim3A_1 {add = true} : memref<10016xf32, #tpu.memory_space<vmem>>[vector<16xi32>], vector<16xf32>,
      %get3A_314 = arith.constant 0 : i32
      %get3A_315 = arith.constant 3 : i32
      %get3A_316 = arith.index_cast %get3A_314 : i32 to index
      %get3A_317 = arith.index_cast %get3A_315 : i32 to index
      %get3A_318 = arith.constant 80 : index
      %get3A_319 = tpu.vector_load %arg10[%get3A_316, %get3A_317, %get3A_318] {strides = array<i32>} : memref<2x8x128xi32, #tpu.memory_space<vmem>>, vector<16xi32>,
      tpu.vector_store_idx %arg12[%get3A_319], %broadcast_in_dim3A_1 {add = true} : memref<10016xf32, #tpu.memory_space<vmem>>[vector<16xi32>], vector<16xf32>,
      %get3A_320 = arith.constant 0 : i32
      %get3A_321 = arith.constant 3 : i32
      %get3A_322 = arith.index_cast %get3A_320 : i32 to index
      %get3A_323 = arith.index_cast %get3A_321 : i32 to index
      %get3A_324 = arith.constant 96 : index
      %get3A_325 = tpu.vector_load %arg10[%get3A_322, %get3A_323, %get3A_324] {strides = array<i32>} : memref<2x8x128xi32, #tpu.memory_space<vmem>>, vector<16xi32>,
      tpu.vector_store_idx %arg12[%get3A_325], %broadcast_in_dim3A_1 {add = true} : memref<10016xf32, #tpu.memory_space<vmem>>[vector<16xi32>], vector<16xf32>,
      %get3A_326 = arith.constant 0 : i32
      %get3A_327 = arith.constant 3 : i32
      %get3A_328 = arith.index_cast %get3A_326 : i32 to index
      %get3A_329 = arith.index_cast %get3A_327 : i32 to index
      %get3A_330 = arith.constant 112 : index
      %get3A_331 = tpu.vector_load %arg10[%get3A_328, %get3A_329, %get3A_330] {strides = array<i32>} : memref<2x8x128xi32, #tpu.memory_space<vmem>>, vector<16xi32>,
      tpu.vector_store_idx %arg12[%get3A_331], %broadcast_in_dim3A_1 {add = true} : memref<10016xf32, #tpu.memory_space<vmem>>[vector<16xi32>], vector<16xf32>,
      %dma_wait3A_332 = arith.constant 0 : i32
      %dma_wait3A_333 = arith.constant 3 : i32
      %dma_wait3A_334 = arith.constant 1 : i32
      %dma_wait3A_335 = arith.constant 0 : i32
      %dma_wait3A_336 = arith.constant 0 : i32
      %dma_wait3A_337 = tpu.memref_slice %arg11[%dma_wait3A_334, %dma_wait3A_335, %dma_wait3A_336] : memref<2x128x128xf32, #tpu.memory_space<vmem>> -> memref<1x128x128xf32, #tpu.memory_space<vmem>>
      %dma_wait3A_338 = tpu.memref_squeeze %dma_wait3A_337 : memref<1x128x128xf32, #tpu.memory_space<vmem>> -> memref<128x128xf32, #tpu.memory_space<vmem>>
      %dma_wait3A_339 = arith.constant 0 : i32
      %dma_wait3A_340 = tpu.memref_slice %arg9[%dma_wait3A_332, %dma_wait3A_333, %dma_wait3A_339] : memref<2x8x128xi32, #tpu.memory_space<vmem>> -> memref<1x1x128xi32, #tpu.memory_space<vmem>>
      %dma_wait3A_341 = tpu.memref_squeeze %dma_wait3A_340 : memref<1x1x128xi32, #tpu.memory_space<vmem>> -> memref<128xi32, #tpu.memory_space<vmem>>
      %dma_wait3A_342 = arith.constant 0 : i32
      %dma_wait3A_343 = arith.constant 0 : i32
      %dma_wait3A_344 = tpu.memref_slice %arg2[%dma_wait3A_342, %dma_wait3A_343] : memref<20000x128xf32, #tpu.memory_space<hbm>> -> memref<20000x128xf32, #tpu.memory_space<hbm>>
      tpu.wait_indirect_dma semaphore(%arg15 : memref<!tpu.dma_semaphore, #tpu.memory_space<semaphore_mem>>) src(%dma_wait3A_344 : memref<20000x128xf32, #tpu.memory_space<hbm>>) dst(%dma_wait3A_338 : memref<128x128xf32, #tpu.memory_space<vmem>>)
      %run_scoped3A_345 = arith.constant 1 : i32
      %run_scoped3A_346 = arith.constant 0 : i32
      %run_scoped3A_347 = arith.constant 3 : i32
      "tpu.region"() ({
        %run_scoped3A_1271 = tpu.sem_alloc : memref<!tpu.dma_semaphore, #tpu.memory_space<semaphore_mem>>
        %dma_start3A_1272 = arith.constant 0 : i32
        %dma_start3A_1273 = arith.constant 0 : i32
        %dma_start3A_1274 = tpu.memref_slice %arg11[%run_scoped3A_345, %dma_start3A_1272, %dma_start3A_1273] : memref<2x128x128xf32, #tpu.memory_space<vmem>> -> memref<1x128x128xf32, #tpu.memory_space<vmem>>
        %dma_start3A_1275 = tpu.memref_squeeze %dma_start3A_1274 : memref<1x128x128xf32, #tpu.memory_space<vmem>> -> memref<128x128xf32, #tpu.memory_space<vmem>>
        %dma_start3A_1276 = arith.constant 0 : i32
        %dma_start3A_1277 = tpu.memref_slice %arg10[%run_scoped3A_346, %run_scoped3A_347, %dma_start3A_1276] : memref<2x8x128xi32, #tpu.memory_space<vmem>> -> memref<1x1x128xi32, #tpu.memory_space<vmem>>
        %dma_start3A_1278 = tpu.memref_squeeze %dma_start3A_1277 : memref<1x1x128xi32, #tpu.memory_space<vmem>> -> memref<128xi32, #tpu.memory_space<vmem>>
        %dma_start3A_1279 = arith.constant 0 : i32
        %dma_start3A_1280 = arith.constant 0 : i32
        %dma_start3A_1281 = tpu.memref_slice %arg13[%dma_start3A_1279, %dma_start3A_1280] : memref<10008x128xf32, #tpu.memory_space<vmem_shared>> -> memref<10008x128xf32, #tpu.memory_space<vmem_shared>>
        tpu.enqueue_indirect_dma source(%dma_start3A_1275 : memref<128x128xf32, #tpu.memory_space<vmem>>) target(%dma_start3A_1281 : memref<10008x128xf32, #tpu.memory_space<vmem_shared>>) offsets(%dma_start3A_1278 : memref<128xi32, #tpu.memory_space<vmem>>) semaphore(%run_scoped3A_1271 : memref<!tpu.dma_semaphore, #tpu.memory_space<semaphore_mem>>) {add = true}
        %dma_wait3A_1282 = arith.constant 0 : i32
        %dma_wait3A_1283 = arith.constant 0 : i32
        %dma_wait3A_1284 = tpu.memref_slice %arg11[%run_scoped3A_345, %dma_wait3A_1282, %dma_wait3A_1283] : memref<2x128x128xf32, #tpu.memory_space<vmem>> -> memref<1x128x128xf32, #tpu.memory_space<vmem>>
        %dma_wait3A_1285 = tpu.memref_squeeze %dma_wait3A_1284 : memref<1x128x128xf32, #tpu.memory_space<vmem>> -> memref<128x128xf32, #tpu.memory_space<vmem>>
        %dma_wait3A_1286 = arith.constant 0 : i32
        %dma_wait3A_1287 = tpu.memref_slice %arg10[%run_scoped3A_346, %run_scoped3A_347, %dma_wait3A_1286] : memref<2x8x128xi32, #tpu.memory_space<vmem>> -> memref<1x1x128xi32, #tpu.memory_space<vmem>>
        %dma_wait3A_1288 = tpu.memref_squeeze %dma_wait3A_1287 : memref<1x1x128xi32, #tpu.memory_space<vmem>> -> memref<128xi32, #tpu.memory_space<vmem>>
        %dma_wait3A_1289 = arith.constant 0 : i32
        %dma_wait3A_1290 = arith.constant 0 : i32
        %dma_wait3A_1291 = tpu.memref_slice %arg13[%dma_wait3A_1289, %dma_wait3A_1290] : memref<10008x128xf32, #tpu.memory_space<vmem_shared>> -> memref<10008x128xf32, #tpu.memory_space<vmem_shared>>
        tpu.wait_indirect_dma semaphore(%run_scoped3A_1271 : memref<!tpu.dma_semaphore, #tpu.memory_space<semaphore_mem>>) src(%dma_wait3A_1285 : memref<128x128xf32, #tpu.memory_space<vmem>>) dst(%dma_wait3A_1291 : memref<10008x128xf32, #tpu.memory_space<vmem_shared>>)
        tpu.yield
      }) : () -> ()
      %dma_start3A_348 = arith.constant 0 : i32
      %dma_start3A_349 = arith.constant 5 : i32
      %dma_start3A_350 = arith.constant 1 : i32
      %dma_start3A_351 = arith.constant 0 : i32
      %dma_start3A_352 = arith.constant 0 : i32
      %dma_start3A_353 = tpu.memref_slice %arg11[%dma_start3A_350, %dma_start3A_351, %dma_start3A_352] : memref<2x128x128xf32, #tpu.memory_space<vmem>> -> memref<1x128x128xf32, #tpu.memory_space<vmem>>
      %dma_start3A_354 = tpu.memref_squeeze %dma_start3A_353 : memref<1x128x128xf32, #tpu.memory_space<vmem>> -> memref<128x128xf32, #tpu.memory_space<vmem>>
      %dma_start3A_355 = arith.constant 0 : i32
      %dma_start3A_356 = tpu.memref_slice %arg9[%dma_start3A_348, %dma_start3A_349, %dma_start3A_355] : memref<2x8x128xi32, #tpu.memory_space<vmem>> -> memref<1x1x128xi32, #tpu.memory_space<vmem>>
      %dma_start3A_357 = tpu.memref_squeeze %dma_start3A_356 : memref<1x1x128xi32, #tpu.memory_space<vmem>> -> memref<128xi32, #tpu.memory_space<vmem>>
      %dma_start3A_358 = arith.constant 0 : i32
      %dma_start3A_359 = arith.constant 0 : i32
      %dma_start3A_360 = tpu.memref_slice %arg2[%dma_start3A_358, %dma_start3A_359] : memref<20000x128xf32, #tpu.memory_space<hbm>> -> memref<20000x128xf32, #tpu.memory_space<hbm>>
      tpu.enqueue_indirect_dma source(%dma_start3A_360 : memref<20000x128xf32, #tpu.memory_space<hbm>>) target(%dma_start3A_354 : memref<128x128xf32, #tpu.memory_space<vmem>>) offsets(%dma_start3A_357 : memref<128xi32, #tpu.memory_space<vmem>>) semaphore(%arg15 : memref<!tpu.dma_semaphore, #tpu.memory_space<semaphore_mem>>)
      %get3A_361 = arith.constant 0 : i32
      %get3A_362 = arith.constant 4 : i32
      %get3A_363 = arith.index_cast %get3A_361 : i32 to index
      %get3A_364 = arith.index_cast %get3A_362 : i32 to index
      %get3A_365 = arith.constant 0 : index
      %get3A_366 = tpu.vector_load %arg10[%get3A_363, %get3A_364, %get3A_365] {strides = array<i32>} : memref<2x8x128xi32, #tpu.memory_space<vmem>>, vector<16xi32>,
      tpu.vector_store_idx %arg12[%get3A_366], %broadcast_in_dim3A_1 {add = true} : memref<10016xf32, #tpu.memory_space<vmem>>[vector<16xi32>], vector<16xf32>,
      %get3A_367 = arith.constant 0 : i32
      %get3A_368 = arith.constant 4 : i32
      %get3A_369 = arith.index_cast %get3A_367 : i32 to index
      %get3A_370 = arith.index_cast %get3A_368 : i32 to index
      %get3A_371 = arith.constant 16 : index
      %get3A_372 = tpu.vector_load %arg10[%get3A_369, %get3A_370, %get3A_371] {strides = array<i32>} : memref<2x8x128xi32, #tpu.memory_space<vmem>>, vector<16xi32>,
      tpu.vector_store_idx %arg12[%get3A_372], %broadcast_in_dim3A_1 {add = true} : memref<10016xf32, #tpu.memory_space<vmem>>[vector<16xi32>], vector<16xf32>,
      %get3A_373 = arith.constant 0 : i32
      %get3A_374 = arith.constant 4 : i32
      %get3A_375 = arith.index_cast %get3A_373 : i32 to index
      %get3A_376 = arith.index_cast %get3A_374 : i32 to index
      %get3A_377 = arith.constant 32 : index
      %get3A_378 = tpu.vector_load %arg10[%get3A_375, %get3A_376, %get3A_377] {strides = array<i32>} : memref<2x8x128xi32, #tpu.memory_space<vmem>>, vector<16xi32>,
      tpu.vector_store_idx %arg12[%get3A_378], %broadcast_in_dim3A_1 {add = true} : memref<10016xf32, #tpu.memory_space<vmem>>[vector<16xi32>], vector<16xf32>,
      %get3A_379 = arith.constant 0 : i32
      %get3A_380 = arith.constant 4 : i32
      %get3A_381 = arith.index_cast %get3A_379 : i32 to index
      %get3A_382 = arith.index_cast %get3A_380 : i32 to index
      %get3A_383 = arith.constant 48 : index
      %get3A_384 = tpu.vector_load %arg10[%get3A_381, %get3A_382, %get3A_383] {strides = array<i32>} : memref<2x8x128xi32, #tpu.memory_space<vmem>>, vector<16xi32>,
      tpu.vector_store_idx %arg12[%get3A_384], %broadcast_in_dim3A_1 {add = true} : memref<10016xf32, #tpu.memory_space<vmem>>[vector<16xi32>], vector<16xf32>,
      %get3A_385 = arith.constant 0 : i32
      %get3A_386 = arith.constant 4 : i32
      %get3A_387 = arith.index_cast %get3A_385 : i32 to index
      %get3A_388 = arith.index_cast %get3A_386 : i32 to index
      %get3A_389 = arith.constant 64 : index
      %get3A_390 = tpu.vector_load %arg10[%get3A_387, %get3A_388, %get3A_389] {strides = array<i32>} : memref<2x8x128xi32, #tpu.memory_space<vmem>>, vector<16xi32>,
      tpu.vector_store_idx %arg12[%get3A_390], %broadcast_in_dim3A_1 {add = true} : memref<10016xf32, #tpu.memory_space<vmem>>[vector<16xi32>], vector<16xf32>,
      %get3A_391 = arith.constant 0 : i32
      %get3A_392 = arith.constant 4 : i32
      %get3A_393 = arith.index_cast %get3A_391 : i32 to index
      %get3A_394 = arith.index_cast %get3A_392 : i32 to index
      %get3A_395 = arith.constant 80 : index
      %get3A_396 = tpu.vector_load %arg10[%get3A_393, %get3A_394, %get3A_395] {strides = array<i32>} : memref<2x8x128xi32, #tpu.memory_space<vmem>>, vector<16xi32>,
      tpu.vector_store_idx %arg12[%get3A_396], %broadcast_in_dim3A_1 {add = true} : memref<10016xf32, #tpu.memory_space<vmem>>[vector<16xi32>], vector<16xf32>,
      %get3A_397 = arith.constant 0 : i32
      %get3A_398 = arith.constant 4 : i32
      %get3A_399 = arith.index_cast %get3A_397 : i32 to index
      %get3A_400 = arith.index_cast %get3A_398 : i32 to index
      %get3A_401 = arith.constant 96 : index
      %get3A_402 = tpu.vector_load %arg10[%get3A_399, %get3A_400, %get3A_401] {strides = array<i32>} : memref<2x8x128xi32, #tpu.memory_space<vmem>>, vector<16xi32>,
      tpu.vector_store_idx %arg12[%get3A_402], %broadcast_in_dim3A_1 {add = true} : memref<10016xf32, #tpu.memory_space<vmem>>[vector<16xi32>], vector<16xf32>,
      %get3A_403 = arith.constant 0 : i32
      %get3A_404 = arith.constant 4 : i32
      %get3A_405 = arith.index_cast %get3A_403 : i32 to index
      %get3A_406 = arith.index_cast %get3A_404 : i32 to index
      %get3A_407 = arith.constant 112 : index
      %get3A_408 = tpu.vector_load %arg10[%get3A_405, %get3A_406, %get3A_407] {strides = array<i32>} : memref<2x8x128xi32, #tpu.memory_space<vmem>>, vector<16xi32>,
      tpu.vector_store_idx %arg12[%get3A_408], %broadcast_in_dim3A_1 {add = true} : memref<10016xf32, #tpu.memory_space<vmem>>[vector<16xi32>], vector<16xf32>,
      %dma_wait3A_409 = arith.constant 0 : i32
      %dma_wait3A_410 = arith.constant 4 : i32
      %dma_wait3A_411 = arith.constant 0 : i32
      %dma_wait3A_412 = arith.constant 0 : i32
      %dma_wait3A_413 = arith.constant 0 : i32
      %dma_wait3A_414 = tpu.memref_slice %arg11[%dma_wait3A_411, %dma_wait3A_412, %dma_wait3A_413] : memref<2x128x128xf32, #tpu.memory_space<vmem>> -> memref<1x128x128xf32, #tpu.memory_space<vmem>>
      %dma_wait3A_415 = tpu.memref_squeeze %dma_wait3A_414 : memref<1x128x128xf32, #tpu.memory_space<vmem>> -> memref<128x128xf32, #tpu.memory_space<vmem>>
      %dma_wait3A_416 = arith.constant 0 : i32
      %dma_wait3A_417 = tpu.memref_slice %arg9[%dma_wait3A_409, %dma_wait3A_410, %dma_wait3A_416] : memref<2x8x128xi32, #tpu.memory_space<vmem>> -> memref<1x1x128xi32, #tpu.memory_space<vmem>>
      %dma_wait3A_418 = tpu.memref_squeeze %dma_wait3A_417 : memref<1x1x128xi32, #tpu.memory_space<vmem>> -> memref<128xi32, #tpu.memory_space<vmem>>
      %dma_wait3A_419 = arith.constant 0 : i32
      %dma_wait3A_420 = arith.constant 0 : i32
      %dma_wait3A_421 = tpu.memref_slice %arg2[%dma_wait3A_419, %dma_wait3A_420] : memref<20000x128xf32, #tpu.memory_space<hbm>> -> memref<20000x128xf32, #tpu.memory_space<hbm>>
      tpu.wait_indirect_dma semaphore(%arg14 : memref<!tpu.dma_semaphore, #tpu.memory_space<semaphore_mem>>) src(%dma_wait3A_421 : memref<20000x128xf32, #tpu.memory_space<hbm>>) dst(%dma_wait3A_415 : memref<128x128xf32, #tpu.memory_space<vmem>>)
      %run_scoped3A_422 = arith.constant 0 : i32
      %run_scoped3A_423 = arith.constant 0 : i32
      %run_scoped3A_424 = arith.constant 4 : i32
      "tpu.region"() ({
        %run_scoped3A_1271 = tpu.sem_alloc : memref<!tpu.dma_semaphore, #tpu.memory_space<semaphore_mem>>
        %dma_start3A_1272 = arith.constant 0 : i32
        %dma_start3A_1273 = arith.constant 0 : i32
        %dma_start3A_1274 = tpu.memref_slice %arg11[%run_scoped3A_422, %dma_start3A_1272, %dma_start3A_1273] : memref<2x128x128xf32, #tpu.memory_space<vmem>> -> memref<1x128x128xf32, #tpu.memory_space<vmem>>
        %dma_start3A_1275 = tpu.memref_squeeze %dma_start3A_1274 : memref<1x128x128xf32, #tpu.memory_space<vmem>> -> memref<128x128xf32, #tpu.memory_space<vmem>>
        %dma_start3A_1276 = arith.constant 0 : i32
        %dma_start3A_1277 = tpu.memref_slice %arg10[%run_scoped3A_423, %run_scoped3A_424, %dma_start3A_1276] : memref<2x8x128xi32, #tpu.memory_space<vmem>> -> memref<1x1x128xi32, #tpu.memory_space<vmem>>
        %dma_start3A_1278 = tpu.memref_squeeze %dma_start3A_1277 : memref<1x1x128xi32, #tpu.memory_space<vmem>> -> memref<128xi32, #tpu.memory_space<vmem>>
        %dma_start3A_1279 = arith.constant 0 : i32
        %dma_start3A_1280 = arith.constant 0 : i32
        %dma_start3A_1281 = tpu.memref_slice %arg13[%dma_start3A_1279, %dma_start3A_1280] : memref<10008x128xf32, #tpu.memory_space<vmem_shared>> -> memref<10008x128xf32, #tpu.memory_space<vmem_shared>>
        tpu.enqueue_indirect_dma source(%dma_start3A_1275 : memref<128x128xf32, #tpu.memory_space<vmem>>) target(%dma_start3A_1281 : memref<10008x128xf32, #tpu.memory_space<vmem_shared>>) offsets(%dma_start3A_1278 : memref<128xi32, #tpu.memory_space<vmem>>) semaphore(%run_scoped3A_1271 : memref<!tpu.dma_semaphore, #tpu.memory_space<semaphore_mem>>) {add = true}
        %dma_wait3A_1282 = arith.constant 0 : i32
        %dma_wait3A_1283 = arith.constant 0 : i32
        %dma_wait3A_1284 = tpu.memref_slice %arg11[%run_scoped3A_422, %dma_wait3A_1282, %dma_wait3A_1283] : memref<2x128x128xf32, #tpu.memory_space<vmem>> -> memref<1x128x128xf32, #tpu.memory_space<vmem>>
        %dma_wait3A_1285 = tpu.memref_squeeze %dma_wait3A_1284 : memref<1x128x128xf32, #tpu.memory_space<vmem>> -> memref<128x128xf32, #tpu.memory_space<vmem>>
        %dma_wait3A_1286 = arith.constant 0 : i32
        %dma_wait3A_1287 = tpu.memref_slice %arg10[%run_scoped3A_423, %run_scoped3A_424, %dma_wait3A_1286] : memref<2x8x128xi32, #tpu.memory_space<vmem>> -> memref<1x1x128xi32, #tpu.memory_space<vmem>>
        %dma_wait3A_1288 = tpu.memref_squeeze %dma_wait3A_1287 : memref<1x1x128xi32, #tpu.memory_space<vmem>> -> memref<128xi32, #tpu.memory_space<vmem>>
        %dma_wait3A_1289 = arith.constant 0 : i32
        %dma_wait3A_1290 = arith.constant 0 : i32
        %dma_wait3A_1291 = tpu.memref_slice %arg13[%dma_wait3A_1289, %dma_wait3A_1290] : memref<10008x128xf32, #tpu.memory_space<vmem_shared>> -> memref<10008x128xf32, #tpu.memory_space<vmem_shared>>
        tpu.wait_indirect_dma semaphore(%run_scoped3A_1271 : memref<!tpu.dma_semaphore, #tpu.memory_space<semaphore_mem>>) src(%dma_wait3A_1285 : memref<128x128xf32, #tpu.memory_space<vmem>>) dst(%dma_wait3A_1291 : memref<10008x128xf32, #tpu.memory_space<vmem_shared>>)
        tpu.yield
      }) : () -> ()
      %dma_start3A_425 = arith.constant 0 : i32
      %dma_start3A_426 = arith.constant 6 : i32
      %dma_start3A_427 = arith.constant 0 : i32
      %dma_start3A_428 = arith.constant 0 : i32
      %dma_start3A_429 = arith.constant 0 : i32
      %dma_start3A_430 = tpu.memref_slice %arg11[%dma_start3A_427, %dma_start3A_428, %dma_start3A_429] : memref<2x128x128xf32, #tpu.memory_space<vmem>> -> memref<1x128x128xf32, #tpu.memory_space<vmem>>
      %dma_start3A_431 = tpu.memref_squeeze %dma_start3A_430 : memref<1x128x128xf32, #tpu.memory_space<vmem>> -> memref<128x128xf32, #tpu.memory_space<vmem>>
      %dma_start3A_432 = arith.constant 0 : i32
      %dma_start3A_433 = tpu.memref_slice %arg9[%dma_start3A_425, %dma_start3A_426, %dma_start3A_432] : memref<2x8x128xi32, #tpu.memory_space<vmem>> -> memref<1x1x128xi32, #tpu.memory_space<vmem>>
      %dma_start3A_434 = tpu.memref_squeeze %dma_start3A_433 : memref<1x1x128xi32, #tpu.memory_space<vmem>> -> memref<128xi32, #tpu.memory_space<vmem>>
      %dma_start3A_435 = arith.constant 0 : i32
      %dma_start3A_436 = arith.constant 0 : i32
      %dma_start3A_437 = tpu.memref_slice %arg2[%dma_start3A_435, %dma_start3A_436] : memref<20000x128xf32, #tpu.memory_space<hbm>> -> memref<20000x128xf32, #tpu.memory_space<hbm>>
      tpu.enqueue_indirect_dma source(%dma_start3A_437 : memref<20000x128xf32, #tpu.memory_space<hbm>>) target(%dma_start3A_431 : memref<128x128xf32, #tpu.memory_space<vmem>>) offsets(%dma_start3A_434 : memref<128xi32, #tpu.memory_space<vmem>>) semaphore(%arg14 : memref<!tpu.dma_semaphore, #tpu.memory_space<semaphore_mem>>)
      %get3A_438 = arith.constant 0 : i32
      %get3A_439 = arith.constant 5 : i32
      %get3A_440 = arith.index_cast %get3A_438 : i32 to index
      %get3A_441 = arith.index_cast %get3A_439 : i32 to index
      %get3A_442 = arith.constant 0 : index
      %get3A_443 = tpu.vector_load %arg10[%get3A_440, %get3A_441, %get3A_442] {strides = array<i32>} : memref<2x8x128xi32, #tpu.memory_space<vmem>>, vector<16xi32>,
      tpu.vector_store_idx %arg12[%get3A_443], %broadcast_in_dim3A_1 {add = true} : memref<10016xf32, #tpu.memory_space<vmem>>[vector<16xi32>], vector<16xf32>,
      %get3A_444 = arith.constant 0 : i32
      %get3A_445 = arith.constant 5 : i32
      %get3A_446 = arith.index_cast %get3A_444 : i32 to index
      %get3A_447 = arith.index_cast %get3A_445 : i32 to index
      %get3A_448 = arith.constant 16 : index
      %get3A_449 = tpu.vector_load %arg10[%get3A_446, %get3A_447, %get3A_448] {strides = array<i32>} : memref<2x8x128xi32, #tpu.memory_space<vmem>>, vector<16xi32>,
      tpu.vector_store_idx %arg12[%get3A_449], %broadcast_in_dim3A_1 {add = true} : memref<10016xf32, #tpu.memory_space<vmem>>[vector<16xi32>], vector<16xf32>,
      %get3A_450 = arith.constant 0 : i32
      %get3A_451 = arith.constant 5 : i32
      %get3A_452 = arith.index_cast %get3A_450 : i32 to index
      %get3A_453 = arith.index_cast %get3A_451 : i32 to index
      %get3A_454 = arith.constant 32 : index
      %get3A_455 = tpu.vector_load %arg10[%get3A_452, %get3A_453, %get3A_454] {strides = array<i32>} : memref<2x8x128xi32, #tpu.memory_space<vmem>>, vector<16xi32>,
      tpu.vector_store_idx %arg12[%get3A_455], %broadcast_in_dim3A_1 {add = true} : memref<10016xf32, #tpu.memory_space<vmem>>[vector<16xi32>], vector<16xf32>,
      %get3A_456 = arith.constant 0 : i32
      %get3A_457 = arith.constant 5 : i32
      %get3A_458 = arith.index_cast %get3A_456 : i32 to index
      %get3A_459 = arith.index_cast %get3A_457 : i32 to index
      %get3A_460 = arith.constant 48 : index
      %get3A_461 = tpu.vector_load %arg10[%get3A_458, %get3A_459, %get3A_460] {strides = array<i32>} : memref<2x8x128xi32, #tpu.memory_space<vmem>>, vector<16xi32>,
      tpu.vector_store_idx %arg12[%get3A_461], %broadcast_in_dim3A_1 {add = true} : memref<10016xf32, #tpu.memory_space<vmem>>[vector<16xi32>], vector<16xf32>,
      %get3A_462 = arith.constant 0 : i32
      %get3A_463 = arith.constant 5 : i32
      %get3A_464 = arith.index_cast %get3A_462 : i32 to index
      %get3A_465 = arith.index_cast %get3A_463 : i32 to index
      %get3A_466 = arith.constant 64 : index
      %get3A_467 = tpu.vector_load %arg10[%get3A_464, %get3A_465, %get3A_466] {strides = array<i32>} : memref<2x8x128xi32, #tpu.memory_space<vmem>>, vector<16xi32>,
      tpu.vector_store_idx %arg12[%get3A_467], %broadcast_in_dim3A_1 {add = true} : memref<10016xf32, #tpu.memory_space<vmem>>[vector<16xi32>], vector<16xf32>,
      %get3A_468 = arith.constant 0 : i32
      %get3A_469 = arith.constant 5 : i32
      %get3A_470 = arith.index_cast %get3A_468 : i32 to index
      %get3A_471 = arith.index_cast %get3A_469 : i32 to index
      %get3A_472 = arith.constant 80 : index
      %get3A_473 = tpu.vector_load %arg10[%get3A_470, %get3A_471, %get3A_472] {strides = array<i32>} : memref<2x8x128xi32, #tpu.memory_space<vmem>>, vector<16xi32>,
      tpu.vector_store_idx %arg12[%get3A_473], %broadcast_in_dim3A_1 {add = true} : memref<10016xf32, #tpu.memory_space<vmem>>[vector<16xi32>], vector<16xf32>,
      %get3A_474 = arith.constant 0 : i32
      %get3A_475 = arith.constant 5 : i32
      %get3A_476 = arith.index_cast %get3A_474 : i32 to index
      %get3A_477 = arith.index_cast %get3A_475 : i32 to index
      %get3A_478 = arith.constant 96 : index
      %get3A_479 = tpu.vector_load %arg10[%get3A_476, %get3A_477, %get3A_478] {strides = array<i32>} : memref<2x8x128xi32, #tpu.memory_space<vmem>>, vector<16xi32>,
      tpu.vector_store_idx %arg12[%get3A_479], %broadcast_in_dim3A_1 {add = true} : memref<10016xf32, #tpu.memory_space<vmem>>[vector<16xi32>], vector<16xf32>,
      %get3A_480 = arith.constant 0 : i32
      %get3A_481 = arith.constant 5 : i32
      %get3A_482 = arith.index_cast %get3A_480 : i32 to index
      %get3A_483 = arith.index_cast %get3A_481 : i32 to index
      %get3A_484 = arith.constant 112 : index
      %get3A_485 = tpu.vector_load %arg10[%get3A_482, %get3A_483, %get3A_484] {strides = array<i32>} : memref<2x8x128xi32, #tpu.memory_space<vmem>>, vector<16xi32>,
      tpu.vector_store_idx %arg12[%get3A_485], %broadcast_in_dim3A_1 {add = true} : memref<10016xf32, #tpu.memory_space<vmem>>[vector<16xi32>], vector<16xf32>,
      %dma_wait3A_486 = arith.constant 0 : i32
      %dma_wait3A_487 = arith.constant 5 : i32
      %dma_wait3A_488 = arith.constant 1 : i32
      %dma_wait3A_489 = arith.constant 0 : i32
      %dma_wait3A_490 = arith.constant 0 : i32
      %dma_wait3A_491 = tpu.memref_slice %arg11[%dma_wait3A_488, %dma_wait3A_489, %dma_wait3A_490] : memref<2x128x128xf32, #tpu.memory_space<vmem>> -> memref<1x128x128xf32, #tpu.memory_space<vmem>>
      %dma_wait3A_492 = tpu.memref_squeeze %dma_wait3A_491 : memref<1x128x128xf32, #tpu.memory_space<vmem>> -> memref<128x128xf32, #tpu.memory_space<vmem>>
      %dma_wait3A_493 = arith.constant 0 : i32
      %dma_wait3A_494 = tpu.memref_slice %arg9[%dma_wait3A_486, %dma_wait3A_487, %dma_wait3A_493] : memref<2x8x128xi32, #tpu.memory_space<vmem>> -> memref<1x1x128xi32, #tpu.memory_space<vmem>>
      %dma_wait3A_495 = tpu.memref_squeeze %dma_wait3A_494 : memref<1x1x128xi32, #tpu.memory_space<vmem>> -> memref<128xi32, #tpu.memory_space<vmem>>
      %dma_wait3A_496 = arith.constant 0 : i32
      %dma_wait3A_497 = arith.constant 0 : i32
      %dma_wait3A_498 = tpu.memref_slice %arg2[%dma_wait3A_496, %dma_wait3A_497] : memref<20000x128xf32, #tpu.memory_space<hbm>> -> memref<20000x128xf32, #tpu.memory_space<hbm>>
      tpu.wait_indirect_dma semaphore(%arg15 : memref<!tpu.dma_semaphore, #tpu.memory_space<semaphore_mem>>) src(%dma_wait3A_498 : memref<20000x128xf32, #tpu.memory_space<hbm>>) dst(%dma_wait3A_492 : memref<128x128xf32, #tpu.memory_space<vmem>>)
      %run_scoped3A_499 = arith.constant 1 : i32
      %run_scoped3A_500 = arith.constant 0 : i32
      %run_scoped3A_501 = arith.constant 5 : i32
      "tpu.region"() ({
        %run_scoped3A_1271 = tpu.sem_alloc : memref<!tpu.dma_semaphore, #tpu.memory_space<semaphore_mem>>
        %dma_start3A_1272 = arith.constant 0 : i32
        %dma_start3A_1273 = arith.constant 0 : i32
        %dma_start3A_1274 = tpu.memref_slice %arg11[%run_scoped3A_499, %dma_start3A_1272, %dma_start3A_1273] : memref<2x128x128xf32, #tpu.memory_space<vmem>> -> memref<1x128x128xf32, #tpu.memory_space<vmem>>
        %dma_start3A_1275 = tpu.memref_squeeze %dma_start3A_1274 : memref<1x128x128xf32, #tpu.memory_space<vmem>> -> memref<128x128xf32, #tpu.memory_space<vmem>>
        %dma_start3A_1276 = arith.constant 0 : i32
        %dma_start3A_1277 = tpu.memref_slice %arg10[%run_scoped3A_500, %run_scoped3A_501, %dma_start3A_1276] : memref<2x8x128xi32, #tpu.memory_space<vmem>> -> memref<1x1x128xi32, #tpu.memory_space<vmem>>
        %dma_start3A_1278 = tpu.memref_squeeze %dma_start3A_1277 : memref<1x1x128xi32, #tpu.memory_space<vmem>> -> memref<128xi32, #tpu.memory_space<vmem>>
        %dma_start3A_1279 = arith.constant 0 : i32
        %dma_start3A_1280 = arith.constant 0 : i32
        %dma_start3A_1281 = tpu.memref_slice %arg13[%dma_start3A_1279, %dma_start3A_1280] : memref<10008x128xf32, #tpu.memory_space<vmem_shared>> -> memref<10008x128xf32, #tpu.memory_space<vmem_shared>>
        tpu.enqueue_indirect_dma source(%dma_start3A_1275 : memref<128x128xf32, #tpu.memory_space<vmem>>) target(%dma_start3A_1281 : memref<10008x128xf32, #tpu.memory_space<vmem_shared>>) offsets(%dma_start3A_1278 : memref<128xi32, #tpu.memory_space<vmem>>) semaphore(%run_scoped3A_1271 : memref<!tpu.dma_semaphore, #tpu.memory_space<semaphore_mem>>) {add = true}
        %dma_wait3A_1282 = arith.constant 0 : i32
        %dma_wait3A_1283 = arith.constant 0 : i32
        %dma_wait3A_1284 = tpu.memref_slice %arg11[%run_scoped3A_499, %dma_wait3A_1282, %dma_wait3A_1283] : memref<2x128x128xf32, #tpu.memory_space<vmem>> -> memref<1x128x128xf32, #tpu.memory_space<vmem>>
        %dma_wait3A_1285 = tpu.memref_squeeze %dma_wait3A_1284 : memref<1x128x128xf32, #tpu.memory_space<vmem>> -> memref<128x128xf32, #tpu.memory_space<vmem>>
        %dma_wait3A_1286 = arith.constant 0 : i32
        %dma_wait3A_1287 = tpu.memref_slice %arg10[%run_scoped3A_500, %run_scoped3A_501, %dma_wait3A_1286] : memref<2x8x128xi32, #tpu.memory_space<vmem>> -> memref<1x1x128xi32, #tpu.memory_space<vmem>>
        %dma_wait3A_1288 = tpu.memref_squeeze %dma_wait3A_1287 : memref<1x1x128xi32, #tpu.memory_space<vmem>> -> memref<128xi32, #tpu.memory_space<vmem>>
        %dma_wait3A_1289 = arith.constant 0 : i32
        %dma_wait3A_1290 = arith.constant 0 : i32
        %dma_wait3A_1291 = tpu.memref_slice %arg13[%dma_wait3A_1289, %dma_wait3A_1290] : memref<10008x128xf32, #tpu.memory_space<vmem_shared>> -> memref<10008x128xf32, #tpu.memory_space<vmem_shared>>
        tpu.wait_indirect_dma semaphore(%run_scoped3A_1271 : memref<!tpu.dma_semaphore, #tpu.memory_space<semaphore_mem>>) src(%dma_wait3A_1285 : memref<128x128xf32, #tpu.memory_space<vmem>>) dst(%dma_wait3A_1291 : memref<10008x128xf32, #tpu.memory_space<vmem_shared>>)
        tpu.yield
      }) : () -> ()
      %dma_start3A_502 = arith.constant 0 : i32
      %dma_start3A_503 = arith.constant 7 : i32
      %dma_start3A_504 = arith.constant 1 : i32
      %dma_start3A_505 = arith.constant 0 : i32
      %dma_start3A_506 = arith.constant 0 : i32
      %dma_start3A_507 = tpu.memref_slice %arg11[%dma_start3A_504, %dma_start3A_505, %dma_start3A_506] : memref<2x128x128xf32, #tpu.memory_space<vmem>> -> memref<1x128x128xf32, #tpu.memory_space<vmem>>
      %dma_start3A_508 = tpu.memref_squeeze %dma_start3A_507 : memref<1x128x128xf32, #tpu.memory_space<vmem>> -> memref<128x128xf32, #tpu.memory_space<vmem>>
      %dma_start3A_509 = arith.constant 0 : i32
      %dma_start3A_510 = tpu.memref_slice %arg9[%dma_start3A_502, %dma_start3A_503, %dma_start3A_509] : memref<2x8x128xi32, #tpu.memory_space<vmem>> -> memref<1x1x128xi32, #tpu.memory_space<vmem>>
      %dma_start3A_511 = tpu.memref_squeeze %dma_start3A_510 : memref<1x1x128xi32, #tpu.memory_space<vmem>> -> memref<128xi32, #tpu.memory_space<vmem>>
      %dma_start3A_512 = arith.constant 0 : i32
      %dma_start3A_513 = arith.constant 0 : i32
      %dma_start3A_514 = tpu.memref_slice %arg2[%dma_start3A_512, %dma_start3A_513] : memref<20000x128xf32, #tpu.memory_space<hbm>> -> memref<20000x128xf32, #tpu.memory_space<hbm>>
      tpu.enqueue_indirect_dma source(%dma_start3A_514 : memref<20000x128xf32, #tpu.memory_space<hbm>>) target(%dma_start3A_508 : memref<128x128xf32, #tpu.memory_space<vmem>>) offsets(%dma_start3A_511 : memref<128xi32, #tpu.memory_space<vmem>>) semaphore(%arg15 : memref<!tpu.dma_semaphore, #tpu.memory_space<semaphore_mem>>)
      %get3A_515 = arith.constant 0 : i32
      %get3A_516 = arith.constant 6 : i32
      %get3A_517 = arith.index_cast %get3A_515 : i32 to index
      %get3A_518 = arith.index_cast %get3A_516 : i32 to index
      %get3A_519 = arith.constant 0 : index
      %get3A_520 = tpu.vector_load %arg10[%get3A_517, %get3A_518, %get3A_519] {strides = array<i32>} : memref<2x8x128xi32, #tpu.memory_space<vmem>>, vector<16xi32>,
      tpu.vector_store_idx %arg12[%get3A_520], %broadcast_in_dim3A_1 {add = true} : memref<10016xf32, #tpu.memory_space<vmem>>[vector<16xi32>], vector<16xf32>,
      %get3A_521 = arith.constant 0 : i32
      %get3A_522 = arith.constant 6 : i32
      %get3A_523 = arith.index_cast %get3A_521 : i32 to index
      %get3A_524 = arith.index_cast %get3A_522 : i32 to index
      %get3A_525 = arith.constant 16 : index
      %get3A_526 = tpu.vector_load %arg10[%get3A_523, %get3A_524, %get3A_525] {strides = array<i32>} : memref<2x8x128xi32, #tpu.memory_space<vmem>>, vector<16xi32>,
      tpu.vector_store_idx %arg12[%get3A_526], %broadcast_in_dim3A_1 {add = true} : memref<10016xf32, #tpu.memory_space<vmem>>[vector<16xi32>], vector<16xf32>,
      %get3A_527 = arith.constant 0 : i32
      %get3A_528 = arith.constant 6 : i32
      %get3A_529 = arith.index_cast %get3A_527 : i32 to index
      %get3A_530 = arith.index_cast %get3A_528 : i32 to index
      %get3A_531 = arith.constant 32 : index
      %get3A_532 = tpu.vector_load %arg10[%get3A_529, %get3A_530, %get3A_531] {strides = array<i32>} : memref<2x8x128xi32, #tpu.memory_space<vmem>>, vector<16xi32>,
      tpu.vector_store_idx %arg12[%get3A_532], %broadcast_in_dim3A_1 {add = true} : memref<10016xf32, #tpu.memory_space<vmem>>[vector<16xi32>], vector<16xf32>,
      %get3A_533 = arith.constant 0 : i32
      %get3A_534 = arith.constant 6 : i32
      %get3A_535 = arith.index_cast %get3A_533 : i32 to index
      %get3A_536 = arith.index_cast %get3A_534 : i32 to index
      %get3A_537 = arith.constant 48 : index
      %get3A_538 = tpu.vector_load %arg10[%get3A_535, %get3A_536, %get3A_537] {strides = array<i32>} : memref<2x8x128xi32, #tpu.memory_space<vmem>>, vector<16xi32>,
      tpu.vector_store_idx %arg12[%get3A_538], %broadcast_in_dim3A_1 {add = true} : memref<10016xf32, #tpu.memory_space<vmem>>[vector<16xi32>], vector<16xf32>,
      %get3A_539 = arith.constant 0 : i32
      %get3A_540 = arith.constant 6 : i32
      %get3A_541 = arith.index_cast %get3A_539 : i32 to index
      %get3A_542 = arith.index_cast %get3A_540 : i32 to index
      %get3A_543 = arith.constant 64 : index
      %get3A_544 = tpu.vector_load %arg10[%get3A_541, %get3A_542, %get3A_543] {strides = array<i32>} : memref<2x8x128xi32, #tpu.memory_space<vmem>>, vector<16xi32>,
      tpu.vector_store_idx %arg12[%get3A_544], %broadcast_in_dim3A_1 {add = true} : memref<10016xf32, #tpu.memory_space<vmem>>[vector<16xi32>], vector<16xf32>,
      %get3A_545 = arith.constant 0 : i32
      %get3A_546 = arith.constant 6 : i32
      %get3A_547 = arith.index_cast %get3A_545 : i32 to index
      %get3A_548 = arith.index_cast %get3A_546 : i32 to index
      %get3A_549 = arith.constant 80 : index
      %get3A_550 = tpu.vector_load %arg10[%get3A_547, %get3A_548, %get3A_549] {strides = array<i32>} : memref<2x8x128xi32, #tpu.memory_space<vmem>>, vector<16xi32>,
      tpu.vector_store_idx %arg12[%get3A_550], %broadcast_in_dim3A_1 {add = true} : memref<10016xf32, #tpu.memory_space<vmem>>[vector<16xi32>], vector<16xf32>,
      %get3A_551 = arith.constant 0 : i32
      %get3A_552 = arith.constant 6 : i32
      %get3A_553 = arith.index_cast %get3A_551 : i32 to index
      %get3A_554 = arith.index_cast %get3A_552 : i32 to index
      %get3A_555 = arith.constant 96 : index
      %get3A_556 = tpu.vector_load %arg10[%get3A_553, %get3A_554, %get3A_555] {strides = array<i32>} : memref<2x8x128xi32, #tpu.memory_space<vmem>>, vector<16xi32>,
      tpu.vector_store_idx %arg12[%get3A_556], %broadcast_in_dim3A_1 {add = true} : memref<10016xf32, #tpu.memory_space<vmem>>[vector<16xi32>], vector<16xf32>,
      %get3A_557 = arith.constant 0 : i32
      %get3A_558 = arith.constant 6 : i32
      %get3A_559 = arith.index_cast %get3A_557 : i32 to index
      %get3A_560 = arith.index_cast %get3A_558 : i32 to index
      %get3A_561 = arith.constant 112 : index
      %get3A_562 = tpu.vector_load %arg10[%get3A_559, %get3A_560, %get3A_561] {strides = array<i32>} : memref<2x8x128xi32, #tpu.memory_space<vmem>>, vector<16xi32>,
      tpu.vector_store_idx %arg12[%get3A_562], %broadcast_in_dim3A_1 {add = true} : memref<10016xf32, #tpu.memory_space<vmem>>[vector<16xi32>], vector<16xf32>,
      %dma_wait3A_563 = arith.constant 0 : i32
      %dma_wait3A_564 = arith.constant 6 : i32
      %dma_wait3A_565 = arith.constant 0 : i32
      %dma_wait3A_566 = arith.constant 0 : i32
      %dma_wait3A_567 = arith.constant 0 : i32
      %dma_wait3A_568 = tpu.memref_slice %arg11[%dma_wait3A_565, %dma_wait3A_566, %dma_wait3A_567] : memref<2x128x128xf32, #tpu.memory_space<vmem>> -> memref<1x128x128xf32, #tpu.memory_space<vmem>>
      %dma_wait3A_569 = tpu.memref_squeeze %dma_wait3A_568 : memref<1x128x128xf32, #tpu.memory_space<vmem>> -> memref<128x128xf32, #tpu.memory_space<vmem>>
      %dma_wait3A_570 = arith.constant 0 : i32
      %dma_wait3A_571 = tpu.memref_slice %arg9[%dma_wait3A_563, %dma_wait3A_564, %dma_wait3A_570] : memref<2x8x128xi32, #tpu.memory_space<vmem>> -> memref<1x1x128xi32, #tpu.memory_space<vmem>>
      %dma_wait3A_572 = tpu.memref_squeeze %dma_wait3A_571 : memref<1x1x128xi32, #tpu.memory_space<vmem>> -> memref<128xi32, #tpu.memory_space<vmem>>
      %dma_wait3A_573 = arith.constant 0 : i32
      %dma_wait3A_574 = arith.constant 0 : i32
      %dma_wait3A_575 = tpu.memref_slice %arg2[%dma_wait3A_573, %dma_wait3A_574] : memref<20000x128xf32, #tpu.memory_space<hbm>> -> memref<20000x128xf32, #tpu.memory_space<hbm>>
      tpu.wait_indirect_dma semaphore(%arg14 : memref<!tpu.dma_semaphore, #tpu.memory_space<semaphore_mem>>) src(%dma_wait3A_575 : memref<20000x128xf32, #tpu.memory_space<hbm>>) dst(%dma_wait3A_569 : memref<128x128xf32, #tpu.memory_space<vmem>>)
      %run_scoped3A_576 = arith.constant 0 : i32
      %run_scoped3A_577 = arith.constant 0 : i32
      %run_scoped3A_578 = arith.constant 6 : i32
      "tpu.region"() ({
        %run_scoped3A_1271 = tpu.sem_alloc : memref<!tpu.dma_semaphore, #tpu.memory_space<semaphore_mem>>
        %dma_start3A_1272 = arith.constant 0 : i32
        %dma_start3A_1273 = arith.constant 0 : i32
        %dma_start3A_1274 = tpu.memref_slice %arg11[%run_scoped3A_576, %dma_start3A_1272, %dma_start3A_1273] : memref<2x128x128xf32, #tpu.memory_space<vmem>> -> memref<1x128x128xf32, #tpu.memory_space<vmem>>
        %dma_start3A_1275 = tpu.memref_squeeze %dma_start3A_1274 : memref<1x128x128xf32, #tpu.memory_space<vmem>> -> memref<128x128xf32, #tpu.memory_space<vmem>>
        %dma_start3A_1276 = arith.constant 0 : i32
        %dma_start3A_1277 = tpu.memref_slice %arg10[%run_scoped3A_577, %run_scoped3A_578, %dma_start3A_1276] : memref<2x8x128xi32, #tpu.memory_space<vmem>> -> memref<1x1x128xi32, #tpu.memory_space<vmem>>
        %dma_start3A_1278 = tpu.memref_squeeze %dma_start3A_1277 : memref<1x1x128xi32, #tpu.memory_space<vmem>> -> memref<128xi32, #tpu.memory_space<vmem>>
        %dma_start3A_1279 = arith.constant 0 : i32
        %dma_start3A_1280 = arith.constant 0 : i32
        %dma_start3A_1281 = tpu.memref_slice %arg13[%dma_start3A_1279, %dma_start3A_1280] : memref<10008x128xf32, #tpu.memory_space<vmem_shared>> -> memref<10008x128xf32, #tpu.memory_space<vmem_shared>>
        tpu.enqueue_indirect_dma source(%dma_start3A_1275 : memref<128x128xf32, #tpu.memory_space<vmem>>) target(%dma_start3A_1281 : memref<10008x128xf32, #tpu.memory_space<vmem_shared>>) offsets(%dma_start3A_1278 : memref<128xi32, #tpu.memory_space<vmem>>) semaphore(%run_scoped3A_1271 : memref<!tpu.dma_semaphore, #tpu.memory_space<semaphore_mem>>) {add = true}
        %dma_wait3A_1282 = arith.constant 0 : i32
        %dma_wait3A_1283 = arith.constant 0 : i32
        %dma_wait3A_1284 = tpu.memref_slice %arg11[%run_scoped3A_576, %dma_wait3A_1282, %dma_wait3A_1283] : memref<2x128x128xf32, #tpu.memory_space<vmem>> -> memref<1x128x128xf32, #tpu.memory_space<vmem>>
        %dma_wait3A_1285 = tpu.memref_squeeze %dma_wait3A_1284 : memref<1x128x128xf32, #tpu.memory_space<vmem>> -> memref<128x128xf32, #tpu.memory_space<vmem>>
        %dma_wait3A_1286 = arith.constant 0 : i32
        %dma_wait3A_1287 = tpu.memref_slice %arg10[%run_scoped3A_577, %run_scoped3A_578, %dma_wait3A_1286] : memref<2x8x128xi32, #tpu.memory_space<vmem>> -> memref<1x1x128xi32, #tpu.memory_space<vmem>>
        %dma_wait3A_1288 = tpu.memref_squeeze %dma_wait3A_1287 : memref<1x1x128xi32, #tpu.memory_space<vmem>> -> memref<128xi32, #tpu.memory_space<vmem>>
        %dma_wait3A_1289 = arith.constant 0 : i32
        %dma_wait3A_1290 = arith.constant 0 : i32
        %dma_wait3A_1291 = tpu.memref_slice %arg13[%dma_wait3A_1289, %dma_wait3A_1290] : memref<10008x128xf32, #tpu.memory_space<vmem_shared>> -> memref<10008x128xf32, #tpu.memory_space<vmem_shared>>
        tpu.wait_indirect_dma semaphore(%run_scoped3A_1271 : memref<!tpu.dma_semaphore, #tpu.memory_space<semaphore_mem>>) src(%dma_wait3A_1285 : memref<128x128xf32, #tpu.memory_space<vmem>>) dst(%dma_wait3A_1291 : memref<10008x128xf32, #tpu.memory_space<vmem_shared>>)
        tpu.yield
      }) : () -> ()
      %add3A_579 = arith.constant 1 : i32
      %add3A_580 = arith.addi %mul3A_34, %add3A_579 : i32
      %lt3A_581 = arith.constant 20 : i32
      %lt3A_582 = arith.cmpi slt, %add3A_580, %lt3A_581 : i32
      %convert_element_type3A_583 = arith.extui %lt3A_582 : i1 to i32
      %cond3A_584 = arith.constant 0 : i32
      %cond3A_585 = arith.cmpi ne, %convert_element_type3A_583, %cond3A_584 : i32
      scf.if %cond3A_585 {
        %add3A_1271 = arith.constant 1 : i32
        %add3A_1272 = arith.addi %mul3A_34, %add3A_1271 : i32
        %mul3A_1273 = arith.constant 8 : i32
        %mul3A_1274 = arith.muli %add3A_1272, %mul3A_1273 : i32
        %dma_wait3A_1275 = arith.constant 1 : i32
        %dma_wait3A_1276 = arith.constant 0 : i32
        %dma_wait3A_1277 = arith.constant 0 : i32
        %dma_wait3A_1278 = tpu.memref_slice %arg9[%dma_wait3A_1275, %dma_wait3A_1276, %dma_wait3A_1277] : memref<2x8x128xi32, #tpu.memory_space<vmem>> -> memref<1x8x128xi32, #tpu.memory_space<vmem>>
        %dma_wait3A_1279 = tpu.memref_squeeze %dma_wait3A_1278 : memref<1x8x128xi32, #tpu.memory_space<vmem>> -> memref<8x128xi32, #tpu.memory_space<vmem>>
        %dma_wait3A_1280 = arith.constant 0 : i32
        %dma_wait3A_1281 = tpu.memref_slice %arg3[%add3A, %mul3A_1274, %dma_wait3A_1280] : memref<32x160x128xi32, #tpu.memory_space<hbm>> -> memref<1x8x128xi32, #tpu.memory_space<hbm>>
        %dma_wait3A_1282 = tpu.memref_squeeze %dma_wait3A_1281 : memref<1x8x128xi32, #tpu.memory_space<hbm>> -> memref<8x128xi32, #tpu.memory_space<hbm>>
        %dma_wait3A_1283 = arith.constant 0 : i32
        %dma_wait3A_1284 = arith.constant 0 : i32
        %dma_wait3A_1285 = tpu.memref_slice %arg9[%dma_wait3A_1275, %dma_wait3A_1283, %dma_wait3A_1284] : memref<2x8x128xi32, #tpu.memory_space<vmem>> -> memref<1x8x128xi32, #tpu.memory_space<vmem>>
        %dma_wait3A_1286 = tpu.memref_squeeze %dma_wait3A_1285 : memref<1x8x128xi32, #tpu.memory_space<vmem>> -> memref<8x128xi32, #tpu.memory_space<vmem>>
        %dma_wait3A_1287 = arith.constant 0 : i32
        %dma_wait3A_1288 = tpu.memref_slice %arg3[%add3A, %mul3A_1274, %dma_wait3A_1287] : memref<32x160x128xi32, #tpu.memory_space<hbm>> -> memref<1x8x128xi32, #tpu.memory_space<hbm>>
        %dma_wait3A_1289 = tpu.memref_squeeze %dma_wait3A_1288 : memref<1x8x128xi32, #tpu.memory_space<hbm>> -> memref<8x128xi32, #tpu.memory_space<hbm>>
        tpu.wait_dma2 semaphore(%arg16 : memref<!tpu.dma_semaphore, #tpu.memory_space<semaphore_mem>>) src(%dma_wait3A_1289 : memref<8x128xi32, #tpu.memory_space<hbm>>) dst(%dma_wait3A_1286 : memref<8x128xi32, #tpu.memory_space<vmem>>)
        %add3A_1290 = arith.constant 1 : i32
        %add3A_1291 = arith.addi %mul3A_34, %add3A_1290 : i32
        %mul3A_1292 = arith.constant 8 : i32
        %mul3A_1293 = arith.muli %add3A_1291, %mul3A_1292 : i32
        %dma_wait3A_1294 = arith.constant 1 : i32
        %dma_wait3A_1295 = arith.constant 0 : i32
        %dma_wait3A_1296 = arith.constant 0 : i32
        %dma_wait3A_1297 = tpu.memref_slice %arg10[%dma_wait3A_1294, %dma_wait3A_1295, %dma_wait3A_1296] : memref<2x8x128xi32, #tpu.memory_space<vmem>> -> memref<1x8x128xi32, #tpu.memory_space<vmem>>
        %dma_wait3A_1298 = tpu.memref_squeeze %dma_wait3A_1297 : memref<1x8x128xi32, #tpu.memory_space<vmem>> -> memref<8x128xi32, #tpu.memory_space<vmem>>
        %dma_wait3A_1299 = arith.constant 0 : i32
        %dma_wait3A_1300 = tpu.memref_slice %arg4[%add3A, %mul3A_1293, %dma_wait3A_1299] : memref<32x160x128xi32, #tpu.memory_space<hbm>> -> memref<1x8x128xi32, #tpu.memory_space<hbm>>
        %dma_wait3A_1301 = tpu.memref_squeeze %dma_wait3A_1300 : memref<1x8x128xi32, #tpu.memory_space<hbm>> -> memref<8x128xi32, #tpu.memory_space<hbm>>
        %dma_wait3A_1302 = arith.constant 0 : i32
        %dma_wait3A_1303 = arith.constant 0 : i32
        %dma_wait3A_1304 = tpu.memref_slice %arg10[%dma_wait3A_1294, %dma_wait3A_1302, %dma_wait3A_1303] : memref<2x8x128xi32, #tpu.memory_space<vmem>> -> memref<1x8x128xi32, #tpu.memory_space<vmem>>
        %dma_wait3A_1305 = tpu.memref_squeeze %dma_wait3A_1304 : memref<1x8x128xi32, #tpu.memory_space<vmem>> -> memref<8x128xi32, #tpu.memory_space<vmem>>
        %dma_wait3A_1306 = arith.constant 0 : i32
        %dma_wait3A_1307 = tpu.memref_slice %arg4[%add3A, %mul3A_1293, %dma_wait3A_1306] : memref<32x160x128xi32, #tpu.memory_space<hbm>> -> memref<1x8x128xi32, #tpu.memory_space<hbm>>
        %dma_wait3A_1308 = tpu.memref_squeeze %dma_wait3A_1307 : memref<1x8x128xi32, #tpu.memory_space<hbm>> -> memref<8x128xi32, #tpu.memory_space<hbm>>
        tpu.wait_dma2 semaphore(%arg16 : memref<!tpu.dma_semaphore, #tpu.memory_space<semaphore_mem>>) src(%dma_wait3A_1308 : memref<8x128xi32, #tpu.memory_space<hbm>>) dst(%dma_wait3A_1305 : memref<8x128xi32, #tpu.memory_space<vmem>>)
        %dma_start3A_1309 = arith.constant 1 : i32
        %dma_start3A_1310 = arith.constant 0 : i32
        %dma_start3A_1311 = arith.constant 0 : i32
        %dma_start3A_1312 = arith.constant 0 : i32
        %dma_start3A_1313 = arith.constant 0 : i32
        %dma_start3A_1314 = tpu.memref_slice %arg11[%dma_start3A_1311, %dma_start3A_1312, %dma_start3A_1313] : memref<2x128x128xf32, #tpu.memory_space<vmem>> -> memref<1x128x128xf32, #tpu.memory_space<vmem>>
        %dma_start3A_1315 = tpu.memref_squeeze %dma_start3A_1314 : memref<1x128x128xf32, #tpu.memory_space<vmem>> -> memref<128x128xf32, #tpu.memory_space<vmem>>
        %dma_start3A_1316 = arith.constant 0 : i32
        %dma_start3A_1317 = tpu.memref_slice %arg9[%dma_start3A_1309, %dma_start3A_1310, %dma_start3A_1316] : memref<2x8x128xi32, #tpu.memory_space<vmem>> -> memref<1x1x128xi32, #tpu.memory_space<vmem>>
        %dma_start3A_1318 = tpu.memref_squeeze %dma_start3A_1317 : memref<1x1x128xi32, #tpu.memory_space<vmem>> -> memref<128xi32, #tpu.memory_space<vmem>>
        %dma_start3A_1319 = arith.constant 0 : i32
        %dma_start3A_1320 = arith.constant 0 : i32
        %dma_start3A_1321 = tpu.memref_slice %arg2[%dma_start3A_1319, %dma_start3A_1320] : memref<20000x128xf32, #tpu.memory_space<hbm>> -> memref<20000x128xf32, #tpu.memory_space<hbm>>
        tpu.enqueue_indirect_dma source(%dma_start3A_1321 : memref<20000x128xf32, #tpu.memory_space<hbm>>) target(%dma_start3A_1315 : memref<128x128xf32, #tpu.memory_space<vmem>>) offsets(%dma_start3A_1318 : memref<128xi32, #tpu.memory_space<vmem>>) semaphore(%arg14 : memref<!tpu.dma_semaphore, #tpu.memory_space<semaphore_mem>>)
      } else {
      }
      %get3A_586 = arith.constant 0 : i32
      %get3A_587 = arith.constant 7 : i32
      %get3A_588 = arith.index_cast %get3A_586 : i32 to index
      %get3A_589 = arith.index_cast %get3A_587 : i32 to index
      %get3A_590 = arith.constant 0 : index
      %get3A_591 = tpu.vector_load %arg10[%get3A_588, %get3A_589, %get3A_590] {strides = array<i32>} : memref<2x8x128xi32, #tpu.memory_space<vmem>>, vector<16xi32>,
      tpu.vector_store_idx %arg12[%get3A_591], %broadcast_in_dim3A_1 {add = true} : memref<10016xf32, #tpu.memory_space<vmem>>[vector<16xi32>], vector<16xf32>,
      %get3A_592 = arith.constant 0 : i32
      %get3A_593 = arith.constant 7 : i32
      %get3A_594 = arith.index_cast %get3A_592 : i32 to index
      %get3A_595 = arith.index_cast %get3A_593 : i32 to index
      %get3A_596 = arith.constant 16 : index
      %get3A_597 = tpu.vector_load %arg10[%get3A_594, %get3A_595, %get3A_596] {strides = array<i32>} : memref<2x8x128xi32, #tpu.memory_space<vmem>>, vector<16xi32>,
      tpu.vector_store_idx %arg12[%get3A_597], %broadcast_in_dim3A_1 {add = true} : memref<10016xf32, #tpu.memory_space<vmem>>[vector<16xi32>], vector<16xf32>,
      %get3A_598 = arith.constant 0 : i32
      %get3A_599 = arith.constant 7 : i32
      %get3A_600 = arith.index_cast %get3A_598 : i32 to index
      %get3A_601 = arith.index_cast %get3A_599 : i32 to index
      %get3A_602 = arith.constant 32 : index
      %get3A_603 = tpu.vector_load %arg10[%get3A_600, %get3A_601, %get3A_602] {strides = array<i32>} : memref<2x8x128xi32, #tpu.memory_space<vmem>>, vector<16xi32>,
      tpu.vector_store_idx %arg12[%get3A_603], %broadcast_in_dim3A_1 {add = true} : memref<10016xf32, #tpu.memory_space<vmem>>[vector<16xi32>], vector<16xf32>,
      %get3A_604 = arith.constant 0 : i32
      %get3A_605 = arith.constant 7 : i32
      %get3A_606 = arith.index_cast %get3A_604 : i32 to index
      %get3A_607 = arith.index_cast %get3A_605 : i32 to index
      %get3A_608 = arith.constant 48 : index
      %get3A_609 = tpu.vector_load %arg10[%get3A_606, %get3A_607, %get3A_608] {strides = array<i32>} : memref<2x8x128xi32, #tpu.memory_space<vmem>>, vector<16xi32>,
      tpu.vector_store_idx %arg12[%get3A_609], %broadcast_in_dim3A_1 {add = true} : memref<10016xf32, #tpu.memory_space<vmem>>[vector<16xi32>], vector<16xf32>,
      %get3A_610 = arith.constant 0 : i32
      %get3A_611 = arith.constant 7 : i32
      %get3A_612 = arith.index_cast %get3A_610 : i32 to index
      %get3A_613 = arith.index_cast %get3A_611 : i32 to index
      %get3A_614 = arith.constant 64 : index
      %get3A_615 = tpu.vector_load %arg10[%get3A_612, %get3A_613, %get3A_614] {strides = array<i32>} : memref<2x8x128xi32, #tpu.memory_space<vmem>>, vector<16xi32>,
      tpu.vector_store_idx %arg12[%get3A_615], %broadcast_in_dim3A_1 {add = true} : memref<10016xf32, #tpu.memory_space<vmem>>[vector<16xi32>], vector<16xf32>,
      %get3A_616 = arith.constant 0 : i32
      %get3A_617 = arith.constant 7 : i32
      %get3A_618 = arith.index_cast %get3A_616 : i32 to index
      %get3A_619 = arith.index_cast %get3A_617 : i32 to index
      %get3A_620 = arith.constant 80 : index
      %get3A_621 = tpu.vector_load %arg10[%get3A_618, %get3A_619, %get3A_620] {strides = array<i32>} : memref<2x8x128xi32, #tpu.memory_space<vmem>>, vector<16xi32>,
      tpu.vector_store_idx %arg12[%get3A_621], %broadcast_in_dim3A_1 {add = true} : memref<10016xf32, #tpu.memory_space<vmem>>[vector<16xi32>], vector<16xf32>,
      %get3A_622 = arith.constant 0 : i32
      %get3A_623 = arith.constant 7 : i32
      %get3A_624 = arith.index_cast %get3A_622 : i32 to index
      %get3A_625 = arith.index_cast %get3A_623 : i32 to index
      %get3A_626 = arith.constant 96 : index
      %get3A_627 = tpu.vector_load %arg10[%get3A_624, %get3A_625, %get3A_626] {strides = array<i32>} : memref<2x8x128xi32, #tpu.memory_space<vmem>>, vector<16xi32>,
      tpu.vector_store_idx %arg12[%get3A_627], %broadcast_in_dim3A_1 {add = true} : memref<10016xf32, #tpu.memory_space<vmem>>[vector<16xi32>], vector<16xf32>,
      %get3A_628 = arith.constant 0 : i32
      %get3A_629 = arith.constant 7 : i32
      %get3A_630 = arith.index_cast %get3A_628 : i32 to index
      %get3A_631 = arith.index_cast %get3A_629 : i32 to index
      %get3A_632 = arith.constant 112 : index
      %get3A_633 = tpu.vector_load %arg10[%get3A_630, %get3A_631, %get3A_632] {strides = array<i32>} : memref<2x8x128xi32, #tpu.memory_space<vmem>>, vector<16xi32>,
      tpu.vector_store_idx %arg12[%get3A_633], %broadcast_in_dim3A_1 {add = true} : memref<10016xf32, #tpu.memory_space<vmem>>[vector<16xi32>], vector<16xf32>,
      %dma_wait3A_634 = arith.constant 0 : i32
      %dma_wait3A_635 = arith.constant 7 : i32
      %dma_wait3A_636 = arith.constant 1 : i32
      %dma_wait3A_637 = arith.constant 0 : i32
      %dma_wait3A_638 = arith.constant 0 : i32
      %dma_wait3A_639 = tpu.memref_slice %arg11[%dma_wait3A_636, %dma_wait3A_637, %dma_wait3A_638] : memref<2x128x128xf32, #tpu.memory_space<vmem>> -> memref<1x128x128xf32, #tpu.memory_space<vmem>>
      %dma_wait3A_640 = tpu.memref_squeeze %dma_wait3A_639 : memref<1x128x128xf32, #tpu.memory_space<vmem>> -> memref<128x128xf32, #tpu.memory_space<vmem>>
      %dma_wait3A_641 = arith.constant 0 : i32
      %dma_wait3A_642 = tpu.memref_slice %arg9[%dma_wait3A_634, %dma_wait3A_635, %dma_wait3A_641] : memref<2x8x128xi32, #tpu.memory_space<vmem>> -> memref<1x1x128xi32, #tpu.memory_space<vmem>>
      %dma_wait3A_643 = tpu.memref_squeeze %dma_wait3A_642 : memref<1x1x128xi32, #tpu.memory_space<vmem>> -> memref<128xi32, #tpu.memory_space<vmem>>
      %dma_wait3A_644 = arith.constant 0 : i32
      %dma_wait3A_645 = arith.constant 0 : i32
      %dma_wait3A_646 = tpu.memref_slice %arg2[%dma_wait3A_644, %dma_wait3A_645] : memref<20000x128xf32, #tpu.memory_space<hbm>> -> memref<20000x128xf32, #tpu.memory_space<hbm>>
      tpu.wait_indirect_dma semaphore(%arg15 : memref<!tpu.dma_semaphore, #tpu.memory_space<semaphore_mem>>) src(%dma_wait3A_646 : memref<20000x128xf32, #tpu.memory_space<hbm>>) dst(%dma_wait3A_640 : memref<128x128xf32, #tpu.memory_space<vmem>>)
      %run_scoped3A_647 = arith.constant 1 : i32
      %run_scoped3A_648 = arith.constant 0 : i32
      %run_scoped3A_649 = arith.constant 7 : i32
      "tpu.region"() ({
        %run_scoped3A_1271 = tpu.sem_alloc : memref<!tpu.dma_semaphore, #tpu.memory_space<semaphore_mem>>
        %dma_start3A_1272 = arith.constant 0 : i32
        %dma_start3A_1273 = arith.constant 0 : i32
        %dma_start3A_1274 = tpu.memref_slice %arg11[%run_scoped3A_647, %dma_start3A_1272, %dma_start3A_1273] : memref<2x128x128xf32, #tpu.memory_space<vmem>> -> memref<1x128x128xf32, #tpu.memory_space<vmem>>
        %dma_start3A_1275 = tpu.memref_squeeze %dma_start3A_1274 : memref<1x128x128xf32, #tpu.memory_space<vmem>> -> memref<128x128xf32, #tpu.memory_space<vmem>>
        %dma_start3A_1276 = arith.constant 0 : i32
        %dma_start3A_1277 = tpu.memref_slice %arg10[%run_scoped3A_648, %run_scoped3A_649, %dma_start3A_1276] : memref<2x8x128xi32, #tpu.memory_space<vmem>> -> memref<1x1x128xi32, #tpu.memory_space<vmem>>
        %dma_start3A_1278 = tpu.memref_squeeze %dma_start3A_1277 : memref<1x1x128xi32, #tpu.memory_space<vmem>> -> memref<128xi32, #tpu.memory_space<vmem>>
        %dma_start3A_1279 = arith.constant 0 : i32
        %dma_start3A_1280 = arith.constant 0 : i32
        %dma_start3A_1281 = tpu.memref_slice %arg13[%dma_start3A_1279, %dma_start3A_1280] : memref<10008x128xf32, #tpu.memory_space<vmem_shared>> -> memref<10008x128xf32, #tpu.memory_space<vmem_shared>>
        tpu.enqueue_indirect_dma source(%dma_start3A_1275 : memref<128x128xf32, #tpu.memory_space<vmem>>) target(%dma_start3A_1281 : memref<10008x128xf32, #tpu.memory_space<vmem_shared>>) offsets(%dma_start3A_1278 : memref<128xi32, #tpu.memory_space<vmem>>) semaphore(%run_scoped3A_1271 : memref<!tpu.dma_semaphore, #tpu.memory_space<semaphore_mem>>) {add = true}
        %dma_wait3A_1282 = arith.constant 0 : i32
        %dma_wait3A_1283 = arith.constant 0 : i32
        %dma_wait3A_1284 = tpu.memref_slice %arg11[%run_scoped3A_647, %dma_wait3A_1282, %dma_wait3A_1283] : memref<2x128x128xf32, #tpu.memory_space<vmem>> -> memref<1x128x128xf32, #tpu.memory_space<vmem>>
        %dma_wait3A_1285 = tpu.memref_squeeze %dma_wait3A_1284 : memref<1x128x128xf32, #tpu.memory_space<vmem>> -> memref<128x128xf32, #tpu.memory_space<vmem>>
        %dma_wait3A_1286 = arith.constant 0 : i32
        %dma_wait3A_1287 = tpu.memref_slice %arg10[%run_scoped3A_648, %run_scoped3A_649, %dma_wait3A_1286] : memref<2x8x128xi32, #tpu.memory_space<vmem>> -> memref<1x1x128xi32, #tpu.memory_space<vmem>>
        %dma_wait3A_1288 = tpu.memref_squeeze %dma_wait3A_1287 : memref<1x1x128xi32, #tpu.memory_space<vmem>> -> memref<128xi32, #tpu.memory_space<vmem>>
        %dma_wait3A_1289 = arith.constant 0 : i32
        %dma_wait3A_1290 = arith.constant 0 : i32
        %dma_wait3A_1291 = tpu.memref_slice %arg13[%dma_wait3A_1289, %dma_wait3A_1290] : memref<10008x128xf32, #tpu.memory_space<vmem_shared>> -> memref<10008x128xf32, #tpu.memory_space<vmem_shared>>
        tpu.wait_indirect_dma semaphore(%run_scoped3A_1271 : memref<!tpu.dma_semaphore, #tpu.memory_space<semaphore_mem>>) src(%dma_wait3A_1285 : memref<128x128xf32, #tpu.memory_space<vmem>>) dst(%dma_wait3A_1291 : memref<10008x128xf32, #tpu.memory_space<vmem_shared>>)
        tpu.yield
      }) : () -> ()
      %mul3A_650 = arith.constant 2 : i32
      %mul3A_651 = arith.muli %mul3A_650, %scan3A_32 : i32
      %add3A_652 = arith.constant 1 : i32
      %add3A_653 = arith.addi %mul3A_651, %add3A_652 : i32
      %add3A_654 = arith.constant 1 : i32
      %add3A_655 = arith.addi %add3A_653, %add3A_654 : i32
      %lt3A_656 = arith.constant 20 : i32
      %lt3A_657 = arith.cmpi slt, %add3A_655, %lt3A_656 : i32
      %convert_element_type3A_658 = arith.extui %lt3A_657 : i1 to i32
      %cond3A_659 = arith.constant 0 : i32
      %cond3A_660 = arith.cmpi ne, %convert_element_type3A_658, %cond3A_659 : i32
      scf.if %cond3A_660 {
        %add3A_1271 = arith.constant 1 : i32
        %add3A_1272 = arith.addi %add3A_653, %add3A_1271 : i32
        %mul3A_1273 = arith.constant 8 : i32
        %mul3A_1274 = arith.muli %add3A_1272, %mul3A_1273 : i32
        %dma_start3A_1275 = arith.constant 0 : i32
        %dma_start3A_1276 = arith.constant 0 : i32
        %dma_start3A_1277 = arith.constant 0 : i32
        %dma_start3A_1278 = tpu.memref_slice %arg9[%dma_start3A_1275, %dma_start3A_1276, %dma_start3A_1277] : memref<2x8x128xi32, #tpu.memory_space<vmem>> -> memref<1x8x128xi32, #tpu.memory_space<vmem>>
        %dma_start3A_1279 = tpu.memref_squeeze %dma_start3A_1278 : memref<1x8x128xi32, #tpu.memory_space<vmem>> -> memref<8x128xi32, #tpu.memory_space<vmem>>
        %dma_start3A_1280 = arith.constant 0 : i32
        %dma_start3A_1281 = tpu.memref_slice %arg3[%add3A, %mul3A_1274, %dma_start3A_1280] : memref<32x160x128xi32, #tpu.memory_space<hbm>> -> memref<1x8x128xi32, #tpu.memory_space<hbm>>
        %dma_start3A_1282 = tpu.memref_squeeze %dma_start3A_1281 : memref<1x8x128xi32, #tpu.memory_space<hbm>> -> memref<8x128xi32, #tpu.memory_space<hbm>>
        %dma_start3A_1283 = arith.constant 0 : i32
        %dma_start3A_1284 = arith.constant 0 : i32
        %dma_start3A_1285 = tpu.memref_slice %arg9[%dma_start3A_1275, %dma_start3A_1283, %dma_start3A_1284] : memref<2x8x128xi32, #tpu.memory_space<vmem>> -> memref<1x8x128xi32, #tpu.memory_space<vmem>>
        %dma_start3A_1286 = tpu.memref_squeeze %dma_start3A_1285 : memref<1x8x128xi32, #tpu.memory_space<vmem>> -> memref<8x128xi32, #tpu.memory_space<vmem>>
        %dma_start3A_1287 = arith.constant 0 : i32
        %dma_start3A_1288 = tpu.memref_slice %arg3[%add3A, %mul3A_1274, %dma_start3A_1287] : memref<32x160x128xi32, #tpu.memory_space<hbm>> -> memref<1x8x128xi32, #tpu.memory_space<hbm>>
        %dma_start3A_1289 = tpu.memref_squeeze %dma_start3A_1288 : memref<1x8x128xi32, #tpu.memory_space<hbm>> -> memref<8x128xi32, #tpu.memory_space<hbm>>
        tpu.enqueue_dma source(%dma_start3A_1289 : memref<8x128xi32, #tpu.memory_space<hbm>>) target(%dma_start3A_1286 : memref<8x128xi32, #tpu.memory_space<vmem>>) target_semaphore(%arg16 : memref<!tpu.dma_semaphore, #tpu.memory_space<semaphore_mem>>)
        %add3A_1290 = arith.constant 1 : i32
        %add3A_1291 = arith.addi %add3A_653, %add3A_1290 : i32
        %mul3A_1292 = arith.constant 8 : i32
        %mul3A_1293 = arith.muli %add3A_1291, %mul3A_1292 : i32
        %dma_start3A_1294 = arith.constant 0 : i32
        %dma_start3A_1295 = arith.constant 0 : i32
        %dma_start3A_1296 = arith.constant 0 : i32
        %dma_start3A_1297 = tpu.memref_slice %arg10[%dma_start3A_1294, %dma_start3A_1295, %dma_start3A_1296] : memref<2x8x128xi32, #tpu.memory_space<vmem>> -> memref<1x8x128xi32, #tpu.memory_space<vmem>>
        %dma_start3A_1298 = tpu.memref_squeeze %dma_start3A_1297 : memref<1x8x128xi32, #tpu.memory_space<vmem>> -> memref<8x128xi32, #tpu.memory_space<vmem>>
        %dma_start3A_1299 = arith.constant 0 : i32
        %dma_start3A_1300 = tpu.memref_slice %arg4[%add3A, %mul3A_1293, %dma_start3A_1299] : memref<32x160x128xi32, #tpu.memory_space<hbm>> -> memref<1x8x128xi32, #tpu.memory_space<hbm>>
        %dma_start3A_1301 = tpu.memref_squeeze %dma_start3A_1300 : memref<1x8x128xi32, #tpu.memory_space<hbm>> -> memref<8x128xi32, #tpu.memory_space<hbm>>
        %dma_start3A_1302 = arith.constant 0 : i32
        %dma_start3A_1303 = arith.constant 0 : i32
        %dma_start3A_1304 = tpu.memref_slice %arg10[%dma_start3A_1294, %dma_start3A_1302, %dma_start3A_1303] : memref<2x8x128xi32, #tpu.memory_space<vmem>> -> memref<1x8x128xi32, #tpu.memory_space<vmem>>
        %dma_start3A_1305 = tpu.memref_squeeze %dma_start3A_1304 : memref<1x8x128xi32, #tpu.memory_space<vmem>> -> memref<8x128xi32, #tpu.memory_space<vmem>>
        %dma_start3A_1306 = arith.constant 0 : i32
        %dma_start3A_1307 = tpu.memref_slice %arg4[%add3A, %mul3A_1293, %dma_start3A_1306] : memref<32x160x128xi32, #tpu.memory_space<hbm>> -> memref<1x8x128xi32, #tpu.memory_space<hbm>>
        %dma_start3A_1308 = tpu.memref_squeeze %dma_start3A_1307 : memref<1x8x128xi32, #tpu.memory_space<hbm>> -> memref<8x128xi32, #tpu.memory_space<hbm>>
        tpu.enqueue_dma source(%dma_start3A_1308 : memref<8x128xi32, #tpu.memory_space<hbm>>) target(%dma_start3A_1305 : memref<8x128xi32, #tpu.memory_space<vmem>>) target_semaphore(%arg16 : memref<!tpu.dma_semaphore, #tpu.memory_space<semaphore_mem>>)
      } else {
      }
      %dma_start3A_661 = arith.constant 1 : i32
      %dma_start3A_662 = arith.constant 1 : i32
      %dma_start3A_663 = arith.constant 1 : i32
      %dma_start3A_664 = arith.constant 0 : i32
      %dma_start3A_665 = arith.constant 0 : i32
      %dma_start3A_666 = tpu.memref_slice %arg11[%dma_start3A_663, %dma_start3A_664, %dma_start3A_665] : memref<2x128x128xf32, #tpu.memory_space<vmem>> -> memref<1x128x128xf32, #tpu.memory_space<vmem>>
      %dma_start3A_667 = tpu.memref_squeeze %dma_start3A_666 : memref<1x128x128xf32, #tpu.memory_space<vmem>> -> memref<128x128xf32, #tpu.memory_space<vmem>>
      %dma_start3A_668 = arith.constant 0 : i32
      %dma_start3A_669 = tpu.memref_slice %arg9[%dma_start3A_661, %dma_start3A_662, %dma_start3A_668] : memref<2x8x128xi32, #tpu.memory_space<vmem>> -> memref<1x1x128xi32, #tpu.memory_space<vmem>>
      %dma_start3A_670 = tpu.memref_squeeze %dma_start3A_669 : memref<1x1x128xi32, #tpu.memory_space<vmem>> -> memref<128xi32, #tpu.memory_space<vmem>>
      %dma_start3A_671 = arith.constant 0 : i32
      %dma_start3A_672 = arith.constant 0 : i32
      %dma_start3A_673 = tpu.memref_slice %arg2[%dma_start3A_671, %dma_start3A_672] : memref<20000x128xf32, #tpu.memory_space<hbm>> -> memref<20000x128xf32, #tpu.memory_space<hbm>>
      tpu.enqueue_indirect_dma source(%dma_start3A_673 : memref<20000x128xf32, #tpu.memory_space<hbm>>) target(%dma_start3A_667 : memref<128x128xf32, #tpu.memory_space<vmem>>) offsets(%dma_start3A_670 : memref<128xi32, #tpu.memory_space<vmem>>) semaphore(%arg15 : memref<!tpu.dma_semaphore, #tpu.memory_space<semaphore_mem>>)
      %get3A_674 = arith.constant 1 : i32
      %get3A_675 = arith.constant 0 : i32
      %get3A_676 = arith.index_cast %get3A_674 : i32 to index
      %get3A_677 = arith.index_cast %get3A_675 : i32 to index
      %get3A_678 = arith.constant 0 : index
      %get3A_679 = tpu.vector_load %arg10[%get3A_676, %get3A_677, %get3A_678] {strides = array<i32>} : memref<2x8x128xi32, #tpu.memory_space<vmem>>, vector<16xi32>,
      tpu.vector_store_idx %arg12[%get3A_679], %broadcast_in_dim3A_1 {add = true} : memref<10016xf32, #tpu.memory_space<vmem>>[vector<16xi32>], vector<16xf32>,
      %get3A_680 = arith.constant 1 : i32
      %get3A_681 = arith.constant 0 : i32
      %get3A_682 = arith.index_cast %get3A_680 : i32 to index
      %get3A_683 = arith.index_cast %get3A_681 : i32 to index
      %get3A_684 = arith.constant 16 : index
      %get3A_685 = tpu.vector_load %arg10[%get3A_682, %get3A_683, %get3A_684] {strides = array<i32>} : memref<2x8x128xi32, #tpu.memory_space<vmem>>, vector<16xi32>,
      tpu.vector_store_idx %arg12[%get3A_685], %broadcast_in_dim3A_1 {add = true} : memref<10016xf32, #tpu.memory_space<vmem>>[vector<16xi32>], vector<16xf32>,
      %get3A_686 = arith.constant 1 : i32
      %get3A_687 = arith.constant 0 : i32
      %get3A_688 = arith.index_cast %get3A_686 : i32 to index
      %get3A_689 = arith.index_cast %get3A_687 : i32 to index
      %get3A_690 = arith.constant 32 : index
      %get3A_691 = tpu.vector_load %arg10[%get3A_688, %get3A_689, %get3A_690] {strides = array<i32>} : memref<2x8x128xi32, #tpu.memory_space<vmem>>, vector<16xi32>,
      tpu.vector_store_idx %arg12[%get3A_691], %broadcast_in_dim3A_1 {add = true} : memref<10016xf32, #tpu.memory_space<vmem>>[vector<16xi32>], vector<16xf32>,
      %get3A_692 = arith.constant 1 : i32
      %get3A_693 = arith.constant 0 : i32
      %get3A_694 = arith.index_cast %get3A_692 : i32 to index
      %get3A_695 = arith.index_cast %get3A_693 : i32 to index
      %get3A_696 = arith.constant 48 : index
      %get3A_697 = tpu.vector_load %arg10[%get3A_694, %get3A_695, %get3A_696] {strides = array<i32>} : memref<2x8x128xi32, #tpu.memory_space<vmem>>, vector<16xi32>,
      tpu.vector_store_idx %arg12[%get3A_697], %broadcast_in_dim3A_1 {add = true} : memref<10016xf32, #tpu.memory_space<vmem>>[vector<16xi32>], vector<16xf32>,
      %get3A_698 = arith.constant 1 : i32
      %get3A_699 = arith.constant 0 : i32
      %get3A_700 = arith.index_cast %get3A_698 : i32 to index
      %get3A_701 = arith.index_cast %get3A_699 : i32 to index
      %get3A_702 = arith.constant 64 : index
      %get3A_703 = tpu.vector_load %arg10[%get3A_700, %get3A_701, %get3A_702] {strides = array<i32>} : memref<2x8x128xi32, #tpu.memory_space<vmem>>, vector<16xi32>,
      tpu.vector_store_idx %arg12[%get3A_703], %broadcast_in_dim3A_1 {add = true} : memref<10016xf32, #tpu.memory_space<vmem>>[vector<16xi32>], vector<16xf32>,
      %get3A_704 = arith.constant 1 : i32
      %get3A_705 = arith.constant 0 : i32
      %get3A_706 = arith.index_cast %get3A_704 : i32 to index
      %get3A_707 = arith.index_cast %get3A_705 : i32 to index
      %get3A_708 = arith.constant 80 : index
      %get3A_709 = tpu.vector_load %arg10[%get3A_706, %get3A_707, %get3A_708] {strides = array<i32>} : memref<2x8x128xi32, #tpu.memory_space<vmem>>, vector<16xi32>,
      tpu.vector_store_idx %arg12[%get3A_709], %broadcast_in_dim3A_1 {add = true} : memref<10016xf32, #tpu.memory_space<vmem>>[vector<16xi32>], vector<16xf32>,
      %get3A_710 = arith.constant 1 : i32
      %get3A_711 = arith.constant 0 : i32
      %get3A_712 = arith.index_cast %get3A_710 : i32 to index
      %get3A_713 = arith.index_cast %get3A_711 : i32 to index
      %get3A_714 = arith.constant 96 : index
      %get3A_715 = tpu.vector_load %arg10[%get3A_712, %get3A_713, %get3A_714] {strides = array<i32>} : memref<2x8x128xi32, #tpu.memory_space<vmem>>, vector<16xi32>,
      tpu.vector_store_idx %arg12[%get3A_715], %broadcast_in_dim3A_1 {add = true} : memref<10016xf32, #tpu.memory_space<vmem>>[vector<16xi32>], vector<16xf32>,
      %get3A_716 = arith.constant 1 : i32
      %get3A_717 = arith.constant 0 : i32
      %get3A_718 = arith.index_cast %get3A_716 : i32 to index
      %get3A_719 = arith.index_cast %get3A_717 : i32 to index
      %get3A_720 = arith.constant 112 : index
      %get3A_721 = tpu.vector_load %arg10[%get3A_718, %get3A_719, %get3A_720] {strides = array<i32>} : memref<2x8x128xi32, #tpu.memory_space<vmem>>, vector<16xi32>,
      tpu.vector_store_idx %arg12[%get3A_721], %broadcast_in_dim3A_1 {add = true} : memref<10016xf32, #tpu.memory_space<vmem>>[vector<16xi32>], vector<16xf32>,
      %dma_wait3A_722 = arith.constant 1 : i32
      %dma_wait3A_723 = arith.constant 0 : i32
      %dma_wait3A_724 = arith.constant 0 : i32
      %dma_wait3A_725 = arith.constant 0 : i32
      %dma_wait3A_726 = arith.constant 0 : i32
      %dma_wait3A_727 = tpu.memref_slice %arg11[%dma_wait3A_724, %dma_wait3A_725, %dma_wait3A_726] : memref<2x128x128xf32, #tpu.memory_space<vmem>> -> memref<1x128x128xf32, #tpu.memory_space<vmem>>
      %dma_wait3A_728 = tpu.memref_squeeze %dma_wait3A_727 : memref<1x128x128xf32, #tpu.memory_space<vmem>> -> memref<128x128xf32, #tpu.memory_space<vmem>>
      %dma_wait3A_729 = arith.constant 0 : i32
      %dma_wait3A_730 = tpu.memref_slice %arg9[%dma_wait3A_722, %dma_wait3A_723, %dma_wait3A_729] : memref<2x8x128xi32, #tpu.memory_space<vmem>> -> memref<1x1x128xi32, #tpu.memory_space<vmem>>
      %dma_wait3A_731 = tpu.memref_squeeze %dma_wait3A_730 : memref<1x1x128xi32, #tpu.memory_space<vmem>> -> memref<128xi32, #tpu.memory_space<vmem>>
      %dma_wait3A_732 = arith.constant 0 : i32
      %dma_wait3A_733 = arith.constant 0 : i32
      %dma_wait3A_734 = tpu.memref_slice %arg2[%dma_wait3A_732, %dma_wait3A_733] : memref<20000x128xf32, #tpu.memory_space<hbm>> -> memref<20000x128xf32, #tpu.memory_space<hbm>>
      tpu.wait_indirect_dma semaphore(%arg14 : memref<!tpu.dma_semaphore, #tpu.memory_space<semaphore_mem>>) src(%dma_wait3A_734 : memref<20000x128xf32, #tpu.memory_space<hbm>>) dst(%dma_wait3A_728 : memref<128x128xf32, #tpu.memory_space<vmem>>)
      %run_scoped3A_735 = arith.constant 0 : i32
      %run_scoped3A_736 = arith.constant 1 : i32
      %run_scoped3A_737 = arith.constant 0 : i32
      "tpu.region"() ({
        %run_scoped3A_1271 = tpu.sem_alloc : memref<!tpu.dma_semaphore, #tpu.memory_space<semaphore_mem>>
        %dma_start3A_1272 = arith.constant 0 : i32
        %dma_start3A_1273 = arith.constant 0 : i32
        %dma_start3A_1274 = tpu.memref_slice %arg11[%run_scoped3A_735, %dma_start3A_1272, %dma_start3A_1273] : memref<2x128x128xf32, #tpu.memory_space<vmem>> -> memref<1x128x128xf32, #tpu.memory_space<vmem>>
        %dma_start3A_1275 = tpu.memref_squeeze %dma_start3A_1274 : memref<1x128x128xf32, #tpu.memory_space<vmem>> -> memref<128x128xf32, #tpu.memory_space<vmem>>
        %dma_start3A_1276 = arith.constant 0 : i32
        %dma_start3A_1277 = tpu.memref_slice %arg10[%run_scoped3A_736, %run_scoped3A_737, %dma_start3A_1276] : memref<2x8x128xi32, #tpu.memory_space<vmem>> -> memref<1x1x128xi32, #tpu.memory_space<vmem>>
        %dma_start3A_1278 = tpu.memref_squeeze %dma_start3A_1277 : memref<1x1x128xi32, #tpu.memory_space<vmem>> -> memref<128xi32, #tpu.memory_space<vmem>>
        %dma_start3A_1279 = arith.constant 0 : i32
        %dma_start3A_1280 = arith.constant 0 : i32
        %dma_start3A_1281 = tpu.memref_slice %arg13[%dma_start3A_1279, %dma_start3A_1280] : memref<10008x128xf32, #tpu.memory_space<vmem_shared>> -> memref<10008x128xf32, #tpu.memory_space<vmem_shared>>
        tpu.enqueue_indirect_dma source(%dma_start3A_1275 : memref<128x128xf32, #tpu.memory_space<vmem>>) target(%dma_start3A_1281 : memref<10008x128xf32, #tpu.memory_space<vmem_shared>>) offsets(%dma_start3A_1278 : memref<128xi32, #tpu.memory_space<vmem>>) semaphore(%run_scoped3A_1271 : memref<!tpu.dma_semaphore, #tpu.memory_space<semaphore_mem>>) {add = true}
        %dma_wait3A_1282 = arith.constant 0 : i32
        %dma_wait3A_1283 = arith.constant 0 : i32
        %dma_wait3A_1284 = tpu.memref_slice %arg11[%run_scoped3A_735, %dma_wait3A_1282, %dma_wait3A_1283] : memref<2x128x128xf32, #tpu.memory_space<vmem>> -> memref<1x128x128xf32, #tpu.memory_space<vmem>>
        %dma_wait3A_1285 = tpu.memref_squeeze %dma_wait3A_1284 : memref<1x128x128xf32, #tpu.memory_space<vmem>> -> memref<128x128xf32, #tpu.memory_space<vmem>>
        %dma_wait3A_1286 = arith.constant 0 : i32
        %dma_wait3A_1287 = tpu.memref_slice %arg10[%run_scoped3A_736, %run_scoped3A_737, %dma_wait3A_1286] : memref<2x8x128xi32, #tpu.memory_space<vmem>> -> memref<1x1x128xi32, #tpu.memory_space<vmem>>
        %dma_wait3A_1288 = tpu.memref_squeeze %dma_wait3A_1287 : memref<1x1x128xi32, #tpu.memory_space<vmem>> -> memref<128xi32, #tpu.memory_space<vmem>>
        %dma_wait3A_1289 = arith.constant 0 : i32
        %dma_wait3A_1290 = arith.constant 0 : i32
        %dma_wait3A_1291 = tpu.memref_slice %arg13[%dma_wait3A_1289, %dma_wait3A_1290] : memref<10008x128xf32, #tpu.memory_space<vmem_shared>> -> memref<10008x128xf32, #tpu.memory_space<vmem_shared>>
        tpu.wait_indirect_dma semaphore(%run_scoped3A_1271 : memref<!tpu.dma_semaphore, #tpu.memory_space<semaphore_mem>>) src(%dma_wait3A_1285 : memref<128x128xf32, #tpu.memory_space<vmem>>) dst(%dma_wait3A_1291 : memref<10008x128xf32, #tpu.memory_space<vmem_shared>>)
        tpu.yield
      }) : () -> ()
      %dma_start3A_738 = arith.constant 1 : i32
      %dma_start3A_739 = arith.constant 2 : i32
      %dma_start3A_740 = arith.constant 0 : i32
      %dma_start3A_741 = arith.constant 0 : i32
      %dma_start3A_742 = arith.constant 0 : i32
      %dma_start3A_743 = tpu.memref_slice %arg11[%dma_start3A_740, %dma_start3A_741, %dma_start3A_742] : memref<2x128x128xf32, #tpu.memory_space<vmem>> -> memref<1x128x128xf32, #tpu.memory_space<vmem>>
      %dma_start3A_744 = tpu.memref_squeeze %dma_start3A_743 : memref<1x128x128xf32, #tpu.memory_space<vmem>> -> memref<128x128xf32, #tpu.memory_space<vmem>>
      %dma_start3A_745 = arith.constant 0 : i32
      %dma_start3A_746 = tpu.memref_slice %arg9[%dma_start3A_738, %dma_start3A_739, %dma_start3A_745] : memref<2x8x128xi32, #tpu.memory_space<vmem>> -> memref<1x1x128xi32, #tpu.memory_space<vmem>>
      %dma_start3A_747 = tpu.memref_squeeze %dma_start3A_746 : memref<1x1x128xi32, #tpu.memory_space<vmem>> -> memref<128xi32, #tpu.memory_space<vmem>>
      %dma_start3A_748 = arith.constant 0 : i32
      %dma_start3A_749 = arith.constant 0 : i32
      %dma_start3A_750 = tpu.memref_slice %arg2[%dma_start3A_748, %dma_start3A_749] : memref<20000x128xf32, #tpu.memory_space<hbm>> -> memref<20000x128xf32, #tpu.memory_space<hbm>>
      tpu.enqueue_indirect_dma source(%dma_start3A_750 : memref<20000x128xf32, #tpu.memory_space<hbm>>) target(%dma_start3A_744 : memref<128x128xf32, #tpu.memory_space<vmem>>) offsets(%dma_start3A_747 : memref<128xi32, #tpu.memory_space<vmem>>) semaphore(%arg14 : memref<!tpu.dma_semaphore, #tpu.memory_space<semaphore_mem>>)
      %get3A_751 = arith.constant 1 : i32
      %get3A_752 = arith.constant 1 : i32
      %get3A_753 = arith.index_cast %get3A_751 : i32 to index
      %get3A_754 = arith.index_cast %get3A_752 : i32 to index
      %get3A_755 = arith.constant 0 : index
      %get3A_756 = tpu.vector_load %arg10[%get3A_753, %get3A_754, %get3A_755] {strides = array<i32>} : memref<2x8x128xi32, #tpu.memory_space<vmem>>, vector<16xi32>,
      tpu.vector_store_idx %arg12[%get3A_756], %broadcast_in_dim3A_1 {add = true} : memref<10016xf32, #tpu.memory_space<vmem>>[vector<16xi32>], vector<16xf32>,
      %get3A_757 = arith.constant 1 : i32
      %get3A_758 = arith.constant 1 : i32
      %get3A_759 = arith.index_cast %get3A_757 : i32 to index
      %get3A_760 = arith.index_cast %get3A_758 : i32 to index
      %get3A_761 = arith.constant 16 : index
      %get3A_762 = tpu.vector_load %arg10[%get3A_759, %get3A_760, %get3A_761] {strides = array<i32>} : memref<2x8x128xi32, #tpu.memory_space<vmem>>, vector<16xi32>,
      tpu.vector_store_idx %arg12[%get3A_762], %broadcast_in_dim3A_1 {add = true} : memref<10016xf32, #tpu.memory_space<vmem>>[vector<16xi32>], vector<16xf32>,
      %get3A_763 = arith.constant 1 : i32
      %get3A_764 = arith.constant 1 : i32
      %get3A_765 = arith.index_cast %get3A_763 : i32 to index
      %get3A_766 = arith.index_cast %get3A_764 : i32 to index
      %get3A_767 = arith.constant 32 : index
      %get3A_768 = tpu.vector_load %arg10[%get3A_765, %get3A_766, %get3A_767] {strides = array<i32>} : memref<2x8x128xi32, #tpu.memory_space<vmem>>, vector<16xi32>,
      tpu.vector_store_idx %arg12[%get3A_768], %broadcast_in_dim3A_1 {add = true} : memref<10016xf32, #tpu.memory_space<vmem>>[vector<16xi32>], vector<16xf32>,
      %get3A_769 = arith.constant 1 : i32
      %get3A_770 = arith.constant 1 : i32
      %get3A_771 = arith.index_cast %get3A_769 : i32 to index
      %get3A_772 = arith.index_cast %get3A_770 : i32 to index
      %get3A_773 = arith.constant 48 : index
      %get3A_774 = tpu.vector_load %arg10[%get3A_771, %get3A_772, %get3A_773] {strides = array<i32>} : memref<2x8x128xi32, #tpu.memory_space<vmem>>, vector<16xi32>,
      tpu.vector_store_idx %arg12[%get3A_774], %broadcast_in_dim3A_1 {add = true} : memref<10016xf32, #tpu.memory_space<vmem>>[vector<16xi32>], vector<16xf32>,
      %get3A_775 = arith.constant 1 : i32
      %get3A_776 = arith.constant 1 : i32
      %get3A_777 = arith.index_cast %get3A_775 : i32 to index
      %get3A_778 = arith.index_cast %get3A_776 : i32 to index
      %get3A_779 = arith.constant 64 : index
      %get3A_780 = tpu.vector_load %arg10[%get3A_777, %get3A_778, %get3A_779] {strides = array<i32>} : memref<2x8x128xi32, #tpu.memory_space<vmem>>, vector<16xi32>,
      tpu.vector_store_idx %arg12[%get3A_780], %broadcast_in_dim3A_1 {add = true} : memref<10016xf32, #tpu.memory_space<vmem>>[vector<16xi32>], vector<16xf32>,
      %get3A_781 = arith.constant 1 : i32
      %get3A_782 = arith.constant 1 : i32
      %get3A_783 = arith.index_cast %get3A_781 : i32 to index
      %get3A_784 = arith.index_cast %get3A_782 : i32 to index
      %get3A_785 = arith.constant 80 : index
      %get3A_786 = tpu.vector_load %arg10[%get3A_783, %get3A_784, %get3A_785] {strides = array<i32>} : memref<2x8x128xi32, #tpu.memory_space<vmem>>, vector<16xi32>,
      tpu.vector_store_idx %arg12[%get3A_786], %broadcast_in_dim3A_1 {add = true} : memref<10016xf32, #tpu.memory_space<vmem>>[vector<16xi32>], vector<16xf32>,
      %get3A_787 = arith.constant 1 : i32
      %get3A_788 = arith.constant 1 : i32
      %get3A_789 = arith.index_cast %get3A_787 : i32 to index
      %get3A_790 = arith.index_cast %get3A_788 : i32 to index
      %get3A_791 = arith.constant 96 : index
      %get3A_792 = tpu.vector_load %arg10[%get3A_789, %get3A_790, %get3A_791] {strides = array<i32>} : memref<2x8x128xi32, #tpu.memory_space<vmem>>, vector<16xi32>,
      tpu.vector_store_idx %arg12[%get3A_792], %broadcast_in_dim3A_1 {add = true} : memref<10016xf32, #tpu.memory_space<vmem>>[vector<16xi32>], vector<16xf32>,
      %get3A_793 = arith.constant 1 : i32
      %get3A_794 = arith.constant 1 : i32
      %get3A_795 = arith.index_cast %get3A_793 : i32 to index
      %get3A_796 = arith.index_cast %get3A_794 : i32 to index
      %get3A_797 = arith.constant 112 : index
      %get3A_798 = tpu.vector_load %arg10[%get3A_795, %get3A_796, %get3A_797] {strides = array<i32>} : memref<2x8x128xi32, #tpu.memory_space<vmem>>, vector<16xi32>,
      tpu.vector_store_idx %arg12[%get3A_798], %broadcast_in_dim3A_1 {add = true} : memref<10016xf32, #tpu.memory_space<vmem>>[vector<16xi32>], vector<16xf32>,
      %dma_wait3A_799 = arith.constant 1 : i32
      %dma_wait3A_800 = arith.constant 1 : i32
      %dma_wait3A_801 = arith.constant 1 : i32
      %dma_wait3A_802 = arith.constant 0 : i32
      %dma_wait3A_803 = arith.constant 0 : i32
      %dma_wait3A_804 = tpu.memref_slice %arg11[%dma_wait3A_801, %dma_wait3A_802, %dma_wait3A_803] : memref<2x128x128xf32, #tpu.memory_space<vmem>> -> memref<1x128x128xf32, #tpu.memory_space<vmem>>
      %dma_wait3A_805 = tpu.memref_squeeze %dma_wait3A_804 : memref<1x128x128xf32, #tpu.memory_space<vmem>> -> memref<128x128xf32, #tpu.memory_space<vmem>>
      %dma_wait3A_806 = arith.constant 0 : i32
      %dma_wait3A_807 = tpu.memref_slice %arg9[%dma_wait3A_799, %dma_wait3A_800, %dma_wait3A_806] : memref<2x8x128xi32, #tpu.memory_space<vmem>> -> memref<1x1x128xi32, #tpu.memory_space<vmem>>
      %dma_wait3A_808 = tpu.memref_squeeze %dma_wait3A_807 : memref<1x1x128xi32, #tpu.memory_space<vmem>> -> memref<128xi32, #tpu.memory_space<vmem>>
      %dma_wait3A_809 = arith.constant 0 : i32
      %dma_wait3A_810 = arith.constant 0 : i32
      %dma_wait3A_811 = tpu.memref_slice %arg2[%dma_wait3A_809, %dma_wait3A_810] : memref<20000x128xf32, #tpu.memory_space<hbm>> -> memref<20000x128xf32, #tpu.memory_space<hbm>>
      tpu.wait_indirect_dma semaphore(%arg15 : memref<!tpu.dma_semaphore, #tpu.memory_space<semaphore_mem>>) src(%dma_wait3A_811 : memref<20000x128xf32, #tpu.memory_space<hbm>>) dst(%dma_wait3A_805 : memref<128x128xf32, #tpu.memory_space<vmem>>)
      %run_scoped3A_812 = arith.constant 1 : i32
      %run_scoped3A_813 = arith.constant 1 : i32
      %run_scoped3A_814 = arith.constant 1 : i32
      "tpu.region"() ({
        %run_scoped3A_1271 = tpu.sem_alloc : memref<!tpu.dma_semaphore, #tpu.memory_space<semaphore_mem>>
        %dma_start3A_1272 = arith.constant 0 : i32
        %dma_start3A_1273 = arith.constant 0 : i32
        %dma_start3A_1274 = tpu.memref_slice %arg11[%run_scoped3A_812, %dma_start3A_1272, %dma_start3A_1273] : memref<2x128x128xf32, #tpu.memory_space<vmem>> -> memref<1x128x128xf32, #tpu.memory_space<vmem>>
        %dma_start3A_1275 = tpu.memref_squeeze %dma_start3A_1274 : memref<1x128x128xf32, #tpu.memory_space<vmem>> -> memref<128x128xf32, #tpu.memory_space<vmem>>
        %dma_start3A_1276 = arith.constant 0 : i32
        %dma_start3A_1277 = tpu.memref_slice %arg10[%run_scoped3A_813, %run_scoped3A_814, %dma_start3A_1276] : memref<2x8x128xi32, #tpu.memory_space<vmem>> -> memref<1x1x128xi32, #tpu.memory_space<vmem>>
        %dma_start3A_1278 = tpu.memref_squeeze %dma_start3A_1277 : memref<1x1x128xi32, #tpu.memory_space<vmem>> -> memref<128xi32, #tpu.memory_space<vmem>>
        %dma_start3A_1279 = arith.constant 0 : i32
        %dma_start3A_1280 = arith.constant 0 : i32
        %dma_start3A_1281 = tpu.memref_slice %arg13[%dma_start3A_1279, %dma_start3A_1280] : memref<10008x128xf32, #tpu.memory_space<vmem_shared>> -> memref<10008x128xf32, #tpu.memory_space<vmem_shared>>
        tpu.enqueue_indirect_dma source(%dma_start3A_1275 : memref<128x128xf32, #tpu.memory_space<vmem>>) target(%dma_start3A_1281 : memref<10008x128xf32, #tpu.memory_space<vmem_shared>>) offsets(%dma_start3A_1278 : memref<128xi32, #tpu.memory_space<vmem>>) semaphore(%run_scoped3A_1271 : memref<!tpu.dma_semaphore, #tpu.memory_space<semaphore_mem>>) {add = true}
        %dma_wait3A_1282 = arith.constant 0 : i32
        %dma_wait3A_1283 = arith.constant 0 : i32
        %dma_wait3A_1284 = tpu.memref_slice %arg11[%run_scoped3A_812, %dma_wait3A_1282, %dma_wait3A_1283] : memref<2x128x128xf32, #tpu.memory_space<vmem>> -> memref<1x128x128xf32, #tpu.memory_space<vmem>>
        %dma_wait3A_1285 = tpu.memref_squeeze %dma_wait3A_1284 : memref<1x128x128xf32, #tpu.memory_space<vmem>> -> memref<128x128xf32, #tpu.memory_space<vmem>>
        %dma_wait3A_1286 = arith.constant 0 : i32
        %dma_wait3A_1287 = tpu.memref_slice %arg10[%run_scoped3A_813, %run_scoped3A_814, %dma_wait3A_1286] : memref<2x8x128xi32, #tpu.memory_space<vmem>> -> memref<1x1x128xi32, #tpu.memory_space<vmem>>
        %dma_wait3A_1288 = tpu.memref_squeeze %dma_wait3A_1287 : memref<1x1x128xi32, #tpu.memory_space<vmem>> -> memref<128xi32, #tpu.memory_space<vmem>>
        %dma_wait3A_1289 = arith.constant 0 : i32
        %dma_wait3A_1290 = arith.constant 0 : i32
        %dma_wait3A_1291 = tpu.memref_slice %arg13[%dma_wait3A_1289, %dma_wait3A_1290] : memref<10008x128xf32, #tpu.memory_space<vmem_shared>> -> memref<10008x128xf32, #tpu.memory_space<vmem_shared>>
        tpu.wait_indirect_dma semaphore(%run_scoped3A_1271 : memref<!tpu.dma_semaphore, #tpu.memory_space<semaphore_mem>>) src(%dma_wait3A_1285 : memref<128x128xf32, #tpu.memory_space<vmem>>) dst(%dma_wait3A_1291 : memref<10008x128xf32, #tpu.memory_space<vmem_shared>>)
        tpu.yield
      }) : () -> ()
      %dma_start3A_815 = arith.constant 1 : i32
      %dma_start3A_816 = arith.constant 3 : i32
      %dma_start3A_817 = arith.constant 1 : i32
      %dma_start3A_818 = arith.constant 0 : i32
      %dma_start3A_819 = arith.constant 0 : i32
      %dma_start3A_820 = tpu.memref_slice %arg11[%dma_start3A_817, %dma_start3A_818, %dma_start3A_819] : memref<2x128x128xf32, #tpu.memory_space<vmem>> -> memref<1x128x128xf32, #tpu.memory_space<vmem>>
      %dma_start3A_821 = tpu.memref_squeeze %dma_start3A_820 : memref<1x128x128xf32, #tpu.memory_space<vmem>> -> memref<128x128xf32, #tpu.memory_space<vmem>>
      %dma_start3A_822 = arith.constant 0 : i32
      %dma_start3A_823 = tpu.memref_slice %arg9[%dma_start3A_815, %dma_start3A_816, %dma_start3A_822] : memref<2x8x128xi32, #tpu.memory_space<vmem>> -> memref<1x1x128xi32, #tpu.memory_space<vmem>>
      %dma_start3A_824 = tpu.memref_squeeze %dma_start3A_823 : memref<1x1x128xi32, #tpu.memory_space<vmem>> -> memref<128xi32, #tpu.memory_space<vmem>>
      %dma_start3A_825 = arith.constant 0 : i32
      %dma_start3A_826 = arith.constant 0 : i32
      %dma_start3A_827 = tpu.memref_slice %arg2[%dma_start3A_825, %dma_start3A_826] : memref<20000x128xf32, #tpu.memory_space<hbm>> -> memref<20000x128xf32, #tpu.memory_space<hbm>>
      tpu.enqueue_indirect_dma source(%dma_start3A_827 : memref<20000x128xf32, #tpu.memory_space<hbm>>) target(%dma_start3A_821 : memref<128x128xf32, #tpu.memory_space<vmem>>) offsets(%dma_start3A_824 : memref<128xi32, #tpu.memory_space<vmem>>) semaphore(%arg15 : memref<!tpu.dma_semaphore, #tpu.memory_space<semaphore_mem>>)
      %get3A_828 = arith.constant 1 : i32
      %get3A_829 = arith.constant 2 : i32
      %get3A_830 = arith.index_cast %get3A_828 : i32 to index
      %get3A_831 = arith.index_cast %get3A_829 : i32 to index
      %get3A_832 = arith.constant 0 : index
      %get3A_833 = tpu.vector_load %arg10[%get3A_830, %get3A_831, %get3A_832] {strides = array<i32>} : memref<2x8x128xi32, #tpu.memory_space<vmem>>, vector<16xi32>,
      tpu.vector_store_idx %arg12[%get3A_833], %broadcast_in_dim3A_1 {add = true} : memref<10016xf32, #tpu.memory_space<vmem>>[vector<16xi32>], vector<16xf32>,
      %get3A_834 = arith.constant 1 : i32
      %get3A_835 = arith.constant 2 : i32
      %get3A_836 = arith.index_cast %get3A_834 : i32 to index
      %get3A_837 = arith.index_cast %get3A_835 : i32 to index
      %get3A_838 = arith.constant 16 : index
      %get3A_839 = tpu.vector_load %arg10[%get3A_836, %get3A_837, %get3A_838] {strides = array<i32>} : memref<2x8x128xi32, #tpu.memory_space<vmem>>, vector<16xi32>,
      tpu.vector_store_idx %arg12[%get3A_839], %broadcast_in_dim3A_1 {add = true} : memref<10016xf32, #tpu.memory_space<vmem>>[vector<16xi32>], vector<16xf32>,
      %get3A_840 = arith.constant 1 : i32
      %get3A_841 = arith.constant 2 : i32
      %get3A_842 = arith.index_cast %get3A_840 : i32 to index
      %get3A_843 = arith.index_cast %get3A_841 : i32 to index
      %get3A_844 = arith.constant 32 : index
      %get3A_845 = tpu.vector_load %arg10[%get3A_842, %get3A_843, %get3A_844] {strides = array<i32>} : memref<2x8x128xi32, #tpu.memory_space<vmem>>, vector<16xi32>,
      tpu.vector_store_idx %arg12[%get3A_845], %broadcast_in_dim3A_1 {add = true} : memref<10016xf32, #tpu.memory_space<vmem>>[vector<16xi32>], vector<16xf32>,
      %get3A_846 = arith.constant 1 : i32
      %get3A_847 = arith.constant 2 : i32
      %get3A_848 = arith.index_cast %get3A_846 : i32 to index
      %get3A_849 = arith.index_cast %get3A_847 : i32 to index
      %get3A_850 = arith.constant 48 : index
      %get3A_851 = tpu.vector_load %arg10[%get3A_848, %get3A_849, %get3A_850] {strides = array<i32>} : memref<2x8x128xi32, #tpu.memory_space<vmem>>, vector<16xi32>,
      tpu.vector_store_idx %arg12[%get3A_851], %broadcast_in_dim3A_1 {add = true} : memref<10016xf32, #tpu.memory_space<vmem>>[vector<16xi32>], vector<16xf32>,
      %get3A_852 = arith.constant 1 : i32
      %get3A_853 = arith.constant 2 : i32
      %get3A_854 = arith.index_cast %get3A_852 : i32 to index
      %get3A_855 = arith.index_cast %get3A_853 : i32 to index
      %get3A_856 = arith.constant 64 : index
      %get3A_857 = tpu.vector_load %arg10[%get3A_854, %get3A_855, %get3A_856] {strides = array<i32>} : memref<2x8x128xi32, #tpu.memory_space<vmem>>, vector<16xi32>,
      tpu.vector_store_idx %arg12[%get3A_857], %broadcast_in_dim3A_1 {add = true} : memref<10016xf32, #tpu.memory_space<vmem>>[vector<16xi32>], vector<16xf32>,
      %get3A_858 = arith.constant 1 : i32
      %get3A_859 = arith.constant 2 : i32
      %get3A_860 = arith.index_cast %get3A_858 : i32 to index
      %get3A_861 = arith.index_cast %get3A_859 : i32 to index
      %get3A_862 = arith.constant 80 : index
      %get3A_863 = tpu.vector_load %arg10[%get3A_860, %get3A_861, %get3A_862] {strides = array<i32>} : memref<2x8x128xi32, #tpu.memory_space<vmem>>, vector<16xi32>,
      tpu.vector_store_idx %arg12[%get3A_863], %broadcast_in_dim3A_1 {add = true} : memref<10016xf32, #tpu.memory_space<vmem>>[vector<16xi32>], vector<16xf32>,
      %get3A_864 = arith.constant 1 : i32
      %get3A_865 = arith.constant 2 : i32
      %get3A_866 = arith.index_cast %get3A_864 : i32 to index
      %get3A_867 = arith.index_cast %get3A_865 : i32 to index
      %get3A_868 = arith.constant 96 : index
      %get3A_869 = tpu.vector_load %arg10[%get3A_866, %get3A_867, %get3A_868] {strides = array<i32>} : memref<2x8x128xi32, #tpu.memory_space<vmem>>, vector<16xi32>,
      tpu.vector_store_idx %arg12[%get3A_869], %broadcast_in_dim3A_1 {add = true} : memref<10016xf32, #tpu.memory_space<vmem>>[vector<16xi32>], vector<16xf32>,
      %get3A_870 = arith.constant 1 : i32
      %get3A_871 = arith.constant 2 : i32
      %get3A_872 = arith.index_cast %get3A_870 : i32 to index
      %get3A_873 = arith.index_cast %get3A_871 : i32 to index
      %get3A_874 = arith.constant 112 : index
      %get3A_875 = tpu.vector_load %arg10[%get3A_872, %get3A_873, %get3A_874] {strides = array<i32>} : memref<2x8x128xi32, #tpu.memory_space<vmem>>, vector<16xi32>,
      tpu.vector_store_idx %arg12[%get3A_875], %broadcast_in_dim3A_1 {add = true} : memref<10016xf32, #tpu.memory_space<vmem>>[vector<16xi32>], vector<16xf32>,
      %dma_wait3A_876 = arith.constant 1 : i32
      %dma_wait3A_877 = arith.constant 2 : i32
      %dma_wait3A_878 = arith.constant 0 : i32
      %dma_wait3A_879 = arith.constant 0 : i32
      %dma_wait3A_880 = arith.constant 0 : i32
      %dma_wait3A_881 = tpu.memref_slice %arg11[%dma_wait3A_878, %dma_wait3A_879, %dma_wait3A_880] : memref<2x128x128xf32, #tpu.memory_space<vmem>> -> memref<1x128x128xf32, #tpu.memory_space<vmem>>
      %dma_wait3A_882 = tpu.memref_squeeze %dma_wait3A_881 : memref<1x128x128xf32, #tpu.memory_space<vmem>> -> memref<128x128xf32, #tpu.memory_space<vmem>>
      %dma_wait3A_883 = arith.constant 0 : i32
      %dma_wait3A_884 = tpu.memref_slice %arg9[%dma_wait3A_876, %dma_wait3A_877, %dma_wait3A_883] : memref<2x8x128xi32, #tpu.memory_space<vmem>> -> memref<1x1x128xi32, #tpu.memory_space<vmem>>
      %dma_wait3A_885 = tpu.memref_squeeze %dma_wait3A_884 : memref<1x1x128xi32, #tpu.memory_space<vmem>> -> memref<128xi32, #tpu.memory_space<vmem>>
      %dma_wait3A_886 = arith.constant 0 : i32
      %dma_wait3A_887 = arith.constant 0 : i32
      %dma_wait3A_888 = tpu.memref_slice %arg2[%dma_wait3A_886, %dma_wait3A_887] : memref<20000x128xf32, #tpu.memory_space<hbm>> -> memref<20000x128xf32, #tpu.memory_space<hbm>>
      tpu.wait_indirect_dma semaphore(%arg14 : memref<!tpu.dma_semaphore, #tpu.memory_space<semaphore_mem>>) src(%dma_wait3A_888 : memref<20000x128xf32, #tpu.memory_space<hbm>>) dst(%dma_wait3A_882 : memref<128x128xf32, #tpu.memory_space<vmem>>)
      %run_scoped3A_889 = arith.constant 0 : i32
      %run_scoped3A_890 = arith.constant 1 : i32
      %run_scoped3A_891 = arith.constant 2 : i32
      "tpu.region"() ({
        %run_scoped3A_1271 = tpu.sem_alloc : memref<!tpu.dma_semaphore, #tpu.memory_space<semaphore_mem>>
        %dma_start3A_1272 = arith.constant 0 : i32
        %dma_start3A_1273 = arith.constant 0 : i32
        %dma_start3A_1274 = tpu.memref_slice %arg11[%run_scoped3A_889, %dma_start3A_1272, %dma_start3A_1273] : memref<2x128x128xf32, #tpu.memory_space<vmem>> -> memref<1x128x128xf32, #tpu.memory_space<vmem>>
        %dma_start3A_1275 = tpu.memref_squeeze %dma_start3A_1274 : memref<1x128x128xf32, #tpu.memory_space<vmem>> -> memref<128x128xf32, #tpu.memory_space<vmem>>
        %dma_start3A_1276 = arith.constant 0 : i32
        %dma_start3A_1277 = tpu.memref_slice %arg10[%run_scoped3A_890, %run_scoped3A_891, %dma_start3A_1276] : memref<2x8x128xi32, #tpu.memory_space<vmem>> -> memref<1x1x128xi32, #tpu.memory_space<vmem>>
        %dma_start3A_1278 = tpu.memref_squeeze %dma_start3A_1277 : memref<1x1x128xi32, #tpu.memory_space<vmem>> -> memref<128xi32, #tpu.memory_space<vmem>>
        %dma_start3A_1279 = arith.constant 0 : i32
        %dma_start3A_1280 = arith.constant 0 : i32
        %dma_start3A_1281 = tpu.memref_slice %arg13[%dma_start3A_1279, %dma_start3A_1280] : memref<10008x128xf32, #tpu.memory_space<vmem_shared>> -> memref<10008x128xf32, #tpu.memory_space<vmem_shared>>
        tpu.enqueue_indirect_dma source(%dma_start3A_1275 : memref<128x128xf32, #tpu.memory_space<vmem>>) target(%dma_start3A_1281 : memref<10008x128xf32, #tpu.memory_space<vmem_shared>>) offsets(%dma_start3A_1278 : memref<128xi32, #tpu.memory_space<vmem>>) semaphore(%run_scoped3A_1271 : memref<!tpu.dma_semaphore, #tpu.memory_space<semaphore_mem>>) {add = true}
        %dma_wait3A_1282 = arith.constant 0 : i32
        %dma_wait3A_1283 = arith.constant 0 : i32
        %dma_wait3A_1284 = tpu.memref_slice %arg11[%run_scoped3A_889, %dma_wait3A_1282, %dma_wait3A_1283] : memref<2x128x128xf32, #tpu.memory_space<vmem>> -> memref<1x128x128xf32, #tpu.memory_space<vmem>>
        %dma_wait3A_1285 = tpu.memref_squeeze %dma_wait3A_1284 : memref<1x128x128xf32, #tpu.memory_space<vmem>> -> memref<128x128xf32, #tpu.memory_space<vmem>>
        %dma_wait3A_1286 = arith.constant 0 : i32
        %dma_wait3A_1287 = tpu.memref_slice %arg10[%run_scoped3A_890, %run_scoped3A_891, %dma_wait3A_1286] : memref<2x8x128xi32, #tpu.memory_space<vmem>> -> memref<1x1x128xi32, #tpu.memory_space<vmem>>
        %dma_wait3A_1288 = tpu.memref_squeeze %dma_wait3A_1287 : memref<1x1x128xi32, #tpu.memory_space<vmem>> -> memref<128xi32, #tpu.memory_space<vmem>>
        %dma_wait3A_1289 = arith.constant 0 : i32
        %dma_wait3A_1290 = arith.constant 0 : i32
        %dma_wait3A_1291 = tpu.memref_slice %arg13[%dma_wait3A_1289, %dma_wait3A_1290] : memref<10008x128xf32, #tpu.memory_space<vmem_shared>> -> memref<10008x128xf32, #tpu.memory_space<vmem_shared>>
        tpu.wait_indirect_dma semaphore(%run_scoped3A_1271 : memref<!tpu.dma_semaphore, #tpu.memory_space<semaphore_mem>>) src(%dma_wait3A_1285 : memref<128x128xf32, #tpu.memory_space<vmem>>) dst(%dma_wait3A_1291 : memref<10008x128xf32, #tpu.memory_space<vmem_shared>>)
        tpu.yield
      }) : () -> ()
      %dma_start3A_892 = arith.constant 1 : i32
      %dma_start3A_893 = arith.constant 4 : i32
      %dma_start3A_894 = arith.constant 0 : i32
      %dma_start3A_895 = arith.constant 0 : i32
      %dma_start3A_896 = arith.constant 0 : i32
      %dma_start3A_897 = tpu.memref_slice %arg11[%dma_start3A_894, %dma_start3A_895, %dma_start3A_896] : memref<2x128x128xf32, #tpu.memory_space<vmem>> -> memref<1x128x128xf32, #tpu.memory_space<vmem>>
      %dma_start3A_898 = tpu.memref_squeeze %dma_start3A_897 : memref<1x128x128xf32, #tpu.memory_space<vmem>> -> memref<128x128xf32, #tpu.memory_space<vmem>>
      %dma_start3A_899 = arith.constant 0 : i32
      %dma_start3A_900 = tpu.memref_slice %arg9[%dma_start3A_892, %dma_start3A_893, %dma_start3A_899] : memref<2x8x128xi32, #tpu.memory_space<vmem>> -> memref<1x1x128xi32, #tpu.memory_space<vmem>>
      %dma_start3A_901 = tpu.memref_squeeze %dma_start3A_900 : memref<1x1x128xi32, #tpu.memory_space<vmem>> -> memref<128xi32, #tpu.memory_space<vmem>>
      %dma_start3A_902 = arith.constant 0 : i32
      %dma_start3A_903 = arith.constant 0 : i32
      %dma_start3A_904 = tpu.memref_slice %arg2[%dma_start3A_902, %dma_start3A_903] : memref<20000x128xf32, #tpu.memory_space<hbm>> -> memref<20000x128xf32, #tpu.memory_space<hbm>>
      tpu.enqueue_indirect_dma source(%dma_start3A_904 : memref<20000x128xf32, #tpu.memory_space<hbm>>) target(%dma_start3A_898 : memref<128x128xf32, #tpu.memory_space<vmem>>) offsets(%dma_start3A_901 : memref<128xi32, #tpu.memory_space<vmem>>) semaphore(%arg14 : memref<!tpu.dma_semaphore, #tpu.memory_space<semaphore_mem>>)
      %get3A_905 = arith.constant 1 : i32
      %get3A_906 = arith.constant 3 : i32
      %get3A_907 = arith.index_cast %get3A_905 : i32 to index
      %get3A_908 = arith.index_cast %get3A_906 : i32 to index
      %get3A_909 = arith.constant 0 : index
      %get3A_910 = tpu.vector_load %arg10[%get3A_907, %get3A_908, %get3A_909] {strides = array<i32>} : memref<2x8x128xi32, #tpu.memory_space<vmem>>, vector<16xi32>,
      tpu.vector_store_idx %arg12[%get3A_910], %broadcast_in_dim3A_1 {add = true} : memref<10016xf32, #tpu.memory_space<vmem>>[vector<16xi32>], vector<16xf32>,
      %get3A_911 = arith.constant 1 : i32
      %get3A_912 = arith.constant 3 : i32
      %get3A_913 = arith.index_cast %get3A_911 : i32 to index
      %get3A_914 = arith.index_cast %get3A_912 : i32 to index
      %get3A_915 = arith.constant 16 : index
      %get3A_916 = tpu.vector_load %arg10[%get3A_913, %get3A_914, %get3A_915] {strides = array<i32>} : memref<2x8x128xi32, #tpu.memory_space<vmem>>, vector<16xi32>,
      tpu.vector_store_idx %arg12[%get3A_916], %broadcast_in_dim3A_1 {add = true} : memref<10016xf32, #tpu.memory_space<vmem>>[vector<16xi32>], vector<16xf32>,
      %get3A_917 = arith.constant 1 : i32
      %get3A_918 = arith.constant 3 : i32
      %get3A_919 = arith.index_cast %get3A_917 : i32 to index
      %get3A_920 = arith.index_cast %get3A_918 : i32 to index
      %get3A_921 = arith.constant 32 : index
      %get3A_922 = tpu.vector_load %arg10[%get3A_919, %get3A_920, %get3A_921] {strides = array<i32>} : memref<2x8x128xi32, #tpu.memory_space<vmem>>, vector<16xi32>,
      tpu.vector_store_idx %arg12[%get3A_922], %broadcast_in_dim3A_1 {add = true} : memref<10016xf32, #tpu.memory_space<vmem>>[vector<16xi32>], vector<16xf32>,
      %get3A_923 = arith.constant 1 : i32
      %get3A_924 = arith.constant 3 : i32
      %get3A_925 = arith.index_cast %get3A_923 : i32 to index
      %get3A_926 = arith.index_cast %get3A_924 : i32 to index
      %get3A_927 = arith.constant 48 : index
      %get3A_928 = tpu.vector_load %arg10[%get3A_925, %get3A_926, %get3A_927] {strides = array<i32>} : memref<2x8x128xi32, #tpu.memory_space<vmem>>, vector<16xi32>,
      tpu.vector_store_idx %arg12[%get3A_928], %broadcast_in_dim3A_1 {add = true} : memref<10016xf32, #tpu.memory_space<vmem>>[vector<16xi32>], vector<16xf32>,
      %get3A_929 = arith.constant 1 : i32
      %get3A_930 = arith.constant 3 : i32
      %get3A_931 = arith.index_cast %get3A_929 : i32 to index
      %get3A_932 = arith.index_cast %get3A_930 : i32 to index
      %get3A_933 = arith.constant 64 : index
      %get3A_934 = tpu.vector_load %arg10[%get3A_931, %get3A_932, %get3A_933] {strides = array<i32>} : memref<2x8x128xi32, #tpu.memory_space<vmem>>, vector<16xi32>,
      tpu.vector_store_idx %arg12[%get3A_934], %broadcast_in_dim3A_1 {add = true} : memref<10016xf32, #tpu.memory_space<vmem>>[vector<16xi32>], vector<16xf32>,
      %get3A_935 = arith.constant 1 : i32
      %get3A_936 = arith.constant 3 : i32
      %get3A_937 = arith.index_cast %get3A_935 : i32 to index
      %get3A_938 = arith.index_cast %get3A_936 : i32 to index
      %get3A_939 = arith.constant 80 : index
      %get3A_940 = tpu.vector_load %arg10[%get3A_937, %get3A_938, %get3A_939] {strides = array<i32>} : memref<2x8x128xi32, #tpu.memory_space<vmem>>, vector<16xi32>,
      tpu.vector_store_idx %arg12[%get3A_940], %broadcast_in_dim3A_1 {add = true} : memref<10016xf32, #tpu.memory_space<vmem>>[vector<16xi32>], vector<16xf32>,
      %get3A_941 = arith.constant 1 : i32
      %get3A_942 = arith.constant 3 : i32
      %get3A_943 = arith.index_cast %get3A_941 : i32 to index
      %get3A_944 = arith.index_cast %get3A_942 : i32 to index
      %get3A_945 = arith.constant 96 : index
      %get3A_946 = tpu.vector_load %arg10[%get3A_943, %get3A_944, %get3A_945] {strides = array<i32>} : memref<2x8x128xi32, #tpu.memory_space<vmem>>, vector<16xi32>,
      tpu.vector_store_idx %arg12[%get3A_946], %broadcast_in_dim3A_1 {add = true} : memref<10016xf32, #tpu.memory_space<vmem>>[vector<16xi32>], vector<16xf32>,
      %get3A_947 = arith.constant 1 : i32
      %get3A_948 = arith.constant 3 : i32
      %get3A_949 = arith.index_cast %get3A_947 : i32 to index
      %get3A_950 = arith.index_cast %get3A_948 : i32 to index
      %get3A_951 = arith.constant 112 : index
      %get3A_952 = tpu.vector_load %arg10[%get3A_949, %get3A_950, %get3A_951] {strides = array<i32>} : memref<2x8x128xi32, #tpu.memory_space<vmem>>, vector<16xi32>,
      tpu.vector_store_idx %arg12[%get3A_952], %broadcast_in_dim3A_1 {add = true} : memref<10016xf32, #tpu.memory_space<vmem>>[vector<16xi32>], vector<16xf32>,
      %dma_wait3A_953 = arith.constant 1 : i32
      %dma_wait3A_954 = arith.constant 3 : i32
      %dma_wait3A_955 = arith.constant 1 : i32
      %dma_wait3A_956 = arith.constant 0 : i32
      %dma_wait3A_957 = arith.constant 0 : i32
      %dma_wait3A_958 = tpu.memref_slice %arg11[%dma_wait3A_955, %dma_wait3A_956, %dma_wait3A_957] : memref<2x128x128xf32, #tpu.memory_space<vmem>> -> memref<1x128x128xf32, #tpu.memory_space<vmem>>
      %dma_wait3A_959 = tpu.memref_squeeze %dma_wait3A_958 : memref<1x128x128xf32, #tpu.memory_space<vmem>> -> memref<128x128xf32, #tpu.memory_space<vmem>>
      %dma_wait3A_960 = arith.constant 0 : i32
      %dma_wait3A_961 = tpu.memref_slice %arg9[%dma_wait3A_953, %dma_wait3A_954, %dma_wait3A_960] : memref<2x8x128xi32, #tpu.memory_space<vmem>> -> memref<1x1x128xi32, #tpu.memory_space<vmem>>
      %dma_wait3A_962 = tpu.memref_squeeze %dma_wait3A_961 : memref<1x1x128xi32, #tpu.memory_space<vmem>> -> memref<128xi32, #tpu.memory_space<vmem>>
      %dma_wait3A_963 = arith.constant 0 : i32
      %dma_wait3A_964 = arith.constant 0 : i32
      %dma_wait3A_965 = tpu.memref_slice %arg2[%dma_wait3A_963, %dma_wait3A_964] : memref<20000x128xf32, #tpu.memory_space<hbm>> -> memref<20000x128xf32, #tpu.memory_space<hbm>>
      tpu.wait_indirect_dma semaphore(%arg15 : memref<!tpu.dma_semaphore, #tpu.memory_space<semaphore_mem>>) src(%dma_wait3A_965 : memref<20000x128xf32, #tpu.memory_space<hbm>>) dst(%dma_wait3A_959 : memref<128x128xf32, #tpu.memory_space<vmem>>)
      %run_scoped3A_966 = arith.constant 1 : i32
      %run_scoped3A_967 = arith.constant 1 : i32
      %run_scoped3A_968 = arith.constant 3 : i32
      "tpu.region"() ({
        %run_scoped3A_1271 = tpu.sem_alloc : memref<!tpu.dma_semaphore, #tpu.memory_space<semaphore_mem>>
        %dma_start3A_1272 = arith.constant 0 : i32
        %dma_start3A_1273 = arith.constant 0 : i32
        %dma_start3A_1274 = tpu.memref_slice %arg11[%run_scoped3A_966, %dma_start3A_1272, %dma_start3A_1273] : memref<2x128x128xf32, #tpu.memory_space<vmem>> -> memref<1x128x128xf32, #tpu.memory_space<vmem>>
        %dma_start3A_1275 = tpu.memref_squeeze %dma_start3A_1274 : memref<1x128x128xf32, #tpu.memory_space<vmem>> -> memref<128x128xf32, #tpu.memory_space<vmem>>
        %dma_start3A_1276 = arith.constant 0 : i32
        %dma_start3A_1277 = tpu.memref_slice %arg10[%run_scoped3A_967, %run_scoped3A_968, %dma_start3A_1276] : memref<2x8x128xi32, #tpu.memory_space<vmem>> -> memref<1x1x128xi32, #tpu.memory_space<vmem>>
        %dma_start3A_1278 = tpu.memref_squeeze %dma_start3A_1277 : memref<1x1x128xi32, #tpu.memory_space<vmem>> -> memref<128xi32, #tpu.memory_space<vmem>>
        %dma_start3A_1279 = arith.constant 0 : i32
        %dma_start3A_1280 = arith.constant 0 : i32
        %dma_start3A_1281 = tpu.memref_slice %arg13[%dma_start3A_1279, %dma_start3A_1280] : memref<10008x128xf32, #tpu.memory_space<vmem_shared>> -> memref<10008x128xf32, #tpu.memory_space<vmem_shared>>
        tpu.enqueue_indirect_dma source(%dma_start3A_1275 : memref<128x128xf32, #tpu.memory_space<vmem>>) target(%dma_start3A_1281 : memref<10008x128xf32, #tpu.memory_space<vmem_shared>>) offsets(%dma_start3A_1278 : memref<128xi32, #tpu.memory_space<vmem>>) semaphore(%run_scoped3A_1271 : memref<!tpu.dma_semaphore, #tpu.memory_space<semaphore_mem>>) {add = true}
        %dma_wait3A_1282 = arith.constant 0 : i32
        %dma_wait3A_1283 = arith.constant 0 : i32
        %dma_wait3A_1284 = tpu.memref_slice %arg11[%run_scoped3A_966, %dma_wait3A_1282, %dma_wait3A_1283] : memref<2x128x128xf32, #tpu.memory_space<vmem>> -> memref<1x128x128xf32, #tpu.memory_space<vmem>>
        %dma_wait3A_1285 = tpu.memref_squeeze %dma_wait3A_1284 : memref<1x128x128xf32, #tpu.memory_space<vmem>> -> memref<128x128xf32, #tpu.memory_space<vmem>>
        %dma_wait3A_1286 = arith.constant 0 : i32
        %dma_wait3A_1287 = tpu.memref_slice %arg10[%run_scoped3A_967, %run_scoped3A_968, %dma_wait3A_1286] : memref<2x8x128xi32, #tpu.memory_space<vmem>> -> memref<1x1x128xi32, #tpu.memory_space<vmem>>
        %dma_wait3A_1288 = tpu.memref_squeeze %dma_wait3A_1287 : memref<1x1x128xi32, #tpu.memory_space<vmem>> -> memref<128xi32, #tpu.memory_space<vmem>>
        %dma_wait3A_1289 = arith.constant 0 : i32
        %dma_wait3A_1290 = arith.constant 0 : i32
        %dma_wait3A_1291 = tpu.memref_slice %arg13[%dma_wait3A_1289, %dma_wait3A_1290] : memref<10008x128xf32, #tpu.memory_space<vmem_shared>> -> memref<10008x128xf32, #tpu.memory_space<vmem_shared>>
        tpu.wait_indirect_dma semaphore(%run_scoped3A_1271 : memref<!tpu.dma_semaphore, #tpu.memory_space<semaphore_mem>>) src(%dma_wait3A_1285 : memref<128x128xf32, #tpu.memory_space<vmem>>) dst(%dma_wait3A_1291 : memref<10008x128xf32, #tpu.memory_space<vmem_shared>>)
        tpu.yield
      }) : () -> ()
      %dma_start3A_969 = arith.constant 1 : i32
      %dma_start3A_970 = arith.constant 5 : i32
      %dma_start3A_971 = arith.constant 1 : i32
      %dma_start3A_972 = arith.constant 0 : i32
      %dma_start3A_973 = arith.constant 0 : i32
      %dma_start3A_974 = tpu.memref_slice %arg11[%dma_start3A_971, %dma_start3A_972, %dma_start3A_973] : memref<2x128x128xf32, #tpu.memory_space<vmem>> -> memref<1x128x128xf32, #tpu.memory_space<vmem>>
      %dma_start3A_975 = tpu.memref_squeeze %dma_start3A_974 : memref<1x128x128xf32, #tpu.memory_space<vmem>> -> memref<128x128xf32, #tpu.memory_space<vmem>>
      %dma_start3A_976 = arith.constant 0 : i32
      %dma_start3A_977 = tpu.memref_slice %arg9[%dma_start3A_969, %dma_start3A_970, %dma_start3A_976] : memref<2x8x128xi32, #tpu.memory_space<vmem>> -> memref<1x1x128xi32, #tpu.memory_space<vmem>>
      %dma_start3A_978 = tpu.memref_squeeze %dma_start3A_977 : memref<1x1x128xi32, #tpu.memory_space<vmem>> -> memref<128xi32, #tpu.memory_space<vmem>>
      %dma_start3A_979 = arith.constant 0 : i32
      %dma_start3A_980 = arith.constant 0 : i32
      %dma_start3A_981 = tpu.memref_slice %arg2[%dma_start3A_979, %dma_start3A_980] : memref<20000x128xf32, #tpu.memory_space<hbm>> -> memref<20000x128xf32, #tpu.memory_space<hbm>>
      tpu.enqueue_indirect_dma source(%dma_start3A_981 : memref<20000x128xf32, #tpu.memory_space<hbm>>) target(%dma_start3A_975 : memref<128x128xf32, #tpu.memory_space<vmem>>) offsets(%dma_start3A_978 : memref<128xi32, #tpu.memory_space<vmem>>) semaphore(%arg15 : memref<!tpu.dma_semaphore, #tpu.memory_space<semaphore_mem>>)
      %get3A_982 = arith.constant 1 : i32
      %get3A_983 = arith.constant 4 : i32
      %get3A_984 = arith.index_cast %get3A_982 : i32 to index
      %get3A_985 = arith.index_cast %get3A_983 : i32 to index
      %get3A_986 = arith.constant 0 : index
      %get3A_987 = tpu.vector_load %arg10[%get3A_984, %get3A_985, %get3A_986] {strides = array<i32>} : memref<2x8x128xi32, #tpu.memory_space<vmem>>, vector<16xi32>,
      tpu.vector_store_idx %arg12[%get3A_987], %broadcast_in_dim3A_1 {add = true} : memref<10016xf32, #tpu.memory_space<vmem>>[vector<16xi32>], vector<16xf32>,
      %get3A_988 = arith.constant 1 : i32
      %get3A_989 = arith.constant 4 : i32
      %get3A_990 = arith.index_cast %get3A_988 : i32 to index
      %get3A_991 = arith.index_cast %get3A_989 : i32 to index
      %get3A_992 = arith.constant 16 : index
      %get3A_993 = tpu.vector_load %arg10[%get3A_990, %get3A_991, %get3A_992] {strides = array<i32>} : memref<2x8x128xi32, #tpu.memory_space<vmem>>, vector<16xi32>,
      tpu.vector_store_idx %arg12[%get3A_993], %broadcast_in_dim3A_1 {add = true} : memref<10016xf32, #tpu.memory_space<vmem>>[vector<16xi32>], vector<16xf32>,
      %get3A_994 = arith.constant 1 : i32
      %get3A_995 = arith.constant 4 : i32
      %get3A_996 = arith.index_cast %get3A_994 : i32 to index
      %get3A_997 = arith.index_cast %get3A_995 : i32 to index
      %get3A_998 = arith.constant 32 : index
      %get3A_999 = tpu.vector_load %arg10[%get3A_996, %get3A_997, %get3A_998] {strides = array<i32>} : memref<2x8x128xi32, #tpu.memory_space<vmem>>, vector<16xi32>,
      tpu.vector_store_idx %arg12[%get3A_999], %broadcast_in_dim3A_1 {add = true} : memref<10016xf32, #tpu.memory_space<vmem>>[vector<16xi32>], vector<16xf32>,
      %get3A_1000 = arith.constant 1 : i32
      %get3A_1001 = arith.constant 4 : i32
      %get3A_1002 = arith.index_cast %get3A_1000 : i32 to index
      %get3A_1003 = arith.index_cast %get3A_1001 : i32 to index
      %get3A_1004 = arith.constant 48 : index
      %get3A_1005 = tpu.vector_load %arg10[%get3A_1002, %get3A_1003, %get3A_1004] {strides = array<i32>} : memref<2x8x128xi32, #tpu.memory_space<vmem>>, vector<16xi32>,
      tpu.vector_store_idx %arg12[%get3A_1005], %broadcast_in_dim3A_1 {add = true} : memref<10016xf32, #tpu.memory_space<vmem>>[vector<16xi32>], vector<16xf32>,
      %get3A_1006 = arith.constant 1 : i32
      %get3A_1007 = arith.constant 4 : i32
      %get3A_1008 = arith.index_cast %get3A_1006 : i32 to index
      %get3A_1009 = arith.index_cast %get3A_1007 : i32 to index
      %get3A_1010 = arith.constant 64 : index
      %get3A_1011 = tpu.vector_load %arg10[%get3A_1008, %get3A_1009, %get3A_1010] {strides = array<i32>} : memref<2x8x128xi32, #tpu.memory_space<vmem>>, vector<16xi32>,
      tpu.vector_store_idx %arg12[%get3A_1011], %broadcast_in_dim3A_1 {add = true} : memref<10016xf32, #tpu.memory_space<vmem>>[vector<16xi32>], vector<16xf32>,
      %get3A_1012 = arith.constant 1 : i32
      %get3A_1013 = arith.constant 4 : i32
      %get3A_1014 = arith.index_cast %get3A_1012 : i32 to index
      %get3A_1015 = arith.index_cast %get3A_1013 : i32 to index
      %get3A_1016 = arith.constant 80 : index
      %get3A_1017 = tpu.vector_load %arg10[%get3A_1014, %get3A_1015, %get3A_1016] {strides = array<i32>} : memref<2x8x128xi32, #tpu.memory_space<vmem>>, vector<16xi32>,
      tpu.vector_store_idx %arg12[%get3A_1017], %broadcast_in_dim3A_1 {add = true} : memref<10016xf32, #tpu.memory_space<vmem>>[vector<16xi32>], vector<16xf32>,
      %get3A_1018 = arith.constant 1 : i32
      %get3A_1019 = arith.constant 4 : i32
      %get3A_1020 = arith.index_cast %get3A_1018 : i32 to index
      %get3A_1021 = arith.index_cast %get3A_1019 : i32 to index
      %get3A_1022 = arith.constant 96 : index
      %get3A_1023 = tpu.vector_load %arg10[%get3A_1020, %get3A_1021, %get3A_1022] {strides = array<i32>} : memref<2x8x128xi32, #tpu.memory_space<vmem>>, vector<16xi32>,
      tpu.vector_store_idx %arg12[%get3A_1023], %broadcast_in_dim3A_1 {add = true} : memref<10016xf32, #tpu.memory_space<vmem>>[vector<16xi32>], vector<16xf32>,
      %get3A_1024 = arith.constant 1 : i32
      %get3A_1025 = arith.constant 4 : i32
      %get3A_1026 = arith.index_cast %get3A_1024 : i32 to index
      %get3A_1027 = arith.index_cast %get3A_1025 : i32 to index
      %get3A_1028 = arith.constant 112 : index
      %get3A_1029 = tpu.vector_load %arg10[%get3A_1026, %get3A_1027, %get3A_1028] {strides = array<i32>} : memref<2x8x128xi32, #tpu.memory_space<vmem>>, vector<16xi32>,
      tpu.vector_store_idx %arg12[%get3A_1029], %broadcast_in_dim3A_1 {add = true} : memref<10016xf32, #tpu.memory_space<vmem>>[vector<16xi32>], vector<16xf32>,
      %dma_wait3A_1030 = arith.constant 1 : i32
      %dma_wait3A_1031 = arith.constant 4 : i32
      %dma_wait3A_1032 = arith.constant 0 : i32
      %dma_wait3A_1033 = arith.constant 0 : i32
      %dma_wait3A_1034 = arith.constant 0 : i32
      %dma_wait3A_1035 = tpu.memref_slice %arg11[%dma_wait3A_1032, %dma_wait3A_1033, %dma_wait3A_1034] : memref<2x128x128xf32, #tpu.memory_space<vmem>> -> memref<1x128x128xf32, #tpu.memory_space<vmem>>
      %dma_wait3A_1036 = tpu.memref_squeeze %dma_wait3A_1035 : memref<1x128x128xf32, #tpu.memory_space<vmem>> -> memref<128x128xf32, #tpu.memory_space<vmem>>
      %dma_wait3A_1037 = arith.constant 0 : i32
      %dma_wait3A_1038 = tpu.memref_slice %arg9[%dma_wait3A_1030, %dma_wait3A_1031, %dma_wait3A_1037] : memref<2x8x128xi32, #tpu.memory_space<vmem>> -> memref<1x1x128xi32, #tpu.memory_space<vmem>>
      %dma_wait3A_1039 = tpu.memref_squeeze %dma_wait3A_1038 : memref<1x1x128xi32, #tpu.memory_space<vmem>> -> memref<128xi32, #tpu.memory_space<vmem>>
      %dma_wait3A_1040 = arith.constant 0 : i32
      %dma_wait3A_1041 = arith.constant 0 : i32
      %dma_wait3A_1042 = tpu.memref_slice %arg2[%dma_wait3A_1040, %dma_wait3A_1041] : memref<20000x128xf32, #tpu.memory_space<hbm>> -> memref<20000x128xf32, #tpu.memory_space<hbm>>
      tpu.wait_indirect_dma semaphore(%arg14 : memref<!tpu.dma_semaphore, #tpu.memory_space<semaphore_mem>>) src(%dma_wait3A_1042 : memref<20000x128xf32, #tpu.memory_space<hbm>>) dst(%dma_wait3A_1036 : memref<128x128xf32, #tpu.memory_space<vmem>>)
      %run_scoped3A_1043 = arith.constant 0 : i32
      %run_scoped3A_1044 = arith.constant 1 : i32
      %run_scoped3A_1045 = arith.constant 4 : i32
      "tpu.region"() ({
        %run_scoped3A_1271 = tpu.sem_alloc : memref<!tpu.dma_semaphore, #tpu.memory_space<semaphore_mem>>
        %dma_start3A_1272 = arith.constant 0 : i32
        %dma_start3A_1273 = arith.constant 0 : i32
        %dma_start3A_1274 = tpu.memref_slice %arg11[%run_scoped3A_1043, %dma_start3A_1272, %dma_start3A_1273] : memref<2x128x128xf32, #tpu.memory_space<vmem>> -> memref<1x128x128xf32, #tpu.memory_space<vmem>>
        %dma_start3A_1275 = tpu.memref_squeeze %dma_start3A_1274 : memref<1x128x128xf32, #tpu.memory_space<vmem>> -> memref<128x128xf32, #tpu.memory_space<vmem>>
        %dma_start3A_1276 = arith.constant 0 : i32
        %dma_start3A_1277 = tpu.memref_slice %arg10[%run_scoped3A_1044, %run_scoped3A_1045, %dma_start3A_1276] : memref<2x8x128xi32, #tpu.memory_space<vmem>> -> memref<1x1x128xi32, #tpu.memory_space<vmem>>
        %dma_start3A_1278 = tpu.memref_squeeze %dma_start3A_1277 : memref<1x1x128xi32, #tpu.memory_space<vmem>> -> memref<128xi32, #tpu.memory_space<vmem>>
        %dma_start3A_1279 = arith.constant 0 : i32
        %dma_start3A_1280 = arith.constant 0 : i32
        %dma_start3A_1281 = tpu.memref_slice %arg13[%dma_start3A_1279, %dma_start3A_1280] : memref<10008x128xf32, #tpu.memory_space<vmem_shared>> -> memref<10008x128xf32, #tpu.memory_space<vmem_shared>>
        tpu.enqueue_indirect_dma source(%dma_start3A_1275 : memref<128x128xf32, #tpu.memory_space<vmem>>) target(%dma_start3A_1281 : memref<10008x128xf32, #tpu.memory_space<vmem_shared>>) offsets(%dma_start3A_1278 : memref<128xi32, #tpu.memory_space<vmem>>) semaphore(%run_scoped3A_1271 : memref<!tpu.dma_semaphore, #tpu.memory_space<semaphore_mem>>) {add = true}
        %dma_wait3A_1282 = arith.constant 0 : i32
        %dma_wait3A_1283 = arith.constant 0 : i32
        %dma_wait3A_1284 = tpu.memref_slice %arg11[%run_scoped3A_1043, %dma_wait3A_1282, %dma_wait3A_1283] : memref<2x128x128xf32, #tpu.memory_space<vmem>> -> memref<1x128x128xf32, #tpu.memory_space<vmem>>
        %dma_wait3A_1285 = tpu.memref_squeeze %dma_wait3A_1284 : memref<1x128x128xf32, #tpu.memory_space<vmem>> -> memref<128x128xf32, #tpu.memory_space<vmem>>
        %dma_wait3A_1286 = arith.constant 0 : i32
        %dma_wait3A_1287 = tpu.memref_slice %arg10[%run_scoped3A_1044, %run_scoped3A_1045, %dma_wait3A_1286] : memref<2x8x128xi32, #tpu.memory_space<vmem>> -> memref<1x1x128xi32, #tpu.memory_space<vmem>>
        %dma_wait3A_1288 = tpu.memref_squeeze %dma_wait3A_1287 : memref<1x1x128xi32, #tpu.memory_space<vmem>> -> memref<128xi32, #tpu.memory_space<vmem>>
        %dma_wait3A_1289 = arith.constant 0 : i32
        %dma_wait3A_1290 = arith.constant 0 : i32
        %dma_wait3A_1291 = tpu.memref_slice %arg13[%dma_wait3A_1289, %dma_wait3A_1290] : memref<10008x128xf32, #tpu.memory_space<vmem_shared>> -> memref<10008x128xf32, #tpu.memory_space<vmem_shared>>
        tpu.wait_indirect_dma semaphore(%run_scoped3A_1271 : memref<!tpu.dma_semaphore, #tpu.memory_space<semaphore_mem>>) src(%dma_wait3A_1285 : memref<128x128xf32, #tpu.memory_space<vmem>>) dst(%dma_wait3A_1291 : memref<10008x128xf32, #tpu.memory_space<vmem_shared>>)
        tpu.yield
      }) : () -> ()
      %dma_start3A_1046 = arith.constant 1 : i32
      %dma_start3A_1047 = arith.constant 6 : i32
      %dma_start3A_1048 = arith.constant 0 : i32
      %dma_start3A_1049 = arith.constant 0 : i32
      %dma_start3A_1050 = arith.constant 0 : i32
      %dma_start3A_1051 = tpu.memref_slice %arg11[%dma_start3A_1048, %dma_start3A_1049, %dma_start3A_1050] : memref<2x128x128xf32, #tpu.memory_space<vmem>> -> memref<1x128x128xf32, #tpu.memory_space<vmem>>
      %dma_start3A_1052 = tpu.memref_squeeze %dma_start3A_1051 : memref<1x128x128xf32, #tpu.memory_space<vmem>> -> memref<128x128xf32, #tpu.memory_space<vmem>>
      %dma_start3A_1053 = arith.constant 0 : i32
      %dma_start3A_1054 = tpu.memref_slice %arg9[%dma_start3A_1046, %dma_start3A_1047, %dma_start3A_1053] : memref<2x8x128xi32, #tpu.memory_space<vmem>> -> memref<1x1x128xi32, #tpu.memory_space<vmem>>
      %dma_start3A_1055 = tpu.memref_squeeze %dma_start3A_1054 : memref<1x1x128xi32, #tpu.memory_space<vmem>> -> memref<128xi32, #tpu.memory_space<vmem>>
      %dma_start3A_1056 = arith.constant 0 : i32
      %dma_start3A_1057 = arith.constant 0 : i32
      %dma_start3A_1058 = tpu.memref_slice %arg2[%dma_start3A_1056, %dma_start3A_1057] : memref<20000x128xf32, #tpu.memory_space<hbm>> -> memref<20000x128xf32, #tpu.memory_space<hbm>>
      tpu.enqueue_indirect_dma source(%dma_start3A_1058 : memref<20000x128xf32, #tpu.memory_space<hbm>>) target(%dma_start3A_1052 : memref<128x128xf32, #tpu.memory_space<vmem>>) offsets(%dma_start3A_1055 : memref<128xi32, #tpu.memory_space<vmem>>) semaphore(%arg14 : memref<!tpu.dma_semaphore, #tpu.memory_space<semaphore_mem>>)
      %get3A_1059 = arith.constant 1 : i32
      %get3A_1060 = arith.constant 5 : i32
      %get3A_1061 = arith.index_cast %get3A_1059 : i32 to index
      %get3A_1062 = arith.index_cast %get3A_1060 : i32 to index
      %get3A_1063 = arith.constant 0 : index
      %get3A_1064 = tpu.vector_load %arg10[%get3A_1061, %get3A_1062, %get3A_1063] {strides = array<i32>} : memref<2x8x128xi32, #tpu.memory_space<vmem>>, vector<16xi32>,
      tpu.vector_store_idx %arg12[%get3A_1064], %broadcast_in_dim3A_1 {add = true} : memref<10016xf32, #tpu.memory_space<vmem>>[vector<16xi32>], vector<16xf32>,
      %get3A_1065 = arith.constant 1 : i32
      %get3A_1066 = arith.constant 5 : i32
      %get3A_1067 = arith.index_cast %get3A_1065 : i32 to index
      %get3A_1068 = arith.index_cast %get3A_1066 : i32 to index
      %get3A_1069 = arith.constant 16 : index
      %get3A_1070 = tpu.vector_load %arg10[%get3A_1067, %get3A_1068, %get3A_1069] {strides = array<i32>} : memref<2x8x128xi32, #tpu.memory_space<vmem>>, vector<16xi32>,
      tpu.vector_store_idx %arg12[%get3A_1070], %broadcast_in_dim3A_1 {add = true} : memref<10016xf32, #tpu.memory_space<vmem>>[vector<16xi32>], vector<16xf32>,
      %get3A_1071 = arith.constant 1 : i32
      %get3A_1072 = arith.constant 5 : i32
      %get3A_1073 = arith.index_cast %get3A_1071 : i32 to index
      %get3A_1074 = arith.index_cast %get3A_1072 : i32 to index
      %get3A_1075 = arith.constant 32 : index
      %get3A_1076 = tpu.vector_load %arg10[%get3A_1073, %get3A_1074, %get3A_1075] {strides = array<i32>} : memref<2x8x128xi32, #tpu.memory_space<vmem>>, vector<16xi32>,
      tpu.vector_store_idx %arg12[%get3A_1076], %broadcast_in_dim3A_1 {add = true} : memref<10016xf32, #tpu.memory_space<vmem>>[vector<16xi32>], vector<16xf32>,
      %get3A_1077 = arith.constant 1 : i32
      %get3A_1078 = arith.constant 5 : i32
      %get3A_1079 = arith.index_cast %get3A_1077 : i32 to index
      %get3A_1080 = arith.index_cast %get3A_1078 : i32 to index
      %get3A_1081 = arith.constant 48 : index
      %get3A_1082 = tpu.vector_load %arg10[%get3A_1079, %get3A_1080, %get3A_1081] {strides = array<i32>} : memref<2x8x128xi32, #tpu.memory_space<vmem>>, vector<16xi32>,
      tpu.vector_store_idx %arg12[%get3A_1082], %broadcast_in_dim3A_1 {add = true} : memref<10016xf32, #tpu.memory_space<vmem>>[vector<16xi32>], vector<16xf32>,
      %get3A_1083 = arith.constant 1 : i32
      %get3A_1084 = arith.constant 5 : i32
      %get3A_1085 = arith.index_cast %get3A_1083 : i32 to index
      %get3A_1086 = arith.index_cast %get3A_1084 : i32 to index
      %get3A_1087 = arith.constant 64 : index
      %get3A_1088 = tpu.vector_load %arg10[%get3A_1085, %get3A_1086, %get3A_1087] {strides = array<i32>} : memref<2x8x128xi32, #tpu.memory_space<vmem>>, vector<16xi32>,
      tpu.vector_store_idx %arg12[%get3A_1088], %broadcast_in_dim3A_1 {add = true} : memref<10016xf32, #tpu.memory_space<vmem>>[vector<16xi32>], vector<16xf32>,
      %get3A_1089 = arith.constant 1 : i32
      %get3A_1090 = arith.constant 5 : i32
      %get3A_1091 = arith.index_cast %get3A_1089 : i32 to index
      %get3A_1092 = arith.index_cast %get3A_1090 : i32 to index
      %get3A_1093 = arith.constant 80 : index
      %get3A_1094 = tpu.vector_load %arg10[%get3A_1091, %get3A_1092, %get3A_1093] {strides = array<i32>} : memref<2x8x128xi32, #tpu.memory_space<vmem>>, vector<16xi32>,
      tpu.vector_store_idx %arg12[%get3A_1094], %broadcast_in_dim3A_1 {add = true} : memref<10016xf32, #tpu.memory_space<vmem>>[vector<16xi32>], vector<16xf32>,
      %get3A_1095 = arith.constant 1 : i32
      %get3A_1096 = arith.constant 5 : i32
      %get3A_1097 = arith.index_cast %get3A_1095 : i32 to index
      %get3A_1098 = arith.index_cast %get3A_1096 : i32 to index
      %get3A_1099 = arith.constant 96 : index
      %get3A_1100 = tpu.vector_load %arg10[%get3A_1097, %get3A_1098, %get3A_1099] {strides = array<i32>} : memref<2x8x128xi32, #tpu.memory_space<vmem>>, vector<16xi32>,
      tpu.vector_store_idx %arg12[%get3A_1100], %broadcast_in_dim3A_1 {add = true} : memref<10016xf32, #tpu.memory_space<vmem>>[vector<16xi32>], vector<16xf32>,
      %get3A_1101 = arith.constant 1 : i32
      %get3A_1102 = arith.constant 5 : i32
      %get3A_1103 = arith.index_cast %get3A_1101 : i32 to index
      %get3A_1104 = arith.index_cast %get3A_1102 : i32 to index
      %get3A_1105 = arith.constant 112 : index
      %get3A_1106 = tpu.vector_load %arg10[%get3A_1103, %get3A_1104, %get3A_1105] {strides = array<i32>} : memref<2x8x128xi32, #tpu.memory_space<vmem>>, vector<16xi32>,
      tpu.vector_store_idx %arg12[%get3A_1106], %broadcast_in_dim3A_1 {add = true} : memref<10016xf32, #tpu.memory_space<vmem>>[vector<16xi32>], vector<16xf32>,
      %dma_wait3A_1107 = arith.constant 1 : i32
      %dma_wait3A_1108 = arith.constant 5 : i32
      %dma_wait3A_1109 = arith.constant 1 : i32
      %dma_wait3A_1110 = arith.constant 0 : i32
      %dma_wait3A_1111 = arith.constant 0 : i32
      %dma_wait3A_1112 = tpu.memref_slice %arg11[%dma_wait3A_1109, %dma_wait3A_1110, %dma_wait3A_1111] : memref<2x128x128xf32, #tpu.memory_space<vmem>> -> memref<1x128x128xf32, #tpu.memory_space<vmem>>
      %dma_wait3A_1113 = tpu.memref_squeeze %dma_wait3A_1112 : memref<1x128x128xf32, #tpu.memory_space<vmem>> -> memref<128x128xf32, #tpu.memory_space<vmem>>
      %dma_wait3A_1114 = arith.constant 0 : i32
      %dma_wait3A_1115 = tpu.memref_slice %arg9[%dma_wait3A_1107, %dma_wait3A_1108, %dma_wait3A_1114] : memref<2x8x128xi32, #tpu.memory_space<vmem>> -> memref<1x1x128xi32, #tpu.memory_space<vmem>>
      %dma_wait3A_1116 = tpu.memref_squeeze %dma_wait3A_1115 : memref<1x1x128xi32, #tpu.memory_space<vmem>> -> memref<128xi32, #tpu.memory_space<vmem>>
      %dma_wait3A_1117 = arith.constant 0 : i32
      %dma_wait3A_1118 = arith.constant 0 : i32
      %dma_wait3A_1119 = tpu.memref_slice %arg2[%dma_wait3A_1117, %dma_wait3A_1118] : memref<20000x128xf32, #tpu.memory_space<hbm>> -> memref<20000x128xf32, #tpu.memory_space<hbm>>
      tpu.wait_indirect_dma semaphore(%arg15 : memref<!tpu.dma_semaphore, #tpu.memory_space<semaphore_mem>>) src(%dma_wait3A_1119 : memref<20000x128xf32, #tpu.memory_space<hbm>>) dst(%dma_wait3A_1113 : memref<128x128xf32, #tpu.memory_space<vmem>>)
      %run_scoped3A_1120 = arith.constant 1 : i32
      %run_scoped3A_1121 = arith.constant 1 : i32
      %run_scoped3A_1122 = arith.constant 5 : i32
      "tpu.region"() ({
        %run_scoped3A_1271 = tpu.sem_alloc : memref<!tpu.dma_semaphore, #tpu.memory_space<semaphore_mem>>
        %dma_start3A_1272 = arith.constant 0 : i32
        %dma_start3A_1273 = arith.constant 0 : i32
        %dma_start3A_1274 = tpu.memref_slice %arg11[%run_scoped3A_1120, %dma_start3A_1272, %dma_start3A_1273] : memref<2x128x128xf32, #tpu.memory_space<vmem>> -> memref<1x128x128xf32, #tpu.memory_space<vmem>>
        %dma_start3A_1275 = tpu.memref_squeeze %dma_start3A_1274 : memref<1x128x128xf32, #tpu.memory_space<vmem>> -> memref<128x128xf32, #tpu.memory_space<vmem>>
        %dma_start3A_1276 = arith.constant 0 : i32
        %dma_start3A_1277 = tpu.memref_slice %arg10[%run_scoped3A_1121, %run_scoped3A_1122, %dma_start3A_1276] : memref<2x8x128xi32, #tpu.memory_space<vmem>> -> memref<1x1x128xi32, #tpu.memory_space<vmem>>
        %dma_start3A_1278 = tpu.memref_squeeze %dma_start3A_1277 : memref<1x1x128xi32, #tpu.memory_space<vmem>> -> memref<128xi32, #tpu.memory_space<vmem>>
        %dma_start3A_1279 = arith.constant 0 : i32
        %dma_start3A_1280 = arith.constant 0 : i32
        %dma_start3A_1281 = tpu.memref_slice %arg13[%dma_start3A_1279, %dma_start3A_1280] : memref<10008x128xf32, #tpu.memory_space<vmem_shared>> -> memref<10008x128xf32, #tpu.memory_space<vmem_shared>>
        tpu.enqueue_indirect_dma source(%dma_start3A_1275 : memref<128x128xf32, #tpu.memory_space<vmem>>) target(%dma_start3A_1281 : memref<10008x128xf32, #tpu.memory_space<vmem_shared>>) offsets(%dma_start3A_1278 : memref<128xi32, #tpu.memory_space<vmem>>) semaphore(%run_scoped3A_1271 : memref<!tpu.dma_semaphore, #tpu.memory_space<semaphore_mem>>) {add = true}
        %dma_wait3A_1282 = arith.constant 0 : i32
        %dma_wait3A_1283 = arith.constant 0 : i32
        %dma_wait3A_1284 = tpu.memref_slice %arg11[%run_scoped3A_1120, %dma_wait3A_1282, %dma_wait3A_1283] : memref<2x128x128xf32, #tpu.memory_space<vmem>> -> memref<1x128x128xf32, #tpu.memory_space<vmem>>
        %dma_wait3A_1285 = tpu.memref_squeeze %dma_wait3A_1284 : memref<1x128x128xf32, #tpu.memory_space<vmem>> -> memref<128x128xf32, #tpu.memory_space<vmem>>
        %dma_wait3A_1286 = arith.constant 0 : i32
        %dma_wait3A_1287 = tpu.memref_slice %arg10[%run_scoped3A_1121, %run_scoped3A_1122, %dma_wait3A_1286] : memref<2x8x128xi32, #tpu.memory_space<vmem>> -> memref<1x1x128xi32, #tpu.memory_space<vmem>>
        %dma_wait3A_1288 = tpu.memref_squeeze %dma_wait3A_1287 : memref<1x1x128xi32, #tpu.memory_space<vmem>> -> memref<128xi32, #tpu.memory_space<vmem>>
        %dma_wait3A_1289 = arith.constant 0 : i32
        %dma_wait3A_1290 = arith.constant 0 : i32
        %dma_wait3A_1291 = tpu.memref_slice %arg13[%dma_wait3A_1289, %dma_wait3A_1290] : memref<10008x128xf32, #tpu.memory_space<vmem_shared>> -> memref<10008x128xf32, #tpu.memory_space<vmem_shared>>
        tpu.wait_indirect_dma semaphore(%run_scoped3A_1271 : memref<!tpu.dma_semaphore, #tpu.memory_space<semaphore_mem>>) src(%dma_wait3A_1285 : memref<128x128xf32, #tpu.memory_space<vmem>>) dst(%dma_wait3A_1291 : memref<10008x128xf32, #tpu.memory_space<vmem_shared>>)
        tpu.yield
      }) : () -> ()
      %dma_start3A_1123 = arith.constant 1 : i32
      %dma_start3A_1124 = arith.constant 7 : i32
      %dma_start3A_1125 = arith.constant 1 : i32
      %dma_start3A_1126 = arith.constant 0 : i32
      %dma_start3A_1127 = arith.constant 0 : i32
      %dma_start3A_1128 = tpu.memref_slice %arg11[%dma_start3A_1125, %dma_start3A_1126, %dma_start3A_1127] : memref<2x128x128xf32, #tpu.memory_space<vmem>> -> memref<1x128x128xf32, #tpu.memory_space<vmem>>
      %dma_start3A_1129 = tpu.memref_squeeze %dma_start3A_1128 : memref<1x128x128xf32, #tpu.memory_space<vmem>> -> memref<128x128xf32, #tpu.memory_space<vmem>>
      %dma_start3A_1130 = arith.constant 0 : i32
      %dma_start3A_1131 = tpu.memref_slice %arg9[%dma_start3A_1123, %dma_start3A_1124, %dma_start3A_1130] : memref<2x8x128xi32, #tpu.memory_space<vmem>> -> memref<1x1x128xi32, #tpu.memory_space<vmem>>
      %dma_start3A_1132 = tpu.memref_squeeze %dma_start3A_1131 : memref<1x1x128xi32, #tpu.memory_space<vmem>> -> memref<128xi32, #tpu.memory_space<vmem>>
      %dma_start3A_1133 = arith.constant 0 : i32
      %dma_start3A_1134 = arith.constant 0 : i32
      %dma_start3A_1135 = tpu.memref_slice %arg2[%dma_start3A_1133, %dma_start3A_1134] : memref<20000x128xf32, #tpu.memory_space<hbm>> -> memref<20000x128xf32, #tpu.memory_space<hbm>>
      tpu.enqueue_indirect_dma source(%dma_start3A_1135 : memref<20000x128xf32, #tpu.memory_space<hbm>>) target(%dma_start3A_1129 : memref<128x128xf32, #tpu.memory_space<vmem>>) offsets(%dma_start3A_1132 : memref<128xi32, #tpu.memory_space<vmem>>) semaphore(%arg15 : memref<!tpu.dma_semaphore, #tpu.memory_space<semaphore_mem>>)
      %get3A_1136 = arith.constant 1 : i32
      %get3A_1137 = arith.constant 6 : i32
      %get3A_1138 = arith.index_cast %get3A_1136 : i32 to index
      %get3A_1139 = arith.index_cast %get3A_1137 : i32 to index
      %get3A_1140 = arith.constant 0 : index
      %get3A_1141 = tpu.vector_load %arg10[%get3A_1138, %get3A_1139, %get3A_1140] {strides = array<i32>} : memref<2x8x128xi32, #tpu.memory_space<vmem>>, vector<16xi32>,
      tpu.vector_store_idx %arg12[%get3A_1141], %broadcast_in_dim3A_1 {add = true} : memref<10016xf32, #tpu.memory_space<vmem>>[vector<16xi32>], vector<16xf32>,
      %get3A_1142 = arith.constant 1 : i32
      %get3A_1143 = arith.constant 6 : i32
      %get3A_1144 = arith.index_cast %get3A_1142 : i32 to index
      %get3A_1145 = arith.index_cast %get3A_1143 : i32 to index
      %get3A_1146 = arith.constant 16 : index
      %get3A_1147 = tpu.vector_load %arg10[%get3A_1144, %get3A_1145, %get3A_1146] {strides = array<i32>} : memref<2x8x128xi32, #tpu.memory_space<vmem>>, vector<16xi32>,
      tpu.vector_store_idx %arg12[%get3A_1147], %broadcast_in_dim3A_1 {add = true} : memref<10016xf32, #tpu.memory_space<vmem>>[vector<16xi32>], vector<16xf32>,
      %get3A_1148 = arith.constant 1 : i32
      %get3A_1149 = arith.constant 6 : i32
      %get3A_1150 = arith.index_cast %get3A_1148 : i32 to index
      %get3A_1151 = arith.index_cast %get3A_1149 : i32 to index
      %get3A_1152 = arith.constant 32 : index
      %get3A_1153 = tpu.vector_load %arg10[%get3A_1150, %get3A_1151, %get3A_1152] {strides = array<i32>} : memref<2x8x128xi32, #tpu.memory_space<vmem>>, vector<16xi32>,
      tpu.vector_store_idx %arg12[%get3A_1153], %broadcast_in_dim3A_1 {add = true} : memref<10016xf32, #tpu.memory_space<vmem>>[vector<16xi32>], vector<16xf32>,
      %get3A_1154 = arith.constant 1 : i32
      %get3A_1155 = arith.constant 6 : i32
      %get3A_1156 = arith.index_cast %get3A_1154 : i32 to index
      %get3A_1157 = arith.index_cast %get3A_1155 : i32 to index
      %get3A_1158 = arith.constant 48 : index
      %get3A_1159 = tpu.vector_load %arg10[%get3A_1156, %get3A_1157, %get3A_1158] {strides = array<i32>} : memref<2x8x128xi32, #tpu.memory_space<vmem>>, vector<16xi32>,
      tpu.vector_store_idx %arg12[%get3A_1159], %broadcast_in_dim3A_1 {add = true} : memref<10016xf32, #tpu.memory_space<vmem>>[vector<16xi32>], vector<16xf32>,
      %get3A_1160 = arith.constant 1 : i32
      %get3A_1161 = arith.constant 6 : i32
      %get3A_1162 = arith.index_cast %get3A_1160 : i32 to index
      %get3A_1163 = arith.index_cast %get3A_1161 : i32 to index
      %get3A_1164 = arith.constant 64 : index
      %get3A_1165 = tpu.vector_load %arg10[%get3A_1162, %get3A_1163, %get3A_1164] {strides = array<i32>} : memref<2x8x128xi32, #tpu.memory_space<vmem>>, vector<16xi32>,
      tpu.vector_store_idx %arg12[%get3A_1165], %broadcast_in_dim3A_1 {add = true} : memref<10016xf32, #tpu.memory_space<vmem>>[vector<16xi32>], vector<16xf32>,
      %get3A_1166 = arith.constant 1 : i32
      %get3A_1167 = arith.constant 6 : i32
      %get3A_1168 = arith.index_cast %get3A_1166 : i32 to index
      %get3A_1169 = arith.index_cast %get3A_1167 : i32 to index
      %get3A_1170 = arith.constant 80 : index
      %get3A_1171 = tpu.vector_load %arg10[%get3A_1168, %get3A_1169, %get3A_1170] {strides = array<i32>} : memref<2x8x128xi32, #tpu.memory_space<vmem>>, vector<16xi32>,
      tpu.vector_store_idx %arg12[%get3A_1171], %broadcast_in_dim3A_1 {add = true} : memref<10016xf32, #tpu.memory_space<vmem>>[vector<16xi32>], vector<16xf32>,
      %get3A_1172 = arith.constant 1 : i32
      %get3A_1173 = arith.constant 6 : i32
      %get3A_1174 = arith.index_cast %get3A_1172 : i32 to index
      %get3A_1175 = arith.index_cast %get3A_1173 : i32 to index
      %get3A_1176 = arith.constant 96 : index
      %get3A_1177 = tpu.vector_load %arg10[%get3A_1174, %get3A_1175, %get3A_1176] {strides = array<i32>} : memref<2x8x128xi32, #tpu.memory_space<vmem>>, vector<16xi32>,
      tpu.vector_store_idx %arg12[%get3A_1177], %broadcast_in_dim3A_1 {add = true} : memref<10016xf32, #tpu.memory_space<vmem>>[vector<16xi32>], vector<16xf32>,
      %get3A_1178 = arith.constant 1 : i32
      %get3A_1179 = arith.constant 6 : i32
      %get3A_1180 = arith.index_cast %get3A_1178 : i32 to index
      %get3A_1181 = arith.index_cast %get3A_1179 : i32 to index
      %get3A_1182 = arith.constant 112 : index
      %get3A_1183 = tpu.vector_load %arg10[%get3A_1180, %get3A_1181, %get3A_1182] {strides = array<i32>} : memref<2x8x128xi32, #tpu.memory_space<vmem>>, vector<16xi32>,
      tpu.vector_store_idx %arg12[%get3A_1183], %broadcast_in_dim3A_1 {add = true} : memref<10016xf32, #tpu.memory_space<vmem>>[vector<16xi32>], vector<16xf32>,
      %dma_wait3A_1184 = arith.constant 1 : i32
      %dma_wait3A_1185 = arith.constant 6 : i32
      %dma_wait3A_1186 = arith.constant 0 : i32
      %dma_wait3A_1187 = arith.constant 0 : i32
      %dma_wait3A_1188 = arith.constant 0 : i32
      %dma_wait3A_1189 = tpu.memref_slice %arg11[%dma_wait3A_1186, %dma_wait3A_1187, %dma_wait3A_1188] : memref<2x128x128xf32, #tpu.memory_space<vmem>> -> memref<1x128x128xf32, #tpu.memory_space<vmem>>
      %dma_wait3A_1190 = tpu.memref_squeeze %dma_wait3A_1189 : memref<1x128x128xf32, #tpu.memory_space<vmem>> -> memref<128x128xf32, #tpu.memory_space<vmem>>
      %dma_wait3A_1191 = arith.constant 0 : i32
      %dma_wait3A_1192 = tpu.memref_slice %arg9[%dma_wait3A_1184, %dma_wait3A_1185, %dma_wait3A_1191] : memref<2x8x128xi32, #tpu.memory_space<vmem>> -> memref<1x1x128xi32, #tpu.memory_space<vmem>>
      %dma_wait3A_1193 = tpu.memref_squeeze %dma_wait3A_1192 : memref<1x1x128xi32, #tpu.memory_space<vmem>> -> memref<128xi32, #tpu.memory_space<vmem>>
      %dma_wait3A_1194 = arith.constant 0 : i32
      %dma_wait3A_1195 = arith.constant 0 : i32
      %dma_wait3A_1196 = tpu.memref_slice %arg2[%dma_wait3A_1194, %dma_wait3A_1195] : memref<20000x128xf32, #tpu.memory_space<hbm>> -> memref<20000x128xf32, #tpu.memory_space<hbm>>
      tpu.wait_indirect_dma semaphore(%arg14 : memref<!tpu.dma_semaphore, #tpu.memory_space<semaphore_mem>>) src(%dma_wait3A_1196 : memref<20000x128xf32, #tpu.memory_space<hbm>>) dst(%dma_wait3A_1190 : memref<128x128xf32, #tpu.memory_space<vmem>>)
      %run_scoped3A_1197 = arith.constant 0 : i32
      %run_scoped3A_1198 = arith.constant 1 : i32
      %run_scoped3A_1199 = arith.constant 6 : i32
      "tpu.region"() ({
        %run_scoped3A_1271 = tpu.sem_alloc : memref<!tpu.dma_semaphore, #tpu.memory_space<semaphore_mem>>
        %dma_start3A_1272 = arith.constant 0 : i32
        %dma_start3A_1273 = arith.constant 0 : i32
        %dma_start3A_1274 = tpu.memref_slice %arg11[%run_scoped3A_1197, %dma_start3A_1272, %dma_start3A_1273] : memref<2x128x128xf32, #tpu.memory_space<vmem>> -> memref<1x128x128xf32, #tpu.memory_space<vmem>>
        %dma_start3A_1275 = tpu.memref_squeeze %dma_start3A_1274 : memref<1x128x128xf32, #tpu.memory_space<vmem>> -> memref<128x128xf32, #tpu.memory_space<vmem>>
        %dma_start3A_1276 = arith.constant 0 : i32
        %dma_start3A_1277 = tpu.memref_slice %arg10[%run_scoped3A_1198, %run_scoped3A_1199, %dma_start3A_1276] : memref<2x8x128xi32, #tpu.memory_space<vmem>> -> memref<1x1x128xi32, #tpu.memory_space<vmem>>
        %dma_start3A_1278 = tpu.memref_squeeze %dma_start3A_1277 : memref<1x1x128xi32, #tpu.memory_space<vmem>> -> memref<128xi32, #tpu.memory_space<vmem>>
        %dma_start3A_1279 = arith.constant 0 : i32
        %dma_start3A_1280 = arith.constant 0 : i32
        %dma_start3A_1281 = tpu.memref_slice %arg13[%dma_start3A_1279, %dma_start3A_1280] : memref<10008x128xf32, #tpu.memory_space<vmem_shared>> -> memref<10008x128xf32, #tpu.memory_space<vmem_shared>>
        tpu.enqueue_indirect_dma source(%dma_start3A_1275 : memref<128x128xf32, #tpu.memory_space<vmem>>) target(%dma_start3A_1281 : memref<10008x128xf32, #tpu.memory_space<vmem_shared>>) offsets(%dma_start3A_1278 : memref<128xi32, #tpu.memory_space<vmem>>) semaphore(%run_scoped3A_1271 : memref<!tpu.dma_semaphore, #tpu.memory_space<semaphore_mem>>) {add = true}
        %dma_wait3A_1282 = arith.constant 0 : i32
        %dma_wait3A_1283 = arith.constant 0 : i32
        %dma_wait3A_1284 = tpu.memref_slice %arg11[%run_scoped3A_1197, %dma_wait3A_1282, %dma_wait3A_1283] : memref<2x128x128xf32, #tpu.memory_space<vmem>> -> memref<1x128x128xf32, #tpu.memory_space<vmem>>
        %dma_wait3A_1285 = tpu.memref_squeeze %dma_wait3A_1284 : memref<1x128x128xf32, #tpu.memory_space<vmem>> -> memref<128x128xf32, #tpu.memory_space<vmem>>
        %dma_wait3A_1286 = arith.constant 0 : i32
        %dma_wait3A_1287 = tpu.memref_slice %arg10[%run_scoped3A_1198, %run_scoped3A_1199, %dma_wait3A_1286] : memref<2x8x128xi32, #tpu.memory_space<vmem>> -> memref<1x1x128xi32, #tpu.memory_space<vmem>>
        %dma_wait3A_1288 = tpu.memref_squeeze %dma_wait3A_1287 : memref<1x1x128xi32, #tpu.memory_space<vmem>> -> memref<128xi32, #tpu.memory_space<vmem>>
        %dma_wait3A_1289 = arith.constant 0 : i32
        %dma_wait3A_1290 = arith.constant 0 : i32
        %dma_wait3A_1291 = tpu.memref_slice %arg13[%dma_wait3A_1289, %dma_wait3A_1290] : memref<10008x128xf32, #tpu.memory_space<vmem_shared>> -> memref<10008x128xf32, #tpu.memory_space<vmem_shared>>
        tpu.wait_indirect_dma semaphore(%run_scoped3A_1271 : memref<!tpu.dma_semaphore, #tpu.memory_space<semaphore_mem>>) src(%dma_wait3A_1285 : memref<128x128xf32, #tpu.memory_space<vmem>>) dst(%dma_wait3A_1291 : memref<10008x128xf32, #tpu.memory_space<vmem_shared>>)
        tpu.yield
      }) : () -> ()
      %add3A_1200 = arith.constant 1 : i32
      %add3A_1201 = arith.addi %add3A_653, %add3A_1200 : i32
      %lt3A_1202 = arith.constant 20 : i32
      %lt3A_1203 = arith.cmpi slt, %add3A_1201, %lt3A_1202 : i32
      %convert_element_type3A_1204 = arith.extui %lt3A_1203 : i1 to i32
      %cond3A_1205 = arith.constant 0 : i32
      %cond3A_1206 = arith.cmpi ne, %convert_element_type3A_1204, %cond3A_1205 : i32
      scf.if %cond3A_1206 {
        %add3A_1271 = arith.constant 1 : i32
        %add3A_1272 = arith.addi %add3A_653, %add3A_1271 : i32
        %mul3A_1273 = arith.constant 8 : i32
        %mul3A_1274 = arith.muli %add3A_1272, %mul3A_1273 : i32
        %dma_wait3A_1275 = arith.constant 0 : i32
        %dma_wait3A_1276 = arith.constant 0 : i32
        %dma_wait3A_1277 = arith.constant 0 : i32
        %dma_wait3A_1278 = tpu.memref_slice %arg9[%dma_wait3A_1275, %dma_wait3A_1276, %dma_wait3A_1277] : memref<2x8x128xi32, #tpu.memory_space<vmem>> -> memref<1x8x128xi32, #tpu.memory_space<vmem>>
        %dma_wait3A_1279 = tpu.memref_squeeze %dma_wait3A_1278 : memref<1x8x128xi32, #tpu.memory_space<vmem>> -> memref<8x128xi32, #tpu.memory_space<vmem>>
        %dma_wait3A_1280 = arith.constant 0 : i32
        %dma_wait3A_1281 = tpu.memref_slice %arg3[%add3A, %mul3A_1274, %dma_wait3A_1280] : memref<32x160x128xi32, #tpu.memory_space<hbm>> -> memref<1x8x128xi32, #tpu.memory_space<hbm>>
        %dma_wait3A_1282 = tpu.memref_squeeze %dma_wait3A_1281 : memref<1x8x128xi32, #tpu.memory_space<hbm>> -> memref<8x128xi32, #tpu.memory_space<hbm>>
        %dma_wait3A_1283 = arith.constant 0 : i32
        %dma_wait3A_1284 = arith.constant 0 : i32
        %dma_wait3A_1285 = tpu.memref_slice %arg9[%dma_wait3A_1275, %dma_wait3A_1283, %dma_wait3A_1284] : memref<2x8x128xi32, #tpu.memory_space<vmem>> -> memref<1x8x128xi32, #tpu.memory_space<vmem>>
        %dma_wait3A_1286 = tpu.memref_squeeze %dma_wait3A_1285 : memref<1x8x128xi32, #tpu.memory_space<vmem>> -> memref<8x128xi32, #tpu.memory_space<vmem>>
        %dma_wait3A_1287 = arith.constant 0 : i32
        %dma_wait3A_1288 = tpu.memref_slice %arg3[%add3A, %mul3A_1274, %dma_wait3A_1287] : memref<32x160x128xi32, #tpu.memory_space<hbm>> -> memref<1x8x128xi32, #tpu.memory_space<hbm>>
        %dma_wait3A_1289 = tpu.memref_squeeze %dma_wait3A_1288 : memref<1x8x128xi32, #tpu.memory_space<hbm>> -> memref<8x128xi32, #tpu.memory_space<hbm>>
        tpu.wait_dma2 semaphore(%arg16 : memref<!tpu.dma_semaphore, #tpu.memory_space<semaphore_mem>>) src(%dma_wait3A_1289 : memref<8x128xi32, #tpu.memory_space<hbm>>) dst(%dma_wait3A_1286 : memref<8x128xi32, #tpu.memory_space<vmem>>)
        %add3A_1290 = arith.constant 1 : i32
        %add3A_1291 = arith.addi %add3A_653, %add3A_1290 : i32
        %mul3A_1292 = arith.constant 8 : i32
        %mul3A_1293 = arith.muli %add3A_1291, %mul3A_1292 : i32
        %dma_wait3A_1294 = arith.constant 0 : i32
        %dma_wait3A_1295 = arith.constant 0 : i32
        %dma_wait3A_1296 = arith.constant 0 : i32
        %dma_wait3A_1297 = tpu.memref_slice %arg10[%dma_wait3A_1294, %dma_wait3A_1295, %dma_wait3A_1296] : memref<2x8x128xi32, #tpu.memory_space<vmem>> -> memref<1x8x128xi32, #tpu.memory_space<vmem>>
        %dma_wait3A_1298 = tpu.memref_squeeze %dma_wait3A_1297 : memref<1x8x128xi32, #tpu.memory_space<vmem>> -> memref<8x128xi32, #tpu.memory_space<vmem>>
        %dma_wait3A_1299 = arith.constant 0 : i32
        %dma_wait3A_1300 = tpu.memref_slice %arg4[%add3A, %mul3A_1293, %dma_wait3A_1299] : memref<32x160x128xi32, #tpu.memory_space<hbm>> -> memref<1x8x128xi32, #tpu.memory_space<hbm>>
        %dma_wait3A_1301 = tpu.memref_squeeze %dma_wait3A_1300 : memref<1x8x128xi32, #tpu.memory_space<hbm>> -> memref<8x128xi32, #tpu.memory_space<hbm>>
        %dma_wait3A_1302 = arith.constant 0 : i32
        %dma_wait3A_1303 = arith.constant 0 : i32
        %dma_wait3A_1304 = tpu.memref_slice %arg10[%dma_wait3A_1294, %dma_wait3A_1302, %dma_wait3A_1303] : memref<2x8x128xi32, #tpu.memory_space<vmem>> -> memref<1x8x128xi32, #tpu.memory_space<vmem>>
        %dma_wait3A_1305 = tpu.memref_squeeze %dma_wait3A_1304 : memref<1x8x128xi32, #tpu.memory_space<vmem>> -> memref<8x128xi32, #tpu.memory_space<vmem>>
        %dma_wait3A_1306 = arith.constant 0 : i32
        %dma_wait3A_1307 = tpu.memref_slice %arg4[%add3A, %mul3A_1293, %dma_wait3A_1306] : memref<32x160x128xi32, #tpu.memory_space<hbm>> -> memref<1x8x128xi32, #tpu.memory_space<hbm>>
        %dma_wait3A_1308 = tpu.memref_squeeze %dma_wait3A_1307 : memref<1x8x128xi32, #tpu.memory_space<hbm>> -> memref<8x128xi32, #tpu.memory_space<hbm>>
        tpu.wait_dma2 semaphore(%arg16 : memref<!tpu.dma_semaphore, #tpu.memory_space<semaphore_mem>>) src(%dma_wait3A_1308 : memref<8x128xi32, #tpu.memory_space<hbm>>) dst(%dma_wait3A_1305 : memref<8x128xi32, #tpu.memory_space<vmem>>)
        %dma_start3A_1309 = arith.constant 0 : i32
        %dma_start3A_1310 = arith.constant 0 : i32
        %dma_start3A_1311 = arith.constant 0 : i32
        %dma_start3A_1312 = arith.constant 0 : i32
        %dma_start3A_1313 = arith.constant 0 : i32
        %dma_start3A_1314 = tpu.memref_slice %arg11[%dma_start3A_1311, %dma_start3A_1312, %dma_start3A_1313] : memref<2x128x128xf32, #tpu.memory_space<vmem>> -> memref<1x128x128xf32, #tpu.memory_space<vmem>>
        %dma_start3A_1315 = tpu.memref_squeeze %dma_start3A_1314 : memref<1x128x128xf32, #tpu.memory_space<vmem>> -> memref<128x128xf32, #tpu.memory_space<vmem>>
        %dma_start3A_1316 = arith.constant 0 : i32
        %dma_start3A_1317 = tpu.memref_slice %arg9[%dma_start3A_1309, %dma_start3A_1310, %dma_start3A_1316] : memref<2x8x128xi32, #tpu.memory_space<vmem>> -> memref<1x1x128xi32, #tpu.memory_space<vmem>>
        %dma_start3A_1318 = tpu.memref_squeeze %dma_start3A_1317 : memref<1x1x128xi32, #tpu.memory_space<vmem>> -> memref<128xi32, #tpu.memory_space<vmem>>
        %dma_start3A_1319 = arith.constant 0 : i32
        %dma_start3A_1320 = arith.constant 0 : i32
        %dma_start3A_1321 = tpu.memref_slice %arg2[%dma_start3A_1319, %dma_start3A_1320] : memref<20000x128xf32, #tpu.memory_space<hbm>> -> memref<20000x128xf32, #tpu.memory_space<hbm>>
        tpu.enqueue_indirect_dma source(%dma_start3A_1321 : memref<20000x128xf32, #tpu.memory_space<hbm>>) target(%dma_start3A_1315 : memref<128x128xf32, #tpu.memory_space<vmem>>) offsets(%dma_start3A_1318 : memref<128xi32, #tpu.memory_space<vmem>>) semaphore(%arg14 : memref<!tpu.dma_semaphore, #tpu.memory_space<semaphore_mem>>)
      } else {
      }
      %get3A_1207 = arith.constant 1 : i32
      %get3A_1208 = arith.constant 7 : i32
      %get3A_1209 = arith.index_cast %get3A_1207 : i32 to index
      %get3A_1210 = arith.index_cast %get3A_1208 : i32 to index
      %get3A_1211 = arith.constant 0 : index
      %get3A_1212 = tpu.vector_load %arg10[%get3A_1209, %get3A_1210, %get3A_1211] {strides = array<i32>} : memref<2x8x128xi32, #tpu.memory_space<vmem>>, vector<16xi32>,
      tpu.vector_store_idx %arg12[%get3A_1212], %broadcast_in_dim3A_1 {add = true} : memref<10016xf32, #tpu.memory_space<vmem>>[vector<16xi32>], vector<16xf32>,
      %get3A_1213 = arith.constant 1 : i32
      %get3A_1214 = arith.constant 7 : i32
      %get3A_1215 = arith.index_cast %get3A_1213 : i32 to index
      %get3A_1216 = arith.index_cast %get3A_1214 : i32 to index
      %get3A_1217 = arith.constant 16 : index
      %get3A_1218 = tpu.vector_load %arg10[%get3A_1215, %get3A_1216, %get3A_1217] {strides = array<i32>} : memref<2x8x128xi32, #tpu.memory_space<vmem>>, vector<16xi32>,
      tpu.vector_store_idx %arg12[%get3A_1218], %broadcast_in_dim3A_1 {add = true} : memref<10016xf32, #tpu.memory_space<vmem>>[vector<16xi32>], vector<16xf32>,
      %get3A_1219 = arith.constant 1 : i32
      %get3A_1220 = arith.constant 7 : i32
      %get3A_1221 = arith.index_cast %get3A_1219 : i32 to index
      %get3A_1222 = arith.index_cast %get3A_1220 : i32 to index
      %get3A_1223 = arith.constant 32 : index
      %get3A_1224 = tpu.vector_load %arg10[%get3A_1221, %get3A_1222, %get3A_1223] {strides = array<i32>} : memref<2x8x128xi32, #tpu.memory_space<vmem>>, vector<16xi32>,
      tpu.vector_store_idx %arg12[%get3A_1224], %broadcast_in_dim3A_1 {add = true} : memref<10016xf32, #tpu.memory_space<vmem>>[vector<16xi32>], vector<16xf32>,
      %get3A_1225 = arith.constant 1 : i32
      %get3A_1226 = arith.constant 7 : i32
      %get3A_1227 = arith.index_cast %get3A_1225 : i32 to index
      %get3A_1228 = arith.index_cast %get3A_1226 : i32 to index
      %get3A_1229 = arith.constant 48 : index
      %get3A_1230 = tpu.vector_load %arg10[%get3A_1227, %get3A_1228, %get3A_1229] {strides = array<i32>} : memref<2x8x128xi32, #tpu.memory_space<vmem>>, vector<16xi32>,
      tpu.vector_store_idx %arg12[%get3A_1230], %broadcast_in_dim3A_1 {add = true} : memref<10016xf32, #tpu.memory_space<vmem>>[vector<16xi32>], vector<16xf32>,
      %get3A_1231 = arith.constant 1 : i32
      %get3A_1232 = arith.constant 7 : i32
      %get3A_1233 = arith.index_cast %get3A_1231 : i32 to index
      %get3A_1234 = arith.index_cast %get3A_1232 : i32 to index
      %get3A_1235 = arith.constant 64 : index
      %get3A_1236 = tpu.vector_load %arg10[%get3A_1233, %get3A_1234, %get3A_1235] {strides = array<i32>} : memref<2x8x128xi32, #tpu.memory_space<vmem>>, vector<16xi32>,
      tpu.vector_store_idx %arg12[%get3A_1236], %broadcast_in_dim3A_1 {add = true} : memref<10016xf32, #tpu.memory_space<vmem>>[vector<16xi32>], vector<16xf32>,
      %get3A_1237 = arith.constant 1 : i32
      %get3A_1238 = arith.constant 7 : i32
      %get3A_1239 = arith.index_cast %get3A_1237 : i32 to index
      %get3A_1240 = arith.index_cast %get3A_1238 : i32 to index
      %get3A_1241 = arith.constant 80 : index
      %get3A_1242 = tpu.vector_load %arg10[%get3A_1239, %get3A_1240, %get3A_1241] {strides = array<i32>} : memref<2x8x128xi32, #tpu.memory_space<vmem>>, vector<16xi32>,
      tpu.vector_store_idx %arg12[%get3A_1242], %broadcast_in_dim3A_1 {add = true} : memref<10016xf32, #tpu.memory_space<vmem>>[vector<16xi32>], vector<16xf32>,
      %get3A_1243 = arith.constant 1 : i32
      %get3A_1244 = arith.constant 7 : i32
      %get3A_1245 = arith.index_cast %get3A_1243 : i32 to index
      %get3A_1246 = arith.index_cast %get3A_1244 : i32 to index
      %get3A_1247 = arith.constant 96 : index
      %get3A_1248 = tpu.vector_load %arg10[%get3A_1245, %get3A_1246, %get3A_1247] {strides = array<i32>} : memref<2x8x128xi32, #tpu.memory_space<vmem>>, vector<16xi32>,
      tpu.vector_store_idx %arg12[%get3A_1248], %broadcast_in_dim3A_1 {add = true} : memref<10016xf32, #tpu.memory_space<vmem>>[vector<16xi32>], vector<16xf32>,
      %get3A_1249 = arith.constant 1 : i32
      %get3A_1250 = arith.constant 7 : i32
      %get3A_1251 = arith.index_cast %get3A_1249 : i32 to index
      %get3A_1252 = arith.index_cast %get3A_1250 : i32 to index
      %get3A_1253 = arith.constant 112 : index
      %get3A_1254 = tpu.vector_load %arg10[%get3A_1251, %get3A_1252, %get3A_1253] {strides = array<i32>} : memref<2x8x128xi32, #tpu.memory_space<vmem>>, vector<16xi32>,
      tpu.vector_store_idx %arg12[%get3A_1254], %broadcast_in_dim3A_1 {add = true} : memref<10016xf32, #tpu.memory_space<vmem>>[vector<16xi32>], vector<16xf32>,
      %dma_wait3A_1255 = arith.constant 1 : i32
      %dma_wait3A_1256 = arith.constant 7 : i32
      %dma_wait3A_1257 = arith.constant 1 : i32
      %dma_wait3A_1258 = arith.constant 0 : i32
      %dma_wait3A_1259 = arith.constant 0 : i32
      %dma_wait3A_1260 = tpu.memref_slice %arg11[%dma_wait3A_1257, %dma_wait3A_1258, %dma_wait3A_1259] : memref<2x128x128xf32, #tpu.memory_space<vmem>> -> memref<1x128x128xf32, #tpu.memory_space<vmem>>
      %dma_wait3A_1261 = tpu.memref_squeeze %dma_wait3A_1260 : memref<1x128x128xf32, #tpu.memory_space<vmem>> -> memref<128x128xf32, #tpu.memory_space<vmem>>
      %dma_wait3A_1262 = arith.constant 0 : i32
      %dma_wait3A_1263 = tpu.memref_slice %arg9[%dma_wait3A_1255, %dma_wait3A_1256, %dma_wait3A_1262] : memref<2x8x128xi32, #tpu.memory_space<vmem>> -> memref<1x1x128xi32, #tpu.memory_space<vmem>>
      %dma_wait3A_1264 = tpu.memref_squeeze %dma_wait3A_1263 : memref<1x1x128xi32, #tpu.memory_space<vmem>> -> memref<128xi32, #tpu.memory_space<vmem>>
      %dma_wait3A_1265 = arith.constant 0 : i32
      %dma_wait3A_1266 = arith.constant 0 : i32
      %dma_wait3A_1267 = tpu.memref_slice %arg2[%dma_wait3A_1265, %dma_wait3A_1266] : memref<20000x128xf32, #tpu.memory_space<hbm>> -> memref<20000x128xf32, #tpu.memory_space<hbm>>
      tpu.wait_indirect_dma semaphore(%arg15 : memref<!tpu.dma_semaphore, #tpu.memory_space<semaphore_mem>>) src(%dma_wait3A_1267 : memref<20000x128xf32, #tpu.memory_space<hbm>>) dst(%dma_wait3A_1261 : memref<128x128xf32, #tpu.memory_space<vmem>>)
      %run_scoped3A_1268 = arith.constant 1 : i32
      %run_scoped3A_1269 = arith.constant 1 : i32
      %run_scoped3A_1270 = arith.constant 7 : i32
      "tpu.region"() ({
        %run_scoped3A_1271 = tpu.sem_alloc : memref<!tpu.dma_semaphore, #tpu.memory_space<semaphore_mem>>
        %dma_start3A_1272 = arith.constant 0 : i32
        %dma_start3A_1273 = arith.constant 0 : i32
        %dma_start3A_1274 = tpu.memref_slice %arg11[%run_scoped3A_1268, %dma_start3A_1272, %dma_start3A_1273] : memref<2x128x128xf32, #tpu.memory_space<vmem>> -> memref<1x128x128xf32, #tpu.memory_space<vmem>>
        %dma_start3A_1275 = tpu.memref_squeeze %dma_start3A_1274 : memref<1x128x128xf32, #tpu.memory_space<vmem>> -> memref<128x128xf32, #tpu.memory_space<vmem>>
        %dma_start3A_1276 = arith.constant 0 : i32
        %dma_start3A_1277 = tpu.memref_slice %arg10[%run_scoped3A_1269, %run_scoped3A_1270, %dma_start3A_1276] : memref<2x8x128xi32, #tpu.memory_space<vmem>> -> memref<1x1x128xi32, #tpu.memory_space<vmem>>
        %dma_start3A_1278 = tpu.memref_squeeze %dma_start3A_1277 : memref<1x1x128xi32, #tpu.memory_space<vmem>> -> memref<128xi32, #tpu.memory_space<vmem>>
        %dma_start3A_1279 = arith.constant 0 : i32
        %dma_start3A_1280 = arith.constant 0 : i32
        %dma_start3A_1281 = tpu.memref_slice %arg13[%dma_start3A_1279, %dma_start3A_1280] : memref<10008x128xf32, #tpu.memory_space<vmem_shared>> -> memref<10008x128xf32, #tpu.memory_space<vmem_shared>>
        tpu.enqueue_indirect_dma source(%dma_start3A_1275 : memref<128x128xf32, #tpu.memory_space<vmem>>) target(%dma_start3A_1281 : memref<10008x128xf32, #tpu.memory_space<vmem_shared>>) offsets(%dma_start3A_1278 : memref<128xi32, #tpu.memory_space<vmem>>) semaphore(%run_scoped3A_1271 : memref<!tpu.dma_semaphore, #tpu.memory_space<semaphore_mem>>) {add = true}
        %dma_wait3A_1282 = arith.constant 0 : i32
        %dma_wait3A_1283 = arith.constant 0 : i32
        %dma_wait3A_1284 = tpu.memref_slice %arg11[%run_scoped3A_1268, %dma_wait3A_1282, %dma_wait3A_1283] : memref<2x128x128xf32, #tpu.memory_space<vmem>> -> memref<1x128x128xf32, #tpu.memory_space<vmem>>
        %dma_wait3A_1285 = tpu.memref_squeeze %dma_wait3A_1284 : memref<1x128x128xf32, #tpu.memory_space<vmem>> -> memref<128x128xf32, #tpu.memory_space<vmem>>
        %dma_wait3A_1286 = arith.constant 0 : i32
        %dma_wait3A_1287 = tpu.memref_slice %arg10[%run_scoped3A_1269, %run_scoped3A_1270, %dma_wait3A_1286] : memref<2x8x128xi32, #tpu.memory_space<vmem>> -> memref<1x1x128xi32, #tpu.memory_space<vmem>>
        %dma_wait3A_1288 = tpu.memref_squeeze %dma_wait3A_1287 : memref<1x1x128xi32, #tpu.memory_space<vmem>> -> memref<128xi32, #tpu.memory_space<vmem>>
        %dma_wait3A_1289 = arith.constant 0 : i32
        %dma_wait3A_1290 = arith.constant 0 : i32
        %dma_wait3A_1291 = tpu.memref_slice %arg13[%dma_wait3A_1289, %dma_wait3A_1290] : memref<10008x128xf32, #tpu.memory_space<vmem_shared>> -> memref<10008x128xf32, #tpu.memory_space<vmem_shared>>
        tpu.wait_indirect_dma semaphore(%run_scoped3A_1271 : memref<!tpu.dma_semaphore, #tpu.memory_space<semaphore_mem>>) src(%dma_wait3A_1285 : memref<128x128xf32, #tpu.memory_space<vmem>>) dst(%dma_wait3A_1291 : memref<10008x128xf32, #tpu.memory_space<vmem_shared>>)
        tpu.yield
      }) : () -> ()
    }
    %scan3A_25 = arith.constant 10 : i32
    %barrier3A_26 = arith.constant 0 : index
    tpu.barrier barrier_id(%barrier3A_26)
    %lt3A_27 = arith.constant 5 : i32
    %lt3A_28 = arith.cmpi slt, %arg1, %lt3A_27 : i32
    %convert_element_type3A_29 = arith.extui %lt3A_28 : i1 to i32
    %cond3A_30 = arith.constant 0 : i32
    %cond3A_31 = arith.cmpi ne, %convert_element_type3A_29, %cond3A_30 : i32
    scf.if %cond3A_31 {
      %mul3A_32 = arith.constant 2000 : i32
      %mul3A_33 = arith.muli %arg1, %mul3A_32 : i32
      %mul3A_34 = arith.constant 10000 : i32
      %mul3A_35 = arith.muli %arg0, %mul3A_34 : i32
      %mul3A_36 = arith.constant 2000 : i32
      %mul3A_37 = arith.muli %arg1, %mul3A_36 : i32
      %add3A_38 = arith.addi %mul3A_35, %mul3A_37 : i32
      "tpu.region"() ({
        %run_scoped3A_39 = tpu.sem_alloc : memref<!tpu.dma_semaphore, #tpu.memory_space<semaphore_mem>>
        %dma_start3A_40 = arith.constant 0 : i32
        %dma_start3A_41 = tpu.memref_slice %arg7[%add3A_38, %dma_start3A_40] : memref<20000x128xf32, #tpu.memory_space<hbm>> -> memref<2000x128xf32, #tpu.memory_space<hbm>>
        %dma_start3A_42 = arith.constant 0 : i32
        %dma_start3A_43 = tpu.memref_slice %arg13[%mul3A_33, %dma_start3A_42] : memref<10008x128xf32, #tpu.memory_space<vmem_shared>> -> memref<2000x128xf32, #tpu.memory_space<vmem_shared>>
        tpu.enqueue_dma source(%dma_start3A_43 : memref<2000x128xf32, #tpu.memory_space<vmem_shared>>) target(%dma_start3A_41 : memref<2000x128xf32, #tpu.memory_space<hbm>>) target_semaphore(%run_scoped3A_39 : memref<!tpu.dma_semaphore, #tpu.memory_space<semaphore_mem>>)
        %dma_wait3A = arith.constant 0 : i32
        %dma_wait3A_44 = tpu.memref_slice %arg7[%add3A_38, %dma_wait3A] : memref<20000x128xf32, #tpu.memory_space<hbm>> -> memref<2000x128xf32, #tpu.memory_space<hbm>>
        %dma_wait3A_45 = arith.constant 0 : i32
        %dma_wait3A_46 = tpu.memref_slice %arg13[%mul3A_33, %dma_wait3A_45] : memref<10008x128xf32, #tpu.memory_space<vmem_shared>> -> memref<2000x128xf32, #tpu.memory_space<vmem_shared>>
        tpu.wait_dma2 semaphore(%run_scoped3A_39 : memref<!tpu.dma_semaphore, #tpu.memory_space<semaphore_mem>>) src(%dma_wait3A_46 : memref<2000x128xf32, #tpu.memory_space<vmem_shared>>) dst(%dma_wait3A_44 : memref<2000x128xf32, #tpu.memory_space<hbm>>)
        tpu.yield
      }) : () -> ()
    } else {
    }
    "tpu.region"() ({
      %run_scoped3A_32 = tpu.sem_alloc : memref<!tpu.dma_semaphore, #tpu.memory_space<semaphore_mem>>
      %dma_start3A_33 = arith.constant 0 : i32
      %dma_start3A_34 = tpu.memref_slice %arg8[%add3A, %dma_start3A_33] : memref<32x10016xf32, #tpu.memory_space<hbm>> -> memref<1x10016xf32, #tpu.memory_space<hbm>>
      %dma_start3A_35 = tpu.memref_squeeze %dma_start3A_34 : memref<1x10016xf32, #tpu.memory_space<hbm>> -> memref<10016xf32, #tpu.memory_space<hbm>>
      %dma_start3A_36 = arith.constant 0 : i32
      %dma_start3A_37 = tpu.memref_slice %arg8[%add3A, %dma_start3A_36] : memref<32x10016xf32, #tpu.memory_space<hbm>> -> memref<1x10016xf32, #tpu.memory_space<hbm>>
      %dma_start3A_38 = tpu.memref_squeeze %dma_start3A_37 : memref<1x10016xf32, #tpu.memory_space<hbm>> -> memref<10016xf32, #tpu.memory_space<hbm>>
      tpu.enqueue_dma source(%arg12 : memref<10016xf32, #tpu.memory_space<vmem>>) target(%dma_start3A_38 : memref<10016xf32, #tpu.memory_space<hbm>>) target_semaphore(%run_scoped3A_32 : memref<!tpu.dma_semaphore, #tpu.memory_space<semaphore_mem>>)
      %dma_wait3A = arith.constant 0 : i32
      %dma_wait3A_39 = tpu.memref_slice %arg8[%add3A, %dma_wait3A] : memref<32x10016xf32, #tpu.memory_space<hbm>> -> memref<1x10016xf32, #tpu.memory_space<hbm>>
      %dma_wait3A_40 = tpu.memref_squeeze %dma_wait3A_39 : memref<1x10016xf32, #tpu.memory_space<hbm>> -> memref<10016xf32, #tpu.memory_space<hbm>>
      %dma_wait3A_41 = arith.constant 0 : i32
      %dma_wait3A_42 = tpu.memref_slice %arg8[%add3A, %dma_wait3A_41] : memref<32x10016xf32, #tpu.memory_space<hbm>> -> memref<1x10016xf32, #tpu.memory_space<hbm>>
      %dma_wait3A_43 = tpu.memref_squeeze %dma_wait3A_42 : memref<1x10016xf32, #tpu.memory_space<hbm>> -> memref<10016xf32, #tpu.memory_space<hbm>>
      tpu.wait_dma2 semaphore(%run_scoped3A_32 : memref<!tpu.dma_semaphore, #tpu.memory_space<semaphore_mem>>) src(%arg12 : memref<10016xf32, #tpu.memory_space<vmem>>) dst(%dma_wait3A_43 : memref<10016xf32, #tpu.memory_space<hbm>>)
      tpu.yield
    }) : () -> ()
    return
  }
}

module attributes {stable_mosaic.version = 14 : i64} {
  func.func @_prep_body(%arg0: i32, %arg1: memref<2000x128xf32, #tpu.memory_space<vmem>>, %arg2: memref<128x128xf32, #tpu.memory_space<vmem>>, %arg3: memref<1x128xf32, #tpu.memory_space<vmem>>, %arg4: memref<2000x128xf32, #tpu.memory_space<vmem>>) attributes {dimension_semantics = [#tpu.dimension_semantics<arbitrary>], iteration_bounds = array<i64: 10>, scalar_prefetch = 0 : i64, scratch_operands = 0 : i64, tpu.core_type = #tpu.core_type<tc>, window_params = [{transform_indices = @transform_0, window_bounds = array<i64: 2000, 128>}, {pipeline_mode = #tpu.pipeline_mode<synchronous>, transform_indices = @transform_1, window_bounds = array<i64: 128, 128>}, {pipeline_mode = #tpu.pipeline_mode<synchronous>, transform_indices = @transform_2, window_bounds = array<i64: 1, 128>}, {transform_indices = @transform_3, window_bounds = array<i64: 2000, 128>}]} {
    %get3A = arith.constant 0 : index
    %get3A_0 = arith.constant 0 : index
    %get3A_1 = vector.load %arg1[%get3A, %get3A_0] : memref<2000x128xf32, #tpu.memory_space<vmem>>, vector<2000x128xf32>
    %get3A_2 = arith.constant 0 : index
    %get3A_3 = arith.constant 0 : index
    %get3A_4 = vector.load %arg2[%get3A_2, %get3A_3] : memref<128x128xf32, #tpu.memory_space<vmem>>, vector<128x128xf32>
    %dot_general3A = arith.constant dense<0.000000e+00> : vector<2000x128xf32>
    %dot_general3A_5 = tpu.matmul %get3A_1, %get3A_4, %dot_general3A {dimension_numbers = #tpu.dot_dimension_numbers<[1], [0], [0], [1], [0, 0, 1, 1], [], []>, precision = #tpu.contract_precision<fp32>, transpose_lhs_hint = false} : vector<2000x128xf32>, vector<128x128xf32>, vector<2000x128xf32> -> vector<2000x128xf32>
    %mul3A = arith.constant 0.999500393 : f32
    %mul3A_6 = vector.broadcast %mul3A : f32 to vector<2000x128xf32>
    %mul3A_7 = arith.mulf %dot_general3A_5, %mul3A_6 : vector<2000x128xf32>
    %get3A_8 = arith.constant 0 : index
    %get3A_9 = arith.constant 0 : index
    %get3A_10 = vector.load %arg3[%get3A_8, %get3A_9] : memref<1x128xf32, #tpu.memory_space<vmem>>, vector<1x128xf32>
    %add3A = vector.broadcast %get3A_10 : vector<1x128xf32> to vector<2000x128xf32>
    %add3A_11 = arith.addf %mul3A_7, %add3A : vector<2000x128xf32>
    %max3A = arith.constant 0.000000e+00 : f32
    %max3A_12 = vector.broadcast %max3A : f32 to vector<2000x128xf32>
    %max3A_13 = arith.maximumf %add3A_11, %max3A_12 : vector<2000x128xf32>
    %swap3A = arith.constant 0 : index
    %swap3A_14 = arith.constant 0 : index
    %swap3A_15 = vector.load %arg4[%swap3A, %swap3A_14] : memref<2000x128xf32, #tpu.memory_space<vmem>>, vector<2000x128xf32>
    tpu.vector_store %arg4[%swap3A, %swap3A_14], %max3A_13 {strides = array<i32>} : memref<2000x128xf32, #tpu.memory_space<vmem>>, vector<2000x128xf32>,
    return
  }
  func.func @transform_0(%arg0: i32) -> (i32, i32) {
    %c0_i32 = arith.constant 0 : i32
    %c0_i32_0 = arith.constant 0 : i32
    return %arg0, %c0_i32 : i32, i32
  }
  func.func @transform_1(%arg0: i32) -> (i32, i32) {
    %c0_i32 = arith.constant 0 : i32
    %c0_i32_0 = arith.constant 0 : i32
    %c0_i32_1 = arith.constant 0 : i32
    return %c0_i32, %c0_i32_0 : i32, i32
  }
  func.func @transform_2(%arg0: i32) -> (i32, i32) {
    %c0_i32 = arith.constant 0 : i32
    %c0_i32_0 = arith.constant 0 : i32
    %c0_i32_1 = arith.constant 0 : i32
    return %c0_i32, %c0_i32_0 : i32, i32
  }
  func.func @transform_3(%arg0: i32) -> (i32, i32) {
    %c0_i32 = arith.constant 0 : i32
    %c0_i32_0 = arith.constant 0 : i32
    return %arg0, %c0_i32 : i32, i32
  }
}

module attributes {stable_mosaic.version = 14 : i64} {
  func.func @_upd_body(%arg0: i32, %arg1: memref<2000x128xf32, #tpu.memory_space<vmem>>, %arg2: memref<2000x128xf32, #tpu.memory_space<vmem>>, %arg3: memref<1x2000x16xf32, #tpu.memory_space<vmem>>, %arg4: memref<128x128xf32, #tpu.memory_space<vmem>>, %arg5: memref<128x128xf32, #tpu.memory_space<vmem>>, %arg6: memref<1x128xf32, #tpu.memory_space<vmem>>, %arg7: memref<2000x128xf32, #tpu.memory_space<vmem>>) attributes {dimension_semantics = [#tpu.dimension_semantics<arbitrary>], iteration_bounds = array<i64: 10>, scalar_prefetch = 0 : i64, scratch_operands = 0 : i64, tpu.core_type = #tpu.core_type<tc>, window_params = [{transform_indices = @transform_0, window_bounds = array<i64: 2000, 128>}, {transform_indices = @transform_1, window_bounds = array<i64: 2000, 128>}, {transform_indices = @transform_2, window_bounds = array<i64: 1, 2000, 16>}, {pipeline_mode = #tpu.pipeline_mode<synchronous>, transform_indices = @transform_3, window_bounds = array<i64: 128, 128>}, {pipeline_mode = #tpu.pipeline_mode<synchronous>, transform_indices = @transform_4, window_bounds = array<i64: 128, 128>}, {pipeline_mode = #tpu.pipeline_mode<synchronous>, transform_indices = @transform_5, window_bounds = array<i64: 1, 128>}, {transform_indices = @transform_6, window_bounds = array<i64: 2000, 128>}]} {
    %get3A = arith.constant 0 : index
    %get3A_0 = arith.constant 0 : index
    %get3A_1 = arith.constant 0 : index
    %get3A_2 = vector.load %arg3[%get3A, %get3A_0, %get3A_1] : memref<1x2000x16xf32, #tpu.memory_space<vmem>>, vector<1x2000x16xf32>
    %squeeze3A = vector.shape_cast %get3A_2 : vector<1x2000x16xf32> to vector<2000x16xf32>
    %reduce_sum3A = arith.constant dense<0.000000e+00> : vector<2000xf32>
    %reduce_sum3A_3 = vector.multi_reduction <add>, %squeeze3A, %reduce_sum3A [1] : vector<2000x16xf32> to vector<2000xf32>
    %broadcast_in_dim3A = vector.shape_cast %reduce_sum3A_3 : vector<2000xf32> to vector<2000x1xf32>
    %get3A_4 = arith.constant 0 : index
    %get3A_5 = arith.constant 0 : index
    %get3A_6 = vector.load %arg2[%get3A_4, %get3A_5] : memref<2000x128xf32, #tpu.memory_space<vmem>>, vector<2000x128xf32>
    %max3A = arith.constant 1.000000e+00 : f32
    %max3A_7 = vector.broadcast %max3A : f32 to vector<2000x1xf32>
    %max3A_8 = arith.maximumf %broadcast_in_dim3A, %max3A_7 : vector<2000x1xf32>
    %div3A = vector.broadcast %max3A_8 : vector<2000x1xf32> to vector<2000x128xf32>
    %div3A_9 = arith.divf %get3A_6, %div3A : vector<2000x128xf32>
    %get3A_10 = arith.constant 0 : index
    %get3A_11 = arith.constant 0 : index
    %get3A_12 = vector.load %arg1[%get3A_10, %get3A_11] : memref<2000x128xf32, #tpu.memory_space<vmem>>, vector<2000x128xf32>
    %get3A_13 = arith.constant 0 : index
    %get3A_14 = arith.constant 0 : index
    %get3A_15 = vector.load %arg4[%get3A_13, %get3A_14] : memref<128x128xf32, #tpu.memory_space<vmem>>, vector<128x128xf32>
    %dot_general3A = arith.constant dense<0.000000e+00> : vector<2000x128xf32>
    %dot_general3A_16 = tpu.matmul %get3A_12, %get3A_15, %dot_general3A {dimension_numbers = #tpu.dot_dimension_numbers<[1], [0], [0], [1], [0, 0, 1, 1], [], []>, precision = #tpu.contract_precision<fp32>, transpose_lhs_hint = false} : vector<2000x128xf32>, vector<128x128xf32>, vector<2000x128xf32> -> vector<2000x128xf32>
    %get3A_17 = arith.constant 0 : index
    %get3A_18 = arith.constant 0 : index
    %get3A_19 = vector.load %arg5[%get3A_17, %get3A_18] : memref<128x128xf32, #tpu.memory_space<vmem>>, vector<128x128xf32>
    %dot_general3A_20 = arith.constant dense<0.000000e+00> : vector<2000x128xf32>
    %dot_general3A_21 = tpu.matmul %div3A_9, %get3A_19, %dot_general3A_20 {dimension_numbers = #tpu.dot_dimension_numbers<[1], [0], [0], [1], [0, 0, 1, 1], [], []>, precision = #tpu.contract_precision<fp32>, transpose_lhs_hint = false} : vector<2000x128xf32>, vector<128x128xf32>, vector<2000x128xf32> -> vector<2000x128xf32>
    %add3A = arith.addf %dot_general3A_16, %dot_general3A_21 : vector<2000x128xf32>
    %mul3A = arith.constant 0.999500393 : f32
    %mul3A_22 = vector.broadcast %mul3A : f32 to vector<2000x128xf32>
    %mul3A_23 = arith.mulf %add3A, %mul3A_22 : vector<2000x128xf32>
    %get3A_24 = arith.constant 0 : index
    %get3A_25 = arith.constant 0 : index
    %get3A_26 = vector.load %arg6[%get3A_24, %get3A_25] : memref<1x128xf32, #tpu.memory_space<vmem>>, vector<1x128xf32>
    %add3A_27 = vector.broadcast %get3A_26 : vector<1x128xf32> to vector<2000x128xf32>
    %add3A_28 = arith.addf %mul3A_23, %add3A_27 : vector<2000x128xf32>
    %max3A_29 = arith.constant 0.000000e+00 : f32
    %max3A_30 = vector.broadcast %max3A_29 : f32 to vector<2000x128xf32>
    %max3A_31 = arith.maximumf %add3A_28, %max3A_30 : vector<2000x128xf32>
    %swap3A = arith.constant 0 : index
    %swap3A_32 = arith.constant 0 : index
    %swap3A_33 = vector.load %arg7[%swap3A, %swap3A_32] : memref<2000x128xf32, #tpu.memory_space<vmem>>, vector<2000x128xf32>
    tpu.vector_store %arg7[%swap3A, %swap3A_32], %max3A_31 {strides = array<i32>} : memref<2000x128xf32, #tpu.memory_space<vmem>>, vector<2000x128xf32>,
    return
  }
  func.func @transform_0(%arg0: i32) -> (i32, i32) {
    %c0_i32 = arith.constant 0 : i32
    %c0_i32_0 = arith.constant 0 : i32
    return %arg0, %c0_i32 : i32, i32
  }
  func.func @transform_1(%arg0: i32) -> (i32, i32) {
    %c0_i32 = arith.constant 0 : i32
    %c0_i32_0 = arith.constant 0 : i32
    return %arg0, %c0_i32 : i32, i32
  }
  func.func @transform_2(%arg0: i32) -> (i32, i32, i32) {
    %jit3A = arith.constant 5 : i32
    %div3A = arith.divsi %arg0, %jit3A : i32
    %sign3A = arith.constant 0 : i32
    %sign3A_0 = arith.cmpi sgt, %arg0, %sign3A : i32
    %sign3A_1 = arith.extui %sign3A_0 : i1 to i32
    %sign3A_2 = arith.constant 0 : i32
    %sign3A_3 = arith.cmpi slt, %arg0, %sign3A_2 : i32
    %sign3A_4 = arith.extui %sign3A_3 : i1 to i32
    %sign3A_5 = arith.subi %sign3A_1, %sign3A_4 : i32
    %sign3A_6 = arith.constant 0 : i32
    %sign3A_7 = arith.cmpi sgt, %jit3A, %sign3A_6 : i32
    %sign3A_8 = arith.extui %sign3A_7 : i1 to i32
    %sign3A_9 = arith.constant 0 : i32
    %sign3A_10 = arith.cmpi slt, %jit3A, %sign3A_9 : i32
    %sign3A_11 = arith.extui %sign3A_10 : i1 to i32
    %sign3A_12 = arith.subi %sign3A_8, %sign3A_11 : i32
    %ne3A = arith.cmpi ne, %sign3A_5, %sign3A_12 : i32
    %rem3A = arith.remsi %arg0, %jit3A : i32
    %ne3A_13 = arith.constant 0 : i32
    %ne3A_14 = arith.cmpi ne, %rem3A, %ne3A_13 : i32
    %and3A = arith.andi %ne3A, %ne3A_14 : i1
    %sub3A = arith.constant 1 : i32
    %sub3A_15 = arith.subi %div3A, %sub3A : i32
    %select_n3A = arith.select %and3A, %sub3A_15, %div3A : i32
    %jit3A_16 = arith.constant 5 : i32
    %eq3A = arith.constant 0 : i32
    %eq3A_17 = arith.cmpi eq, %jit3A_16, %eq3A : i32
    %jit3A_18 = arith.constant 1 : i32
    %select_n3A_19 = arith.select %eq3A_17, %jit3A_18, %jit3A_16 : i32
    %rem3A_20 = arith.remsi %arg0, %select_n3A_19 : i32
    %ne3A_21 = arith.constant 0 : i32
    %ne3A_22 = arith.cmpi ne, %rem3A_20, %ne3A_21 : i32
    %lt3A = arith.constant 0 : i32
    %lt3A_23 = arith.cmpi slt, %rem3A_20, %lt3A : i32
    %lt3A_24 = arith.constant 0 : i32
    %lt3A_25 = arith.cmpi slt, %select_n3A_19, %lt3A_24 : i32
    %ne3A_26 = arith.xori %lt3A_23, %lt3A_25 : i1
    %and3A_27 = arith.andi %ne3A_26, %ne3A_22 : i1
    %add3A = arith.addi %rem3A_20, %select_n3A_19 : i32
    %select_n3A_28 = arith.select %and3A_27, %add3A, %rem3A_20 : i32
    %c0_i32 = arith.constant 0 : i32
    %c0_i32_29 = arith.constant 0 : i32
    return %select_n3A, %select_n3A_28, %c0_i32 : i32, i32, i32
  }
  func.func @transform_3(%arg0: i32) -> (i32, i32) {
    %c0_i32 = arith.constant 0 : i32
    %c0_i32_0 = arith.constant 0 : i32
    %c0_i32_1 = arith.constant 0 : i32
    return %c0_i32, %c0_i32_0 : i32, i32
  }
  func.func @transform_4(%arg0: i32) -> (i32, i32) {
    %c0_i32 = arith.constant 0 : i32
    %c0_i32_0 = arith.constant 0 : i32
    %c0_i32_1 = arith.constant 0 : i32
    return %c0_i32, %c0_i32_0 : i32, i32
  }
  func.func @transform_5(%arg0: i32) -> (i32, i32) {
    %c0_i32 = arith.constant 0 : i32
    %c0_i32_0 = arith.constant 0 : i32
    %c0_i32_1 = arith.constant 0 : i32
    return %c0_i32, %c0_i32_0 : i32, i32
  }
  func.func @transform_6(%arg0: i32) -> (i32, i32) {
    %c0_i32 = arith.constant 0 : i32
    %c0_i32_0 = arith.constant 0 : i32
    return %arg0, %c0_i32 : i32, i32
  }
}

</mosaic_0001>

<sc_bundles>
// kernel: kernel.5.cloned.1.call-start
scs
__scs_entry_jumppad:
0x0: {  	(pc) =	sbr.rel $0x88, $3  }
0x1: {  	(tag) =	ssettag $0x0;
	lr =	simm.s32 $0x1  }
0x2: {  	[smem:$0x3F9A] =	sst lr;
	_ =	strace $0xD0000000  }
0x3: {  	_ = 	snop  }
0x4: {  	_ = 	snop  }
0x5: {  	_ = 	snop  }
0x6: {  	_ = 	snop  }
0x7: {  	_ = 	snop  }
__scs_overlays_trampoline_lowered:
0x8: {  	[smem:$0x3FA9] =	sst s0  }
0x9: {  	[smem:$0x3FAA] =	sst s1  }
0xa: {  	[smem:$0x3FAB] =	sst s2  }
0xb: {  	[smem:$0x3FAC] =	sst s3  }
0xc: {  	[smem:$0x3FAD] =	sst s4  }
0xd: {  	[smem:$0x3FAE] =	sst s5  }
0xe: {  	[smem:$0x3FAF] =	sst s6  }
0xf: {  	[smem:$0x3FB0] =	sst s7  }
0x10: {  	[smem:$0x3FB1] =	sst s8  }
0x11: {  	[smem:$0x3FB2] =	sst s9;
	s0 =	simm.s32 @!p0 $0x0  }
0x12: {  	s1 =	sld [smem:$0x3F98];
	s0 =	simm.s32 @p0 $0x1  }
0x13: {  	[smem:$0x3FB3] =	sst s0;
	s0 =	simm.s32 @!p1 $0x0  }
0x14: {  	s2 =	sld [smem:$0x3F97];
	s0 =	simm.s32 @p1 $0x1  }
0x15: {  	[smem:$0x3FB4] =	sst s0;
	s0 =	simm.s32 @!p2 $0x0  }
0x16: {  	s3 =	sld [smem:$0x3FDB];
	s0 =	simm.s32 @p2 $0x1  }
0x17: {  	s4 =	simm.s32 $0x1BF5;
	[smem:$0x3FB6] =	sst s0  }
0x18: {  	s0 =	sld [smem:$0x3F99];
	_ =	swait.ge [sflag:s4], $0x0  }
0x19: {  	s7 =	sld [smem:$0x3F9A]  }
0x1a: {  	s8 =	sadd.s32 $0xFFFFE003, lr  }
0x1b: {  	s9 =	sadd.s32 $0xFFFFFEF7, lr;
	s5 =	simm.s32 $0xFFFFFFFF;
	p2 =	slt.u32 s8, $0xFFFFF086  }
0x1c: {  	p1 =	slt.u32 s9, $0xF7A;
	s5 =	simm.s32 @!p2 $0x0  }
0x1d: {  	s5 =	simm.s32 @p1 $0x1;
	p0 =	seq.s32 s7, s2  }
0x1e: {  	s7 =	smul.u32 @!p0 $0xF7A, s2;
	p2 =	seq.s32 @!p0 s5, $0x0  }
0x1f: {  	s9 =	smul.u32 $0xF7A, s1;
	s8 =	simm.s32 @!p0 $0x1BF5;
	p2 =	por !p2, p0  }
0x20: {  	[sflag:s8] =	ssyncset.s32 @!p0 $0xFFFFF086;
	s6 =	sadd.s32 @!p0 s3, s7;
	s7 =	simm.s32 @!p0 $0x108  }
0x21: {  	s3 =	sadd.s32 s3, s9;
	s6 =	sadd.s32 @!p0 $0x88, s6;
	s7 =	simm.s32 @p2 $0x1082  }
0x22: {  	[simem:s7], [sflag:s8] =	dma.local @!p0 [hbm:s6], $0xF7A  }
0x23: {  	s9 =	sor.u32 $0xD0000000, s2;
	s6 =	simm.s32 $0x108;
	_ =	swait.ge @!p0 [sflag:s8], $0x0  }
0x24: {  	s3 =	sadd.s32 $0x88, s3;
	s6 =	simm.s32 @!p1 $0x1082;
	[sflag:s4] =	ssyncset.s32 $0xFFFFF086  }
0x25: {  	[simem:s6], [sflag:s4] =	dma.local [hbm:s3], $0xF7A  }
0x26: {  	[smem:$0x3F9A] =	sst s1;
	(tag) =	ssettag s2;
	_ =	strace s9  }
0x27: {  	s1 =	sld [smem:$0x3FAA]  }
0x28: {  	s2 =	sld [smem:$0x3FAB]  }
0x29: {  	s4 =	sld [smem:$0x3FAD]  }
0x2a: {  	p0 =	seq.s32 s5, $0x0;
	s5 =	sld [smem:$0x3FAE]  }
0x2b: {  	s6 =	sld [smem:$0x3FAF]  }
0x2c: {  	s7 =	sld [smem:$0x3FB0]  }
0x2d: {  	s3 =	simm.s32 $0x108;
	s8 =	sld [smem:$0x3FB1]  }
0x2e: {  	s3 =	simm.s32 @!p0 $0x1082;
	s9 =	sld [smem:$0x3FB2]  }
0x2f: {  	lr =	sadd.s32 s0, s3;
	s0 =	sld [smem:$0x3FA9]  }
0x30: {  	s3 =	sld [smem:$0x3FAC]  }
0x31: {  	[smem:$0x3FB5] =	sst s10  }
0x32: {  	s10 =	sld [smem:$0x3FB3];
	_ =	sdelay $0x3  }
0x33: {  	p0 =	seq.s32 s10, $0x1;
	s10 =	sld [smem:$0x3FB5];
	_ =	sdelay $0x3  }
0x34: {  	[smem:$0x3FB5] =	sst s10  }
0x35: {  	s10 =	sld [smem:$0x3FB4];
	_ =	sdelay $0x3  }
0x36: {  	p1 =	seq.s32 s10, $0x1;
	s10 =	sld [smem:$0x3FB5];
	_ =	sdelay $0x3  }
0x37: {  	[smem:$0x3FB5] =	sst s10  }
0x38: {  	s10 =	sld [smem:$0x3FB6]  }
0x39: {  	_ = 	snop;
	(pc) =	sbr.ind lr, $3  }
0x3a: {  	_ = 	snop  }
0x3b: {  	_ = 	snop  }
0x3c: {  	p2 =	seq.s32 s10, $0x1;
	s10 =	sld [smem:$0x3FB5]  }
0x3d: {  	_ =	shalt  }
0x3e: {  	_ =	shalt  }
0x3f: {  	_ =	shalt  }
0x40: {  	_ =	shalt  }
0x41: {  	_ =	shalt  }
0x42: {  	_ =	shalt  }
0x43: {  	_ =	shalt  }
0x44: {  	_ =	shalt  }
0x45: {  	_ =	shalt  }
0x46: {  	_ =	shalt  }
0x47: {  	_ =	shalt  }
0x48: {  	_ =	shalt  }
0x49: {  	_ =	shalt  }
0x4a: {  	_ =	shalt  }
0x4b: {  	_ =	shalt  }
0x4c: {  	_ =	shalt  }
0x4d: {  	_ =	shalt  }
0x4e: {  	_ =	shalt  }
0x4f: {  	_ =	shalt  }
0x50: {  	_ =	shalt  }
0x51: {  	_ =	shalt  }
0x52: {  	_ =	shalt  }
0x53: {  	_ =	shalt  }
0x54: {  	_ =	shalt  }
0x55: {  	_ =	shalt  }
0x56: {  	_ =	shalt  }
0x57: {  	_ =	shalt  }
0x58: {  	_ =	shalt  }
0x59: {  	_ =	shalt  }
0x5a: {  	_ =	shalt  }
0x5b: {  	_ =	shalt  }
0x5c: {  	_ =	shalt  }
0x5d: {  	_ =	shalt  }
0x5e: {  	_ =	shalt  }
0x5f: {  	_ =	shalt  }
0x60: {  	_ =	shalt  }
0x61: {  	_ =	shalt  }
0x62: {  	_ =	shalt  }
0x63: {  	_ =	shalt  }
0x64: {  	_ =	shalt  }
0x65: {  	_ =	shalt  }
0x66: {  	_ =	shalt  }
0x67: {  	_ =	shalt  }
0x68: {  	_ =	shalt  }
0x69: {  	_ =	shalt  }
0x6a: {  	_ =	shalt  }
0x6b: {  	_ =	shalt  }
0x6c: {  	_ =	shalt  }
0x6d: {  	_ =	shalt  }
0x6e: {  	_ =	shalt  }
0x6f: {  	_ =	shalt  }
0x70: {  	_ =	shalt  }
0x71: {  	_ =	shalt  }
0x72: {  	_ =	shalt  }
0x73: {  	_ =	shalt  }
0x74: {  	_ =	shalt  }
0x75: {  	_ =	shalt  }
0x76: {  	_ =	shalt  }
0x77: {  	_ =	shalt  }
0x78: {  	_ =	shalt  }
0x79: {  	_ =	shalt  }
0x7a: {  	_ =	shalt  }
0x7b: {  	_ =	shalt  }
0x7c: {  	_ =	shalt  }
0x7d: {  	_ =	shalt  }
0x7e: {  	_ =	shalt  }
0x7f: {  	_ =	shalt  }
0x80: {  	_ =	shalt  }
0x81: {  	_ =	shalt  }
0x82: {  	_ =	shalt  }
0x83: {  	_ =	shalt  }
0x84: {  	_ =	shalt  }
0x85: {  	_ =	shalt  }
0x86: {  	_ =	shalt  }
0x87: {  	_ =	shalt  }
.Lfunc_end0:
.L_simem_size_0:
called_computation_lowered:
.L_overlay_start_0:
0x88: {  	s2 =	sld [smem:$0x3FD9]  }
0x89: {  	s3 =	sld [smem:$0x3FFE];
	_ =	sdelay $0x1  }
0x8a: {  	s1 =	srdreg.scid  }
0x8b: {  	s0 =	sand.u32 $0x1, s1  }
0x8c: {  	s17 =	sshll.u32 s0, $0xA;
	s2 =	sadd.s32 s3, s2  }
0x8d: {  	s2 =	sadd.s32 s2, s17  }
0x8e: {  	[smem:$0x3FC1] =	sst s2  }
0x8f: {  	_ = 	snop  }
0x90: {  	s2 =	sld [smem:$0x3FD0];
	(tm) =	ssettm $0x1  }
0x91: {  	s18 =	sld [smem:$0x3FFB];
	_ =	sdelay $0x3  }
0x92: {  	_ =	strace s18  }
0x93: {  	s3 =	sld [smem:$0x3FFC];
	_ =	sdelay $0x3  }
0x94: {  	_ =	strace s3  }
0x95: {  	s3 =	sld [smem:$0x3FFD];
	_ =	sdelay $0x3  }
0x96: {  	_ =	strace s3  }
0x97: {  	_ =	strace $0x8FFFFFFF  }
0x98: {  	s19 =	sld [smem:$0x3FDB];
	_ =	sdelay $0x1  }
0x99: {  	s4 =	simm.s32 $_scs_section_size  }
0x9a: {  	s5 =	simm.s32 $_size__tile_overlayer_lowered;
	s6 =	simm.s32 $_tile_overlayer_lowered  }
0x9b: {  	s22 =	simm.s32 $0x1BFF;
	s21 =	sshll.u32 s6, $0x1;
	s3 =	sadd.s32 s4, s19  }
0x9c: {  	s7 =	simm.s32 $0x0;
	s20 =	sshll.u32 s5, $0x1;
	s5 =	sadd.s32 s21, s3  }
0x9d: {  	[timem:s7], [sflag:s22] =	dma.local [hbm:s5], s20  }
0x9e: {  	_ =	swait.ge [sflag:s22], s20  }
0x9f: {  	s4 =	ssub.s32 $0x0, s20;
	[sflag:s22] =	ssyncset.done $0x0  }
0xa0: {  	[sflag:s22] =	ssyncadd.s32 s4;
	_ =	sdelay $0x1  }
0xa1: {  	s23 =	simm.s32 $0x1B8B  }
0xa2: {  	_ =	swait.ge [sflag:s23], $0x1  }
0xa3: {  	[sflag:s23] =	ssyncset.done $0x0  }
0xa4: {  	s25 =	simm.s32 $0x1B8E;
	s24 =	sld [smem:$0x3FFE];
	[sflag:s23] =	ssyncadd.s32 $0xFFFFFFFF  }
0xa5: {  	s26 =	simm.s32 $execute0_lowered;
	[smem:$0x3FD2] =	sst s25  }
0xa6: {  	s5 =	sshll.u32 s26, $0x1;
	_ =	strace $0x80000046;
	[dreg:$0x1] =	wrdreg $0xFFFFFFFF  }
0xa7: {  	s28 =	simm.s32 $_size_execute0_lowered;
	s3 =	sadd.s32 s3, s5;
	[dreg:$0x0] =	wrdreg $0x0  }
0xa8: {  	s5 =	sshll.u32 s28, $0x1;
	[dreg:$0x2] =	wrdreg s3  }
0xa9: {  	[dreg:$0x3] =	wrdreg s5  }
0xaa: {  	[dreg:$0x4] =	wrdreg $0xC0  }
0xab: {  	_ =	task [dreg:s7], $0x5FFFF  }
0xac: {  	[dreg:$0x1] =	wrdreg $0xFFFFFFFF  }
0xad: {  	[dreg:$0x0] =	wrdreg $0x60  }
0xae: {  	[dreg:$0x2] =	wrdreg s2  }
0xaf: {  	[dreg:$0x3] =	wrdreg s24  }
0xb0: {  	[dreg:$0x4] =	wrdreg $0xB7800  }
0xb1: {  	[dreg:$0x5] =	wrdreg $0x9  }
0xb2: {  	_ =	task.clear_ibuf [dreg:s7], $0x6FFFF;
	_ =	strace $0x90000046  }
0xb3: {  	s29 =	simm.s32 $0x9;
	_ =	strace $0x80000048  }
0xb4: {  	_ =	swait.ge [sflag:s29], $0x1  }
0xb5: {  	[sflag:s29] =	ssyncadd.s32 $0xFFFFFFFF  }
0xb6: {  	_ =	strace $0x90000048  }
0xb7: {  	_ =	sfence  }
0xb8: {  	s30 =	sld [smem:$0x0];
	_ =	sdelay $0x2  }
0xb9: {  	s31 =	sshll.u32 s1, $0xD;
	s1 =	sshrl.u32 s1, $0x2  }
0xba: {  	s3 =	sand.u32 $0x4000, s31;
	s1 =	sadd.s32 s1, s30  }
0xbb: {  	s0 =	sor.u32 s3, s0;
	s1 =	sshll.u32 s1, $0x11  }
0xbc: {  	s0 =	sor.u32 s1, s0  }
0xbd: {  	s0 =	sadd.s32 $0x8F2B, s0  }
0xbe: {  	[sflag:s0] =	ssyncadd.remote.s32 $0x1  }
0xbf: {  	_ =	sfence.sel $0xFFFF  }
0xc0: {  	[dreg:$0x0] =	wrdreg $0xFFFFFFFF;
	(pc) =	sbr.abs _section_cstart, $3  }
0xc1: {  	[dreg:$0x1] =	wrdreg $0xFFFFFFFF  }
0xc2: {  	_ =	task.clear_ibuf [dreg:s7], $0x2FFFF;
	_ =	strace $0x9FFFFFFF  }
0xc3: {  	(tm) =	ssettm $0x7FFFFFFF  }
tec
execute0_lowered:
.L_overlay_start_1:
0x0: {  	(tag) =	ssettag $0x1  }
0x1: {  	s1 =	rddreg [dreg:$0x0]  }
0x2: {  	s0 =	rddreg [dreg:$0x1]  }
0x3: {  	s2 =	rddreg [dreg:$0x2];
	s3 =	simm.s32 $0x0;
	s4 =	srdreg.scid  }
0x4: {  	s16 =	stileid.u32;
	s24 =	simm.s32 $0x100;
	s25 =	simm.s32 $0x880  }
0x5: {  	s28 =	simm.s32 $0x700;
	s29 =	simm.s32 $0xE80;
	s30 =	simm.s32 $0x780  }
0x6: {  	s31 =	simm.s32 $0xF00;
	[smem:$0x7FF] =	sst s3;
	s4 =	sand.u32 $0x1, s4  }
0x7: {  	s6 =	sadd.s32 $0x2400, s0;
	s9 =	sadd.s32 $0x16400, s0;
	s10 =	smul.u32 $0x7D00, s16  }
0x8: {  	s12 =	sshll.u32 s16, $0x7;
	s13 =	sadd.s32 $0x2A400, s0;
	s21 =	smul.u32 $0xFA000, s16  }
0x9: {  	p0 =	sgt.u32 s16, $0x4;
	_ =	strace $0x80000047;
	s5 =	sshll.u32 s4, $0x4  }
0xa: {  	s7 =	smul.u32 $0x27100, s4;
	[dreg:$0x1c] =	wrdreg s13;
	s12 =	sand.u32 $0x380, s12  }
0xb: {  	s26 =	smul.u32 $0x50000, s4;
	s4 =	ssub.s32 $0x2, s4;
	[dreg:$0x8] =	wrdreg s24  }
0xc: {  	[dreg:$0x9] =	wrdreg s25;
	p1 =	sne.s32 @p0 s16, $0x5;
	s24 =	simm.s32 $0xD00  }
0xd: {  	s25 =	simm.s32 $0x600;
	s8 =	sor.u32 s16, s5;
	s5 =	sadd.s32 $0x2AA00, s0  }
0xe: {  	s14 =	sshrl.u32 s4, $0x1;
	s23 =	sshrl.u32 s21, $0x2;
	p1 =	por p1, !p0  }
0xf: {  	s21 =	simm.s32 $0x500;
	[dreg:$0x19] =	wrdreg s24;
	s24 =	simm.s32 $0x3  }
0x10: {  	[dreg:$0x1a] =	wrdreg s25;
	s25 =	simm.s32 $0x680;
	s11 =	sshrl.u32 s8, $0x3  }
0x11: {  	s7 =	sadd.s32 s10, s7;
	s8 =	smul.u32 $0x5000, s8;
	s4 =	ssub.s32 s4, s14  }
0x12: {  	[dreg:$0x16] =	wrdreg s21;
	s7 =	sadd.s32 s7, s0;
	s4 =	smax.u32 s4, $0x1  }
0x13: {  	s8 =	sshrl.u32 s8, $0x3;
	s7 =	sadd.s32 $0x3C600, s7;
	[smem:$0x7FD] =	sst s4  }
0x14: {  	s11 =	smul.u32 $0x13C00, s11;
	s17 =	sadd.s32 s6, s8;
	[smem:$0x7FB] =	sst s7  }
0x15: {  	s14 =	simm.s32 $0x800;
	s8 =	sadd.s32 s9, s8;
	[dreg:$0x1d] =	wrdreg s17  }
0x16: {  	s11 =	sor.u32 s12, s11;
	s7 =	simm.s32 $0x200;
	[dreg:$0x1e] =	wrdreg s8  }
0x17: {  	s12 =	smul.u32 $0x5000, s16;
	s16 =	simm.s32 $0xA80;
	[dreg:$0xc] =	wrdreg s7  }
0x18: {  	s21 =	simm.s32 $0x5000;
	s8 =	sadd.s32 s23, s2;
	[dreg:$0x11] =	wrdreg s16  }
0x19: {  	s10 =	sshrl.u32 s11, $0x3;
	s11 =	simm.s32 $0xA00;
	[dreg:$0x1f] =	wrdreg s8  }
0x1a: {  	s4 =	simm.s32 $0x0;
	s17 =	simm.s32 $0x380;
	[dreg:$0xf] =	wrdreg s11  }
0x1b: {  	s23 =	simm.s32 $0x580;
	s0 =	sadd.s32 s10, s0;
	[dreg:$0x12] =	wrdreg s17  }
0x1c: {  	s13 =	sadd.s32 s12, s26;
	s26 =	simm.s32 $0x180;
	[dreg:$0x18] =	wrdreg s23  }
0x1d: {  	s8 =	simm.s32 $0x980;
	s12 =	simm.s32 $0x300;
	[dreg:$0xa] =	wrdreg s26  }
0x1e: {  	s17 =	simm.s32 $0x80;
	s23 =	simm.s32 $0x2;
	[dreg:$0xd] =	wrdreg s8  }
0x1f: {  	s15 =	sor.u32 $0x800, s13;
	s0 =	sadd.s32 $0x32800, s0;
	[dreg:$0x10] =	wrdreg s12  }
0x20: {  	s26 =	simm.s32 $0xD80;
	s18 =	sshrl.u32 s15, $0x3;
	[smem:$0x7FC] =	sst s0  }
0x21: {  	s10 =	sor.u32 $0x400, s13;
	[dreg:$0x1b] =	wrdreg s26;
	s19 =	sadd.s32 s18, s9  }
0x22: {  	s10 =	sshrl.u32 s10, $0x3;
	s20 =	sadd.s32 s18, s6;
	[dreg:$0x4] =	wrdreg s19  }
0x23: {  	s13 =	simm.s32 $0x4;
	s22 =	sadd.s32 s10, s9;
	[dreg:$0x5] =	wrdreg s20  }
0x24: {  	s15 =	simm.s32 $0x9000;
	s6 =	sadd.s32 s10, s6;
	[dreg:$0x6] =	wrdreg s22  }
0x25: {  	s26 =	simm.s32 $0xE00;
	s10 =	simm.s32 $0x280;
	[dreg:$0x7] =	wrdreg s6  }
0x26: {  	s0 =	simm.s32 $0xF80;
	s18 =	simm.s32 $0xB00;
	[dreg:$0xe] =	wrdreg s10  }
0x27: {  	s9 =	sadd.s32 $0x138800, s2;
	s6 =	simm.s32 $0x900;
	[dreg:$0x13] =	wrdreg s18  }
0x28: {  	s16 =	sshrl.u32 @!p1 s9, $0x3;
	s19 =	simm.s32 $0xB80;
	[dreg:$0xb] =	wrdreg s6  }
0x29: {  	s18 =	simm.s32 $0x1000;
	s20 =	simm.s32 $0x480;
	[dreg:$0x14] =	wrdreg s19  }
0x2a: {  	s22 =	simm.s32 $0xC80;
	s19 =	simm.s32 $0x400;
	[dreg:$0x15] =	wrdreg s20  }
0x2b: {  	v0 =	vimm.f32 $1.000000000e+00;
	s20 =	simm.s32 $0xC00;
	[dreg:$0x17] =	wrdreg s22;
	s22 =	simm.s32 $0x1  }
.LBB2_1:
0x2c: {  	s6 =	rddreg [dreg:$0x1d]  }
0x2d: {  	[tilespmem:s3], [sflag:$0x4] =	stream.linear.gather [hbm4b:s6+s3], $0x400, $0x38;
	[tilespmem:$0x1F040] =	vst v63  }
0x2e: {  	_ =	swait.ge [sflag:s13], $0x400  }
0x2f: {  	[sflag:s13] =	ssyncset.done $0x0  }
0x30: {  	s11 =	rddreg [dreg:$0x1e];
	[sflag:s13] =	ssyncadd.s32 $0xFFFFFC00  }
0x31: {  	[tilespmem:s14], [sflag:$0x4] =	stream.linear.gather [hbm4b:s11+s3], $0x400, $0x38;
	[tilespmem:$0x1F040] =	vst v63  }
0x32: {  	_ =	swait.ge [sflag:s13], $0x400  }
0x33: {  	[sflag:s13] =	ssyncset.done $0x0  }
0x34: {  	s12 =	rddreg [dreg:$0x1c];
	[sflag:s13] =	ssyncadd.s32 $0xFFFFFC00  }
0x35: {  	[tilespmem:s15], [sflag:$0x4] =	stream.linear.gather [hbm4b:s12+s3], $0x2780, $0x38;
	[tilespmem:$0x1F040] =	vst v63  }
0x36: {  	_ =	swait.ge [sflag:s13], $0x2780  }
0x37: {  	[sflag:s13] =	ssyncset.done $0x0  }
0x38: {  	s6 =	simm.s32 @!p1 $0x1D44;
	[sflag:s13] =	ssyncadd.s32 $0xFFFFD880  }
0x39: {  	[spmem:s16], [sflag:s6] =	dma.local @!p1 [hbm:s5], $0x80  }
0x3a: {  	s6 =	simm.s32 @!p1 $0x4  }
0x3b: {  	s7 =	stileid.u32;
	_ =	swait.ge @!p1 [sflag:s6], $0x80  }
0x3c: {  	s7 =	sshll.u32 @!p0 s7, $0x6;
	[sflag:s6] =	ssyncset.done @!p1 $0x0  }
0x3d: {  	[sflag:s6] =	ssyncadd.s32 @!p1 $0xFFFFFF80;
	s6 =	sor.u32 @!p0 $0x1C04, s7;
	s7 =	rddreg [dreg:$0x1f]  }
0x3e: {  	s8 =	simm.s32 @!p0 $0x4;
	s7 =	sshrl.u32 @!p0 s7, $0x3  }
0x3f: {  	[spmem:s7], [sflag:s6] =	dma.local @!p0 [hbm:s5], $0x7D00  }
0x40: {  	_ =	swait.ge @!p0 [sflag:s8], $0x7D00  }
0x41: {  	[sflag:s8] =	ssyncset.done @!p0 $0x0  }
0x42: {  	[sflag:s8] =	ssyncadd.s32 @!p0 $0xFFFF8300  }
0x43: {  	s8 =	simm.s32 $0x0;
	[bflag:$0x0] =	sbarrier.arrive $0xFFFF  }
0x44: {  	[tilespmem:s18], [sflag:$0x1] =	stream.indirect.gather [hbm4b:s1+s17], $0x80, s3, s17, $0xb8;
	[tilespmem:$0x1F040] =	vst v63  }
.LBB2_2:
0x45: {  	s9 =	rddreg [dreg:$0x7]  }
0x46: {  	s10 =	rddreg [dreg:$0x6];
	s9 =	sadd.s32 s8, s9  }
0x47: {  	[tilespmem:s19], [sflag:$0x3] =	stream.linear.gather [hbm4b:s9+s3], $0x400, $0x38;
	[tilespmem:$0x1F040] =	vst v63  }
0x48: {  	s12 =	sadd.s32 s8, s10  }
0x49: {  	[tilespmem:s20], [sflag:$0x3] =	stream.linear.gather [hbm4b:s12+s3], $0x400, $0x38;
	[tilespmem:$0x1F040] =	vst v63  }
0x4a: {  	_ = 	snop  }
0x4b: {  	[tilespmem:s21], [sflag:$0x2] =	stream.indirect.gather [hbm4b:s1+s17], $0x80, s17, s17, $0xb8;
	[tilespmem:$0x1F040] =	vst v63  }
0x4c: {  	v1 =	vld [tilespmem:$0x800];
	_ =	sdelay $0x7  }
0x4d: {  	[tilespmem:v1+s15+$0x0] =	vst.idx.add.f32.msk $0xffff, v0  }
0x4e: {  	v1 =	vld [tilespmem:$0x810];
	_ =	sdelay $0x7  }
0x4f: {  	[tilespmem:v1+s15+$0x0] =	vst.idx.add.f32.msk $0xffff, v0  }
0x50: {  	v1 =	vld [tilespmem:$0x820];
	_ =	sdelay $0x7  }
0x51: {  	[tilespmem:v1+s15+$0x0] =	vst.idx.add.f32.msk $0xffff, v0  }
0x52: {  	v1 =	vld [tilespmem:$0x830];
	_ =	sdelay $0x7  }
0x53: {  	[tilespmem:v1+s15+$0x0] =	vst.idx.add.f32.msk $0xffff, v0  }
0x54: {  	v1 =	vld [tilespmem:$0x840];
	_ =	sdelay $0x7  }
0x55: {  	[tilespmem:v1+s15+$0x0] =	vst.idx.add.f32.msk $0xffff, v0  }
0x56: {  	v1 =	vld [tilespmem:$0x850];
	_ =	sdelay $0x7  }
0x57: {  	[tilespmem:v1+s15+$0x0] =	vst.idx.add.f32.msk $0xffff, v0  }
0x58: {  	v1 =	vld [tilespmem:$0x860];
	_ =	sdelay $0x7  }
0x59: {  	[tilespmem:v1+s15+$0x0] =	vst.idx.add.f32.msk $0xffff, v0  }
0x5a: {  	v1 =	vld [tilespmem:$0x870];
	_ =	sdelay $0x7  }
0x5b: {  	[tilespmem:v1+s15+$0x0] =	vst.idx.add.f32.msk $0xffff, v0  }
0x5c: {  	_ =	swait.ge [sflag:s22], $0x4000  }
0x5d: {  	[sflag:s22] =	ssyncset.done $0x0  }
0x5e: {  	[sflag:s22] =	ssyncadd.s32 $0xFFFFC000  }
0x5f: {  	[spmem:s2] =	stream.indirect.scatter.add.f32 [tilespmem:s18], [sflag:$0x4], $0x80, s14, s17, $0xb8;
	[tilespmem:$0x1F040] =	vst v63  }
0x60: {  	_ =	swait.ge [sflag:s13], $0x4000  }
0x61: {  	[sflag:s13] =	ssyncset.done $0x0  }
0x62: {  	s10 =	rddreg [dreg:$0x8];
	[sflag:s13] =	ssyncadd.s32 $0xFFFFC000  }
0x63: {  	[tilespmem:s18], [sflag:$0x1] =	stream.indirect.gather [hbm4b:s1+s17], $0x80, s10, s17, $0xb8;
	[tilespmem:$0x1F040] =	vst v63  }
0x64: {  	v1 =	vld [tilespmem:$0x880];
	_ =	sdelay $0x7  }
0x65: {  	[tilespmem:v1+s15+$0x0] =	vst.idx.add.f32.msk $0xffff, v0  }
0x66: {  	v1 =	vld [tilespmem:$0x890];
	_ =	sdelay $0x7  }
0x67: {  	[tilespmem:v1+s15+$0x0] =	vst.idx.add.f32.msk $0xffff, v0  }
0x68: {  	v1 =	vld [tilespmem:$0x8A0];
	_ =	sdelay $0x7  }
0x69: {  	[tilespmem:v1+s15+$0x0] =	vst.idx.add.f32.msk $0xffff, v0  }
0x6a: {  	v1 =	vld [tilespmem:$0x8B0];
	_ =	sdelay $0x7  }
0x6b: {  	[tilespmem:v1+s15+$0x0] =	vst.idx.add.f32.msk $0xffff, v0  }
0x6c: {  	v1 =	vld [tilespmem:$0x8C0];
	_ =	sdelay $0x7  }
0x6d: {  	[tilespmem:v1+s15+$0x0] =	vst.idx.add.f32.msk $0xffff, v0  }
0x6e: {  	v1 =	vld [tilespmem:$0x8D0];
	_ =	sdelay $0x7  }
0x6f: {  	[tilespmem:v1+s15+$0x0] =	vst.idx.add.f32.msk $0xffff, v0  }
0x70: {  	v1 =	vld [tilespmem:$0x8E0];
	_ =	sdelay $0x7  }
0x71: {  	[tilespmem:v1+s15+$0x0] =	vst.idx.add.f32.msk $0xffff, v0  }
0x72: {  	v1 =	vld [tilespmem:$0x8F0];
	_ =	sdelay $0x7  }
0x73: {  	[tilespmem:v1+s15+$0x0] =	vst.idx.add.f32.msk $0xffff, v0  }
0x74: {  	_ =	swait.ge [sflag:s23], $0x4000  }
0x75: {  	[sflag:s23] =	ssyncset.done $0x0  }
0x76: {  	s11 =	rddreg [dreg:$0x9];
	[sflag:s23] =	ssyncadd.s32 $0xFFFFC000  }
0x77: {  	[spmem:s2] =	stream.indirect.scatter.add.f32 [tilespmem:s21], [sflag:$0x4], $0x80, s11, s17, $0xb8;
	[tilespmem:$0x1F040] =	vst v63  }
0x78: {  	_ =	swait.ge [sflag:s13], $0x4000  }
0x79: {  	[sflag:s13] =	ssyncset.done $0x0  }
0x7a: {  	s12 =	rddreg [dreg:$0xa];
	[sflag:s13] =	ssyncadd.s32 $0xFFFFC000  }
0x7b: {  	[tilespmem:s21], [sflag:$0x2] =	stream.indirect.gather [hbm4b:s1+s17], $0x80, s12, s17, $0xb8;
	[tilespmem:$0x1F040] =	vst v63  }
0x7c: {  	v1 =	vld [tilespmem:$0x900];
	_ =	sdelay $0x7  }
0x7d: {  	[tilespmem:v1+s15+$0x0] =	vst.idx.add.f32.msk $0xffff, v0  }
0x7e: {  	v1 =	vld [tilespmem:$0x910];
	_ =	sdelay $0x7  }
0x7f: {  	[tilespmem:v1+s15+$0x0] =	vst.idx.add.f32.msk $0xffff, v0  }
0x80: {  	v1 =	vld [tilespmem:$0x920];
	_ =	sdelay $0x7  }
0x81: {  	[tilespmem:v1+s15+$0x0] =	vst.idx.add.f32.msk $0xffff, v0  }
0x82: {  	v1 =	vld [tilespmem:$0x930];
	_ =	sdelay $0x7  }
0x83: {  	[tilespmem:v1+s15+$0x0] =	vst.idx.add.f32.msk $0xffff, v0  }
0x84: {  	v1 =	vld [tilespmem:$0x940];
	_ =	sdelay $0x7  }
0x85: {  	[tilespmem:v1+s15+$0x0] =	vst.idx.add.f32.msk $0xffff, v0  }
0x86: {  	v1 =	vld [tilespmem:$0x950];
	_ =	sdelay $0x7  }
0x87: {  	[tilespmem:v1+s15+$0x0] =	vst.idx.add.f32.msk $0xffff, v0  }
0x88: {  	v1 =	vld [tilespmem:$0x960];
	_ =	sdelay $0x7  }
0x89: {  	[tilespmem:v1+s15+$0x0] =	vst.idx.add.f32.msk $0xffff, v0  }
0x8a: {  	v1 =	vld [tilespmem:$0x970];
	_ =	sdelay $0x7  }
0x8b: {  	[tilespmem:v1+s15+$0x0] =	vst.idx.add.f32.msk $0xffff, v0  }
0x8c: {  	_ =	swait.ge [sflag:s22], $0x4000  }
0x8d: {  	[sflag:s22] =	ssyncset.done $0x0  }
0x8e: {  	s10 =	rddreg [dreg:$0xb];
	[sflag:s22] =	ssyncadd.s32 $0xFFFFC000  }
0x8f: {  	[spmem:s2] =	stream.indirect.scatter.add.f32 [tilespmem:s18], [sflag:$0x4], $0x80, s10, s17, $0xb8;
	[tilespmem:$0x1F040] =	vst v63  }
0x90: {  	_ =	swait.ge [sflag:s13], $0x4000  }
0x91: {  	[sflag:s13] =	ssyncset.done $0x0  }
0x92: {  	s11 =	rddreg [dreg:$0xc];
	[sflag:s13] =	ssyncadd.s32 $0xFFFFC000  }
0x93: {  	[tilespmem:s18], [sflag:$0x1] =	stream.indirect.gather [hbm4b:s1+s17], $0x80, s11, s17, $0xb8;
	[tilespmem:$0x1F040] =	vst v63  }
0x94: {  	v1 =	vld [tilespmem:$0x980];
	_ =	sdelay $0x7  }
0x95: {  	[tilespmem:v1+s15+$0x0] =	vst.idx.add.f32.msk $0xffff, v0  }
0x96: {  	v1 =	vld [tilespmem:$0x990];
	_ =	sdelay $0x7  }
0x97: {  	[tilespmem:v1+s15+$0x0] =	vst.idx.add.f32.msk $0xffff, v0  }
0x98: {  	v1 =	vld [tilespmem:$0x9A0];
	_ =	sdelay $0x7  }
0x99: {  	[tilespmem:v1+s15+$0x0] =	vst.idx.add.f32.msk $0xffff, v0  }
0x9a: {  	v1 =	vld [tilespmem:$0x9B0];
	_ =	sdelay $0x7  }
0x9b: {  	[tilespmem:v1+s15+$0x0] =	vst.idx.add.f32.msk $0xffff, v0  }
0x9c: {  	v1 =	vld [tilespmem:$0x9C0];
	_ =	sdelay $0x7  }
0x9d: {  	[tilespmem:v1+s15+$0x0] =	vst.idx.add.f32.msk $0xffff, v0  }
0x9e: {  	v1 =	vld [tilespmem:$0x9D0];
	_ =	sdelay $0x7  }
0x9f: {  	[tilespmem:v1+s15+$0x0] =	vst.idx.add.f32.msk $0xffff, v0  }
0xa0: {  	v1 =	vld [tilespmem:$0x9E0];
	_ =	sdelay $0x7  }
0xa1: {  	[tilespmem:v1+s15+$0x0] =	vst.idx.add.f32.msk $0xffff, v0  }
0xa2: {  	v1 =	vld [tilespmem:$0x9F0];
	_ =	sdelay $0x7  }
0xa3: {  	[tilespmem:v1+s15+$0x0] =	vst.idx.add.f32.msk $0xffff, v0  }
0xa4: {  	_ =	swait.ge [sflag:s23], $0x4000  }
0xa5: {  	[sflag:s23] =	ssyncset.done $0x0  }
0xa6: {  	s12 =	rddreg [dreg:$0xd];
	[sflag:s23] =	ssyncadd.s32 $0xFFFFC000  }
0xa7: {  	[spmem:s2] =	stream.indirect.scatter.add.f32 [tilespmem:s21], [sflag:$0x4], $0x80, s12, s17, $0xb8;
	[tilespmem:$0x1F040] =	vst v63  }
0xa8: {  	_ =	swait.ge [sflag:s13], $0x4000  }
0xa9: {  	[sflag:s13] =	ssyncset.done $0x0  }
0xaa: {  	s10 =	rddreg [dreg:$0xe];
	[sflag:s13] =	ssyncadd.s32 $0xFFFFC000  }
0xab: {  	[tilespmem:s21], [sflag:$0x2] =	stream.indirect.gather [hbm4b:s1+s17], $0x80, s10, s17, $0xb8;
	[tilespmem:$0x1F040] =	vst v63  }
0xac: {  	v1 =	vld [tilespmem:$0xA00];
	_ =	sdelay $0x7  }
0xad: {  	[tilespmem:v1+s15+$0x0] =	vst.idx.add.f32.msk $0xffff, v0  }
0xae: {  	v1 =	vld [tilespmem:$0xA10];
	_ =	sdelay $0x7  }
0xaf: {  	[tilespmem:v1+s15+$0x0] =	vst.idx.add.f32.msk $0xffff, v0  }
0xb0: {  	v1 =	vld [tilespmem:$0xA20];
	_ =	sdelay $0x7  }
0xb1: {  	[tilespmem:v1+s15+$0x0] =	vst.idx.add.f32.msk $0xffff, v0  }
0xb2: {  	v1 =	vld [tilespmem:$0xA30];
	_ =	sdelay $0x7  }
0xb3: {  	[tilespmem:v1+s15+$0x0] =	vst.idx.add.f32.msk $0xffff, v0  }
0xb4: {  	v1 =	vld [tilespmem:$0xA40];
	_ =	sdelay $0x7  }
0xb5: {  	[tilespmem:v1+s15+$0x0] =	vst.idx.add.f32.msk $0xffff, v0  }
0xb6: {  	v1 =	vld [tilespmem:$0xA50];
	_ =	sdelay $0x7  }
0xb7: {  	[tilespmem:v1+s15+$0x0] =	vst.idx.add.f32.msk $0xffff, v0  }
0xb8: {  	v1 =	vld [tilespmem:$0xA60];
	_ =	sdelay $0x7  }
0xb9: {  	[tilespmem:v1+s15+$0x0] =	vst.idx.add.f32.msk $0xffff, v0  }
0xba: {  	v1 =	vld [tilespmem:$0xA70];
	_ =	sdelay $0x7  }
0xbb: {  	[tilespmem:v1+s15+$0x0] =	vst.idx.add.f32.msk $0xffff, v0  }
0xbc: {  	_ =	swait.ge [sflag:s22], $0x4000  }
0xbd: {  	[sflag:s22] =	ssyncset.done $0x0  }
0xbe: {  	s11 =	rddreg [dreg:$0xf];
	[sflag:s22] =	ssyncadd.s32 $0xFFFFC000  }
0xbf: {  	[spmem:s2] =	stream.indirect.scatter.add.f32 [tilespmem:s18], [sflag:$0x4], $0x80, s11, s17, $0xb8;
	[tilespmem:$0x1F040] =	vst v63  }
0xc0: {  	_ =	swait.ge [sflag:s13], $0x4000  }
0xc1: {  	[sflag:s13] =	ssyncset.done $0x0  }
0xc2: {  	s12 =	rddreg [dreg:$0x10];
	[sflag:s13] =	ssyncadd.s32 $0xFFFFC000  }
0xc3: {  	[tilespmem:s18], [sflag:$0x1] =	stream.indirect.gather [hbm4b:s1+s17], $0x80, s12, s17, $0xb8;
	[tilespmem:$0x1F040] =	vst v63  }
0xc4: {  	v1 =	vld [tilespmem:$0xA80];
	_ =	sdelay $0x7  }
0xc5: {  	[tilespmem:v1+s15+$0x0] =	vst.idx.add.f32.msk $0xffff, v0  }
0xc6: {  	v1 =	vld [tilespmem:$0xA90];
	_ =	sdelay $0x7  }
0xc7: {  	[tilespmem:v1+s15+$0x0] =	vst.idx.add.f32.msk $0xffff, v0  }
0xc8: {  	v1 =	vld [tilespmem:$0xAA0];
	_ =	sdelay $0x7  }
0xc9: {  	[tilespmem:v1+s15+$0x0] =	vst.idx.add.f32.msk $0xffff, v0  }
0xca: {  	v1 =	vld [tilespmem:$0xAB0];
	_ =	sdelay $0x7  }
0xcb: {  	[tilespmem:v1+s15+$0x0] =	vst.idx.add.f32.msk $0xffff, v0  }
0xcc: {  	v1 =	vld [tilespmem:$0xAC0];
	_ =	sdelay $0x7  }
0xcd: {  	[tilespmem:v1+s15+$0x0] =	vst.idx.add.f32.msk $0xffff, v0  }
0xce: {  	v1 =	vld [tilespmem:$0xAD0];
	_ =	sdelay $0x7  }
0xcf: {  	[tilespmem:v1+s15+$0x0] =	vst.idx.add.f32.msk $0xffff, v0  }
0xd0: {  	v1 =	vld [tilespmem:$0xAE0];
	_ =	sdelay $0x7  }
0xd1: {  	[tilespmem:v1+s15+$0x0] =	vst.idx.add.f32.msk $0xffff, v0  }
0xd2: {  	v1 =	vld [tilespmem:$0xAF0];
	_ =	sdelay $0x7  }
0xd3: {  	[tilespmem:v1+s15+$0x0] =	vst.idx.add.f32.msk $0xffff, v0  }
0xd4: {  	_ =	swait.ge [sflag:s23], $0x4000  }
0xd5: {  	[sflag:s23] =	ssyncset.done $0x0  }
0xd6: {  	s10 =	rddreg [dreg:$0x11];
	[sflag:s23] =	ssyncadd.s32 $0xFFFFC000  }
0xd7: {  	[spmem:s2] =	stream.indirect.scatter.add.f32 [tilespmem:s21], [sflag:$0x4], $0x80, s10, s17, $0xb8;
	[tilespmem:$0x1F040] =	vst v63  }
0xd8: {  	_ =	swait.ge [sflag:s13], $0x4000  }
0xd9: {  	[sflag:s13] =	ssyncset.done $0x0  }
0xda: {  	s11 =	rddreg [dreg:$0x12];
	[sflag:s13] =	ssyncadd.s32 $0xFFFFC000  }
0xdb: {  	[tilespmem:s21], [sflag:$0x2] =	stream.indirect.gather [hbm4b:s1+s17], $0x80, s11, s17, $0xb8;
	[tilespmem:$0x1F040] =	vst v63  }
0xdc: {  	v1 =	vld [tilespmem:$0xB00];
	_ =	sdelay $0x7  }
0xdd: {  	[tilespmem:v1+s15+$0x0] =	vst.idx.add.f32.msk $0xffff, v0  }
0xde: {  	v1 =	vld [tilespmem:$0xB10];
	_ =	sdelay $0x7  }
0xdf: {  	[tilespmem:v1+s15+$0x0] =	vst.idx.add.f32.msk $0xffff, v0  }
0xe0: {  	v1 =	vld [tilespmem:$0xB20];
	_ =	sdelay $0x7  }
0xe1: {  	[tilespmem:v1+s15+$0x0] =	vst.idx.add.f32.msk $0xffff, v0  }
0xe2: {  	v1 =	vld [tilespmem:$0xB30];
	_ =	sdelay $0x7  }
0xe3: {  	[tilespmem:v1+s15+$0x0] =	vst.idx.add.f32.msk $0xffff, v0  }
0xe4: {  	v1 =	vld [tilespmem:$0xB40];
	_ =	sdelay $0x7  }
0xe5: {  	[tilespmem:v1+s15+$0x0] =	vst.idx.add.f32.msk $0xffff, v0  }
0xe6: {  	v1 =	vld [tilespmem:$0xB50];
	_ =	sdelay $0x7  }
0xe7: {  	[tilespmem:v1+s15+$0x0] =	vst.idx.add.f32.msk $0xffff, v0  }
0xe8: {  	v1 =	vld [tilespmem:$0xB60];
	_ =	sdelay $0x7  }
0xe9: {  	[tilespmem:v1+s15+$0x0] =	vst.idx.add.f32.msk $0xffff, v0  }
0xea: {  	v1 =	vld [tilespmem:$0xB70];
	_ =	sdelay $0x7  }
0xeb: {  	[tilespmem:v1+s15+$0x0] =	vst.idx.add.f32.msk $0xffff, v0  }
0xec: {  	_ =	swait.ge [sflag:s22], $0x4000  }
0xed: {  	[sflag:s22] =	ssyncset.done $0x0  }
0xee: {  	s12 =	rddreg [dreg:$0x13];
	[sflag:s22] =	ssyncadd.s32 $0xFFFFC000  }
0xef: {  	[spmem:s2] =	stream.indirect.scatter.add.f32 [tilespmem:s18], [sflag:$0x4], $0x80, s12, s17, $0xb8;
	[tilespmem:$0x1F040] =	vst v63  }
0xf0: {  	_ =	swait.ge [sflag:s13], $0x4000  }
0xf1: {  	[sflag:s13] =	ssyncset.done $0x0  }
0xf2: {  	[sflag:s13] =	ssyncadd.s32 $0xFFFFC000  }
0xf3: {  	_ =	swait.ge [sflag:s24], $0x400  }
0xf4: {  	[sflag:s24] =	ssyncset.done $0x0  }
0xf5: {  	[sflag:s24] =	ssyncadd.s32 $0xFFFFFC00  }
0xf6: {  	_ =	swait.ge [sflag:s24], $0x400  }
0xf7: {  	[sflag:s24] =	ssyncset.done $0x0  }
0xf8: {  	[sflag:s24] =	ssyncadd.s32 $0xFFFFFC00  }
0xf9: {  	[tilespmem:s18], [sflag:$0x1] =	stream.indirect.gather [hbm4b:s1+s17], $0x80, s19, s17, $0xb8;
	[tilespmem:$0x1F040] =	vst v63  }
0xfa: {  	v1 =	vld [tilespmem:$0xB80];
	_ =	sdelay $0x7  }
0xfb: {  	[tilespmem:v1+s15+$0x0] =	vst.idx.add.f32.msk $0xffff, v0  }
0xfc: {  	v1 =	vld [tilespmem:$0xB90];
	_ =	sdelay $0x7  }
0xfd: {  	[tilespmem:v1+s15+$0x0] =	vst.idx.add.f32.msk $0xffff, v0  }
0xfe: {  	v1 =	vld [tilespmem:$0xBA0];
	_ =	sdelay $0x7  }
0xff: {  	[tilespmem:v1+s15+$0x0] =	vst.idx.add.f32.msk $0xffff, v0  }
0x100: {  	v1 =	vld [tilespmem:$0xBB0];
	_ =	sdelay $0x7  }
0x101: {  	[tilespmem:v1+s15+$0x0] =	vst.idx.add.f32.msk $0xffff, v0  }
0x102: {  	v1 =	vld [tilespmem:$0xBC0];
	_ =	sdelay $0x7  }
0x103: {  	[tilespmem:v1+s15+$0x0] =	vst.idx.add.f32.msk $0xffff, v0  }
0x104: {  	v1 =	vld [tilespmem:$0xBD0];
	_ =	sdelay $0x7  }
0x105: {  	[tilespmem:v1+s15+$0x0] =	vst.idx.add.f32.msk $0xffff, v0  }
0x106: {  	v1 =	vld [tilespmem:$0xBE0];
	_ =	sdelay $0x7  }
0x107: {  	[tilespmem:v1+s15+$0x0] =	vst.idx.add.f32.msk $0xffff, v0  }
0x108: {  	v1 =	vld [tilespmem:$0xBF0];
	_ =	sdelay $0x7  }
0x109: {  	[tilespmem:v1+s15+$0x0] =	vst.idx.add.f32.msk $0xffff, v0  }
0x10a: {  	_ =	swait.ge [sflag:s23], $0x4000  }
0x10b: {  	[sflag:s23] =	ssyncset.done $0x0  }
0x10c: {  	s10 =	rddreg [dreg:$0x14];
	[sflag:s23] =	ssyncadd.s32 $0xFFFFC000  }
0x10d: {  	[spmem:s2] =	stream.indirect.scatter.add.f32 [tilespmem:s21], [sflag:$0x4], $0x80, s10, s17, $0xb8;
	[tilespmem:$0x1F040] =	vst v63  }
0x10e: {  	_ =	swait.ge [sflag:s13], $0x4000  }
0x10f: {  	s9 =	rddreg [dreg:$0x5]  }
0x110: {  	p2 =	seq.s32 s8, $0x900;
	[sflag:s13] =	ssyncset.done $0x0;
	s10 =	rddreg [dreg:$0x4]  }
0x111: {  	[sflag:s13] =	ssyncadd.s32 $0xFFFFC000;
	s11 =	sadd.s32 @!p2 s8, s9;
	s9 =	simm.s32 @!p2 $0x0  }
0x112: {  	[tilespmem:s9], [sflag:$0x3] =	stream.linear.gather @!p2 [hbm4b:s11+s9], $0x400, $0x38;
	[tilespmem:$0x1F040] =	vst v63  }
0x113: {  	s10 =	sadd.s32 @!p2 s8, s10;
	s11 =	simm.s32 @!p2 $0x800  }
0x114: {  	[tilespmem:s11], [sflag:$0x3] =	stream.linear.gather @!p2 [hbm4b:s10+s9], $0x400, $0x38;
	[tilespmem:$0x1F040] =	vst v63  }
0x115: {  	s12 =	rddreg [dreg:$0x15]  }
0x116: {  	[tilespmem:s21], [sflag:$0x2] =	stream.indirect.gather [hbm4b:s1+s17], $0x80, s12, s17, $0xb8;
	[tilespmem:$0x1F040] =	vst v63  }
0x117: {  	v1 =	vld [tilespmem:$0xC00];
	_ =	sdelay $0x7  }
0x118: {  	[tilespmem:v1+s15+$0x0] =	vst.idx.add.f32.msk $0xffff, v0  }
0x119: {  	v1 =	vld [tilespmem:$0xC10];
	_ =	sdelay $0x7  }
0x11a: {  	[tilespmem:v1+s15+$0x0] =	vst.idx.add.f32.msk $0xffff, v0  }
0x11b: {  	v1 =	vld [tilespmem:$0xC20];
	_ =	sdelay $0x7  }
0x11c: {  	[tilespmem:v1+s15+$0x0] =	vst.idx.add.f32.msk $0xffff, v0  }
0x11d: {  	v1 =	vld [tilespmem:$0xC30];
	_ =	sdelay $0x7  }
0x11e: {  	[tilespmem:v1+s15+$0x0] =	vst.idx.add.f32.msk $0xffff, v0  }
0x11f: {  	v1 =	vld [tilespmem:$0xC40];
	_ =	sdelay $0x7  }
0x120: {  	[tilespmem:v1+s15+$0x0] =	vst.idx.add.f32.msk $0xffff, v0  }
0x121: {  	v1 =	vld [tilespmem:$0xC50];
	_ =	sdelay $0x7  }
0x122: {  	[tilespmem:v1+s15+$0x0] =	vst.idx.add.f32.msk $0xffff, v0  }
0x123: {  	v1 =	vld [tilespmem:$0xC60];
	_ =	sdelay $0x7  }
0x124: {  	[tilespmem:v1+s15+$0x0] =	vst.idx.add.f32.msk $0xffff, v0  }
0x125: {  	v1 =	vld [tilespmem:$0xC70];
	_ =	sdelay $0x7  }
0x126: {  	[tilespmem:v1+s15+$0x0] =	vst.idx.add.f32.msk $0xffff, v0  }
0x127: {  	_ =	swait.ge [sflag:s22], $0x4000  }
0x128: {  	[sflag:s22] =	ssyncset.done $0x0  }
0x129: {  	[sflag:s22] =	ssyncadd.s32 $0xFFFFC000  }
0x12a: {  	[spmem:s2] =	stream.indirect.scatter.add.f32 [tilespmem:s18], [sflag:$0x4], $0x80, s20, s17, $0xb8;
	[tilespmem:$0x1F040] =	vst v63  }
0x12b: {  	_ =	swait.ge [sflag:s13], $0x4000  }
0x12c: {  	[sflag:s13] =	ssyncset.done $0x0  }
0x12d: {  	s11 =	rddreg [dreg:$0x16];
	[sflag:s13] =	ssyncadd.s32 $0xFFFFC000  }
0x12e: {  	[tilespmem:s18], [sflag:$0x1] =	stream.indirect.gather [hbm4b:s1+s17], $0x80, s11, s17, $0xb8;
	[tilespmem:$0x1F040] =	vst v63  }
0x12f: {  	v1 =	vld [tilespmem:$0xC80];
	_ =	sdelay $0x7  }
0x130: {  	[tilespmem:v1+s15+$0x0] =	vst.idx.add.f32.msk $0xffff, v0  }
0x131: {  	v1 =	vld [tilespmem:$0xC90];
	_ =	sdelay $0x7  }
0x132: {  	[tilespmem:v1+s15+$0x0] =	vst.idx.add.f32.msk $0xffff, v0  }
0x133: {  	v1 =	vld [tilespmem:$0xCA0];
	_ =	sdelay $0x7  }
0x134: {  	[tilespmem:v1+s15+$0x0] =	vst.idx.add.f32.msk $0xffff, v0  }
0x135: {  	v1 =	vld [tilespmem:$0xCB0];
	_ =	sdelay $0x7  }
0x136: {  	[tilespmem:v1+s15+$0x0] =	vst.idx.add.f32.msk $0xffff, v0  }
0x137: {  	v1 =	vld [tilespmem:$0xCC0];
	_ =	sdelay $0x7  }
0x138: {  	[tilespmem:v1+s15+$0x0] =	vst.idx.add.f32.msk $0xffff, v0  }
0x139: {  	v1 =	vld [tilespmem:$0xCD0];
	_ =	sdelay $0x7  }
0x13a: {  	[tilespmem:v1+s15+$0x0] =	vst.idx.add.f32.msk $0xffff, v0  }
0x13b: {  	v1 =	vld [tilespmem:$0xCE0];
	_ =	sdelay $0x7  }
0x13c: {  	[tilespmem:v1+s15+$0x0] =	vst.idx.add.f32.msk $0xffff, v0  }
0x13d: {  	v1 =	vld [tilespmem:$0xCF0];
	_ =	sdelay $0x7  }
0x13e: {  	[tilespmem:v1+s15+$0x0] =	vst.idx.add.f32.msk $0xffff, v0  }
0x13f: {  	_ =	swait.ge [sflag:s23], $0x4000  }
0x140: {  	[sflag:s23] =	ssyncset.done $0x0  }
0x141: {  	s12 =	rddreg [dreg:$0x17];
	[sflag:s23] =	ssyncadd.s32 $0xFFFFC000  }
0x142: {  	[spmem:s2] =	stream.indirect.scatter.add.f32 [tilespmem:s21], [sflag:$0x4], $0x80, s12, s17, $0xb8;
	[tilespmem:$0x1F040] =	vst v63  }
0x143: {  	_ =	swait.ge [sflag:s13], $0x4000  }
0x144: {  	[sflag:s13] =	ssyncset.done $0x0  }
0x145: {  	s11 =	rddreg [dreg:$0x18];
	[sflag:s13] =	ssyncadd.s32 $0xFFFFC000  }
0x146: {  	[tilespmem:s21], [sflag:$0x2] =	stream.indirect.gather [hbm4b:s1+s17], $0x80, s11, s17, $0xb8;
	[tilespmem:$0x1F040] =	vst v63  }
0x147: {  	v1 =	vld [tilespmem:$0xD00];
	_ =	sdelay $0x7  }
0x148: {  	[tilespmem:v1+s15+$0x0] =	vst.idx.add.f32.msk $0xffff, v0  }
0x149: {  	v1 =	vld [tilespmem:$0xD10];
	_ =	sdelay $0x7  }
0x14a: {  	[tilespmem:v1+s15+$0x0] =	vst.idx.add.f32.msk $0xffff, v0  }
0x14b: {  	v1 =	vld [tilespmem:$0xD20];
	_ =	sdelay $0x7  }
0x14c: {  	[tilespmem:v1+s15+$0x0] =	vst.idx.add.f32.msk $0xffff, v0  }
0x14d: {  	v1 =	vld [tilespmem:$0xD30];
	_ =	sdelay $0x7  }
0x14e: {  	[tilespmem:v1+s15+$0x0] =	vst.idx.add.f32.msk $0xffff, v0  }
0x14f: {  	v1 =	vld [tilespmem:$0xD40];
	_ =	sdelay $0x7  }
0x150: {  	[tilespmem:v1+s15+$0x0] =	vst.idx.add.f32.msk $0xffff, v0  }
0x151: {  	v1 =	vld [tilespmem:$0xD50];
	_ =	sdelay $0x7  }
0x152: {  	[tilespmem:v1+s15+$0x0] =	vst.idx.add.f32.msk $0xffff, v0  }
0x153: {  	v1 =	vld [tilespmem:$0xD60];
	_ =	sdelay $0x7  }
0x154: {  	[tilespmem:v1+s15+$0x0] =	vst.idx.add.f32.msk $0xffff, v0  }
0x155: {  	v1 =	vld [tilespmem:$0xD70];
	_ =	sdelay $0x7  }
0x156: {  	[tilespmem:v1+s15+$0x0] =	vst.idx.add.f32.msk $0xffff, v0  }
0x157: {  	_ =	swait.ge [sflag:s22], $0x4000  }
0x158: {  	[sflag:s22] =	ssyncset.done $0x0  }
0x159: {  	s12 =	rddreg [dreg:$0x19];
	[sflag:s22] =	ssyncadd.s32 $0xFFFFC000  }
0x15a: {  	[spmem:s2] =	stream.indirect.scatter.add.f32 [tilespmem:s18], [sflag:$0x4], $0x80, s12, s17, $0xb8;
	[tilespmem:$0x1F040] =	vst v63  }
0x15b: {  	_ =	swait.ge [sflag:s13], $0x4000  }
0x15c: {  	[sflag:s13] =	ssyncset.done $0x0  }
0x15d: {  	s11 =	rddreg [dreg:$0x1a];
	[sflag:s13] =	ssyncadd.s32 $0xFFFFC000  }
0x15e: {  	[tilespmem:s18], [sflag:$0x1] =	stream.indirect.gather [hbm4b:s1+s17], $0x80, s11, s17, $0xb8;
	[tilespmem:$0x1F040] =	vst v63  }
0x15f: {  	v1 =	vld [tilespmem:$0xD80];
	_ =	sdelay $0x7  }
0x160: {  	[tilespmem:v1+s15+$0x0] =	vst.idx.add.f32.msk $0xffff, v0  }
0x161: {  	v1 =	vld [tilespmem:$0xD90];
	_ =	sdelay $0x7  }
0x162: {  	[tilespmem:v1+s15+$0x0] =	vst.idx.add.f32.msk $0xffff, v0  }
0x163: {  	v1 =	vld [tilespmem:$0xDA0];
	_ =	sdelay $0x7  }
0x164: {  	[tilespmem:v1+s15+$0x0] =	vst.idx.add.f32.msk $0xffff, v0  }
0x165: {  	v1 =	vld [tilespmem:$0xDB0];
	_ =	sdelay $0x7  }
0x166: {  	[tilespmem:v1+s15+$0x0] =	vst.idx.add.f32.msk $0xffff, v0  }
0x167: {  	v1 =	vld [tilespmem:$0xDC0];
	_ =	sdelay $0x7  }
0x168: {  	[tilespmem:v1+s15+$0x0] =	vst.idx.add.f32.msk $0xffff, v0  }
0x169: {  	v1 =	vld [tilespmem:$0xDD0];
	_ =	sdelay $0x7  }
0x16a: {  	[tilespmem:v1+s15+$0x0] =	vst.idx.add.f32.msk $0xffff, v0  }
0x16b: {  	v1 =	vld [tilespmem:$0xDE0];
	_ =	sdelay $0x7  }
0x16c: {  	[tilespmem:v1+s15+$0x0] =	vst.idx.add.f32.msk $0xffff, v0  }
0x16d: {  	v1 =	vld [tilespmem:$0xDF0];
	_ =	sdelay $0x7  }
0x16e: {  	[tilespmem:v1+s15+$0x0] =	vst.idx.add.f32.msk $0xffff, v0  }
0x16f: {  	_ =	swait.ge [sflag:s23], $0x4000  }
0x170: {  	[sflag:s23] =	ssyncset.done $0x0  }
0x171: {  	s12 =	rddreg [dreg:$0x1b];
	[sflag:s23] =	ssyncadd.s32 $0xFFFFC000  }
0x172: {  	[spmem:s2] =	stream.indirect.scatter.add.f32 [tilespmem:s21], [sflag:$0x4], $0x80, s12, s17, $0xb8;
	[tilespmem:$0x1F040] =	vst v63  }
0x173: {  	_ =	swait.ge [sflag:s13], $0x4000  }
0x174: {  	[sflag:s13] =	ssyncset.done $0x0  }
0x175: {  	[sflag:s13] =	ssyncadd.s32 $0xFFFFC000  }
0x176: {  	[tilespmem:s21], [sflag:$0x2] =	stream.indirect.gather [hbm4b:s1+s17], $0x80, s25, s17, $0xb8;
	[tilespmem:$0x1F040] =	vst v63  }
0x177: {  	v1 =	vld [tilespmem:$0xE00];
	_ =	sdelay $0x7  }
0x178: {  	[tilespmem:v1+s15+$0x0] =	vst.idx.add.f32.msk $0xffff, v0  }
0x179: {  	v1 =	vld [tilespmem:$0xE10];
	_ =	sdelay $0x7  }
0x17a: {  	[tilespmem:v1+s15+$0x0] =	vst.idx.add.f32.msk $0xffff, v0  }
0x17b: {  	v1 =	vld [tilespmem:$0xE20];
	_ =	sdelay $0x7  }
0x17c: {  	[tilespmem:v1+s15+$0x0] =	vst.idx.add.f32.msk $0xffff, v0  }
0x17d: {  	v1 =	vld [tilespmem:$0xE30];
	_ =	sdelay $0x7  }
0x17e: {  	[tilespmem:v1+s15+$0x0] =	vst.idx.add.f32.msk $0xffff, v0  }
0x17f: {  	v1 =	vld [tilespmem:$0xE40];
	_ =	sdelay $0x7  }
0x180: {  	[tilespmem:v1+s15+$0x0] =	vst.idx.add.f32.msk $0xffff, v0  }
0x181: {  	v1 =	vld [tilespmem:$0xE50];
	_ =	sdelay $0x7  }
0x182: {  	[tilespmem:v1+s15+$0x0] =	vst.idx.add.f32.msk $0xffff, v0  }
0x183: {  	v1 =	vld [tilespmem:$0xE60];
	_ =	sdelay $0x7  }
0x184: {  	[tilespmem:v1+s15+$0x0] =	vst.idx.add.f32.msk $0xffff, v0  }
0x185: {  	v1 =	vld [tilespmem:$0xE70];
	_ =	sdelay $0x7  }
0x186: {  	[tilespmem:v1+s15+$0x0] =	vst.idx.add.f32.msk $0xffff, v0  }
0x187: {  	_ =	swait.ge [sflag:s22], $0x4000  }
0x188: {  	[sflag:s22] =	ssyncset.done $0x0  }
0x189: {  	[sflag:s22] =	ssyncadd.s32 $0xFFFFC000  }
0x18a: {  	[spmem:s2] =	stream.indirect.scatter.add.f32 [tilespmem:s18], [sflag:$0x4], $0x80, s26, s17, $0xb8;
	[tilespmem:$0x1F040] =	vst v63  }
0x18b: {  	_ =	swait.ge [sflag:s13], $0x4000  }
0x18c: {  	[sflag:s13] =	ssyncset.done $0x0  }
0x18d: {  	[sflag:s13] =	ssyncadd.s32 $0xFFFFC000  }
0x18e: {  	[tilespmem:s18], [sflag:$0x1] =	stream.indirect.gather [hbm4b:s1+s17], $0x80, s28, s17, $0xb8;
	[tilespmem:$0x1F040] =	vst v63  }
0x18f: {  	v1 =	vld [tilespmem:$0xE80];
	_ =	sdelay $0x7  }
0x190: {  	[tilespmem:v1+s15+$0x0] =	vst.idx.add.f32.msk $0xffff, v0  }
0x191: {  	v1 =	vld [tilespmem:$0xE90];
	_ =	sdelay $0x7  }
0x192: {  	[tilespmem:v1+s15+$0x0] =	vst.idx.add.f32.msk $0xffff, v0  }
0x193: {  	v1 =	vld [tilespmem:$0xEA0];
	_ =	sdelay $0x7  }
0x194: {  	[tilespmem:v1+s15+$0x0] =	vst.idx.add.f32.msk $0xffff, v0  }
0x195: {  	v1 =	vld [tilespmem:$0xEB0];
	_ =	sdelay $0x7  }
0x196: {  	[tilespmem:v1+s15+$0x0] =	vst.idx.add.f32.msk $0xffff, v0  }
0x197: {  	v1 =	vld [tilespmem:$0xEC0];
	_ =	sdelay $0x7  }
0x198: {  	[tilespmem:v1+s15+$0x0] =	vst.idx.add.f32.msk $0xffff, v0  }
0x199: {  	v1 =	vld [tilespmem:$0xED0];
	_ =	sdelay $0x7  }
0x19a: {  	[tilespmem:v1+s15+$0x0] =	vst.idx.add.f32.msk $0xffff, v0  }
0x19b: {  	v1 =	vld [tilespmem:$0xEE0];
	_ =	sdelay $0x7  }
0x19c: {  	[tilespmem:v1+s15+$0x0] =	vst.idx.add.f32.msk $0xffff, v0  }
0x19d: {  	v1 =	vld [tilespmem:$0xEF0];
	_ =	sdelay $0x7  }
0x19e: {  	[tilespmem:v1+s15+$0x0] =	vst.idx.add.f32.msk $0xffff, v0  }
0x19f: {  	_ =	swait.ge [sflag:s23], $0x4000  }
0x1a0: {  	[sflag:s23] =	ssyncset.done $0x0  }
0x1a1: {  	[sflag:s23] =	ssyncadd.s32 $0xFFFFC000  }
0x1a2: {  	[spmem:s2] =	stream.indirect.scatter.add.f32 [tilespmem:s21], [sflag:$0x4], $0x80, s29, s17, $0xb8;
	[tilespmem:$0x1F040] =	vst v63  }
0x1a3: {  	_ =	swait.ge [sflag:s13], $0x4000  }
0x1a4: {  	[sflag:s13] =	ssyncset.done $0x0  }
0x1a5: {  	[sflag:s13] =	ssyncadd.s32 $0xFFFFC000  }
0x1a6: {  	[tilespmem:s21], [sflag:$0x2] =	stream.indirect.gather [hbm4b:s1+s17], $0x80, s30, s17, $0xb8;
	[tilespmem:$0x1F040] =	vst v63  }
0x1a7: {  	v1 =	vld [tilespmem:$0xF00];
	_ =	sdelay $0x7  }
0x1a8: {  	[tilespmem:v1+s15+$0x0] =	vst.idx.add.f32.msk $0xffff, v0  }
0x1a9: {  	v1 =	vld [tilespmem:$0xF10];
	_ =	sdelay $0x7  }
0x1aa: {  	[tilespmem:v1+s15+$0x0] =	vst.idx.add.f32.msk $0xffff, v0  }
0x1ab: {  	v1 =	vld [tilespmem:$0xF20];
	_ =	sdelay $0x7  }
0x1ac: {  	[tilespmem:v1+s15+$0x0] =	vst.idx.add.f32.msk $0xffff, v0  }
0x1ad: {  	v1 =	vld [tilespmem:$0xF30];
	_ =	sdelay $0x7  }
0x1ae: {  	[tilespmem:v1+s15+$0x0] =	vst.idx.add.f32.msk $0xffff, v0  }
0x1af: {  	v1 =	vld [tilespmem:$0xF40];
	_ =	sdelay $0x7  }
0x1b0: {  	[tilespmem:v1+s15+$0x0] =	vst.idx.add.f32.msk $0xffff, v0  }
0x1b1: {  	v1 =	vld [tilespmem:$0xF50];
	_ =	sdelay $0x7  }
0x1b2: {  	[tilespmem:v1+s15+$0x0] =	vst.idx.add.f32.msk $0xffff, v0  }
0x1b3: {  	v1 =	vld [tilespmem:$0xF60];
	_ =	sdelay $0x7  }
0x1b4: {  	[tilespmem:v1+s15+$0x0] =	vst.idx.add.f32.msk $0xffff, v0  }
0x1b5: {  	v1 =	vld [tilespmem:$0xF70];
	_ =	sdelay $0x7  }
0x1b6: {  	[tilespmem:v1+s15+$0x0] =	vst.idx.add.f32.msk $0xffff, v0  }
0x1b7: {  	_ =	swait.ge [sflag:s22], $0x4000  }
0x1b8: {  	[sflag:s22] =	ssyncset.done $0x0  }
0x1b9: {  	[sflag:s22] =	ssyncadd.s32 $0xFFFFC000  }
0x1ba: {  	[spmem:s2] =	stream.indirect.scatter.add.f32 [tilespmem:s18], [sflag:$0x4], $0x80, s31, s17, $0xb8;
	[tilespmem:$0x1F040] =	vst v63  }
0x1bb: {  	_ =	swait.ge [sflag:s13], $0x4000  }
0x1bc: {  	[sflag:s13] =	ssyncset.done $0x0  }
0x1bd: {  	s10 =	simm.s32 @!p2 $0x3;
	[sflag:s13] =	ssyncadd.s32 $0xFFFFC000  }
0x1be: {  	_ =	swait.ge @!p2 [sflag:s10], $0x400  }
0x1bf: {  	[sflag:s10] =	ssyncset.done @!p2 $0x0  }
0x1c0: {  	[sflag:s10] =	ssyncadd.s32 @!p2 $0xFFFFFC00  }
0x1c1: {  	_ =	swait.ge @!p2 [sflag:s10], $0x400  }
0x1c2: {  	[sflag:s10] =	ssyncset.done @!p2 $0x0  }
0x1c3: {  	s11 =	simm.s32 @!p2 $0x1000;
	[sflag:s10] =	ssyncadd.s32 @!p2 $0xFFFFFC00;
	s10 =	simm.s32 @!p2 $0x80  }
0x1c4: {  	[tilespmem:s11], [sflag:$0x1] =	stream.indirect.gather @!p2 [hbm4b:s1+s10], $0x80, s9, s10, $0xb8;
	[tilespmem:$0x1F040] =	vst v63  }
0x1c5: {  	v1 =	vld [tilespmem:$0xF80];
	_ =	sdelay $0x7  }
0x1c6: {  	[tilespmem:v1+s15+$0x0] =	vst.idx.add.f32.msk $0xffff, v0  }
0x1c7: {  	v1 =	vld [tilespmem:$0xF90];
	_ =	sdelay $0x7  }
0x1c8: {  	[tilespmem:v1+s15+$0x0] =	vst.idx.add.f32.msk $0xffff, v0  }
0x1c9: {  	v1 =	vld [tilespmem:$0xFA0];
	_ =	sdelay $0x7  }
0x1ca: {  	[tilespmem:v1+s15+$0x0] =	vst.idx.add.f32.msk $0xffff, v0  }
0x1cb: {  	v1 =	vld [tilespmem:$0xFB0];
	_ =	sdelay $0x7  }
0x1cc: {  	[tilespmem:v1+s15+$0x0] =	vst.idx.add.f32.msk $0xffff, v0  }
0x1cd: {  	v1 =	vld [tilespmem:$0xFC0];
	_ =	sdelay $0x7  }
0x1ce: {  	[tilespmem:v1+s15+$0x0] =	vst.idx.add.f32.msk $0xffff, v0  }
0x1cf: {  	v1 =	vld [tilespmem:$0xFD0];
	_ =	sdelay $0x7  }
0x1d0: {  	[tilespmem:v1+s15+$0x0] =	vst.idx.add.f32.msk $0xffff, v0  }
0x1d1: {  	v1 =	vld [tilespmem:$0xFE0];
	_ =	sdelay $0x7  }
0x1d2: {  	[tilespmem:v1+s15+$0x0] =	vst.idx.add.f32.msk $0xffff, v0  }
0x1d3: {  	v1 =	vld [tilespmem:$0xFF0];
	_ =	sdelay $0x7  }
0x1d4: {  	[tilespmem:v1+s15+$0x0] =	vst.idx.add.f32.msk $0xffff, v0  }
0x1d5: {  	s8 =	sadd.s32 $0x100, s8;
	_ =	swait.ge [sflag:s23], $0x4000  }
0x1d6: {  	p2 =	sne.s32 s8, $0xA00;
	[sflag:s23] =	ssyncset.done $0x0  }
.Ltmp0:
0x1d7: {  	[sflag:s23] =	ssyncadd.s32 $0xFFFFC000;
	(pc) =	sbr.rel @p2 .LBB2_2-.Ltmp0, $4  }
0x1d8: {  	[spmem:s2] =	stream.indirect.scatter.add.f32 [tilespmem:s21], [sflag:$0x4], $0x80, s0, s17, $0xb8;
	[tilespmem:$0x1F040] =	vst v63  }
0x1d9: {  	_ =	swait.ge [sflag:s13], $0x4000  }
0x1da: {  	[sflag:s13] =	ssyncset.done $0x0  }
0x1db: {  	[sflag:s13] =	ssyncadd.s32 $0xFFFFC000  }
0x1dc: {  	[bflag:$0x0] =	sbarrier.arrive $0xFFFF  }
0x1dd: {  	s8 =	sld [smem:$0x7FB];
	_ =	sdelay $0x2  }
0x1de: {  	[hbm:s8], [sflag:s6] =	dma.local @!p0 [spmem:s7], $0x7D00  }
0x1df: {  	s6 =	simm.s32 @!p0 $0x4  }
0x1e0: {  	_ =	swait.ge @!p0 [sflag:s6], $0x7D00  }
0x1e1: {  	s11 =	sld [smem:$0x7FC]  }
0x1e2: {  	[sflag:s6] =	ssyncset.done @!p0 $0x0  }
0x1e3: {  	[sflag:s6] =	ssyncadd.s32 @!p0 $0xFFFF8300  }
0x1e4: {  	[hbm4b:s11+s17] =	stream.strided.scatter [tilespmem:s15], [sflag:$0x4], $0x2780, s19, s17, $0x38;
	[tilespmem:$0x1F040] =	vst v63  }
0x1e5: {  	_ =	swait.ge [sflag:s13], $0x2780  }
0x1e6: {  	s12 =	sld [smem:$0x7FD];
	_ =	sdelay $0x1  }
0x1e7: {  	s4 =	sadd.s32 $0x1, s4  }
0x1e8: {  	p2 =	sne.s32 s4, s12  }
.Ltmp1:
0x1e9: {  	_ = 	snop;
	(pc) =	sbr.rel @p2 .LBB2_1-.Ltmp1, $3  }
0x1ea: {  	_ =	sdelay $0x1  }
0x1eb: {  	[sflag:s13] =	ssyncset.done $0x0  }
0x1ec: {  	[sflag:s13] =	ssyncadd.s32 $0xFFFFD880  }
0x1ed: {  	_ =	sfence.sel $0x180000  }
0x1ee: {  	[bflag:$0x0] =	sbarrier.arrive $0xFFFF  }
0x1ef: {  	_ =	strace $0x90000047  }
0x1f0: {  	s0 =	stileid.u32;
	[bflag:$0x2] =	sbarrier.arrive $0xFFFF  }
0x1f1: {  	p0 =	sne.s32 s0, $0x0;
	s0 =	rddreg [dreg:$0x3]  }
0x1f2: {  	s0 =	sadd.s32 @!p0 $0x100000, s0  }
0x1f3: {  	[sflag:s0] =	ssyncadd.tile.s32 @!p0 $0x1;
	_ =	shalt  }
.Lfunc_end2:
_tile_overlayer_lowered:
.L_overlay_start_2:
0x1f4: {  	(tag) =	ssettag $0x2  }
0x1f5: {  	s0 =	rddreg [dreg:$0x0];
	s2 =	stileid.u32  }
0x1f6: {  	s1 =	rddreg [dreg:$0x1];
	p0 =	sne.s32 s2, $0x0  }
0x1f7: {  	s3 =	rddreg [dreg:$0x2];
	[bflag:$0x3] =	sbarrier.arrive $0xFFFF;
	s2 =	simm.s32 @!p0 $0x1C04  }
0x1f8: {  	[timem:s3], [sflag:s2] =	dma.local @!p0 [hbm:s0], s1  }
0x1f9: {  	s0 =	simm.s32 @!p0 $0x4  }
0x1fa: {  	_ =	swait.ge @!p0 [sflag:s0], s1  }
0x1fb: {  	s1 =	ssub.s32 @!p0 $0x0, s1;
	[sflag:s0] =	ssyncset.done @!p0 $0x0  }
0x1fc: {  	[sflag:s0] =	ssyncadd.s32 @!p0 s1  }
0x1fd: {  	[bflag:$0x3] =	sbarrier.arrive $0xFFFF  }
0x1fe: {  	_ =	shalt  }

</sc_bundles>
